<compile_context>
chip_gen: v7x
topology: tpu7x:2x2x1
jax: 0.10.2.dev20260603
libtpu: 0.0.44.dev20260713+nightly
codegen_flags: <defaults>
</compile_context>

<pallas_src>
import jax
import jax.numpy as jnp
from jax import lax
from jax.experimental import pallas as pl
from jax.experimental.pallas import tpu as pltpu
from jax.experimental.pallas import tpu_sc as plsc

VOCAB = 1000000
LSEQ = 200
D = 64
BATCH = 4096

NC = 2
NS = 16
NW = NC * NS

WTILES = BATCH // 128
NBUF = 4


def _sc_body(tok_hbm, xi_hbm, pos_hbm, out_hbm,
             xall, g0, g1, g2, g3, o0, o1, o2, o3, pos_v,
             gsem0, gsem1, gsem2, gsem3, ssem0, ssem1, ssem2, ssem3):
    gbuf = (g0, g1, g2, g3)
    obuf = (o0, o1, o2, o3)
    gsem = (gsem0, gsem1, gsem2, gsem3)
    ssem = (ssem0, ssem1, ssem2, ssem3)

    w = lax.axis_index("s") * NC + lax.axis_index("c")

    pltpu.sync_copy(pos_hbm, pos_v)
    pltpu.sync_copy(xi_hbm.at[:, w], xall)

    def fetch(b, l):
        pltpu.async_copy(tok_hbm.at[xall.at[l]], gbuf[b], gsem[b])

    for b in range(NBUF):
        fetch(b, b)

    iota = lax.iota(jnp.int32, 16)

    @pl.loop(0, LSEQ // NBUF)
    def _grp(t):
        for b in range(NBUF):
            l = t * NBUF + b
            pltpu.make_async_copy(tok_hbm.at[pl.ds(0, 128)], gbuf[b],
                                  gsem[b]).wait()

            @pl.when(t > 0)
            def _():
                pltpu.make_async_copy(
                    obuf[b].at[:, :, pl.ds(0, 128)],
                    out_hbm.at[0, :, 0], ssem[b]).wait()

            pr = l // 2
            pc = (l % 2) * 64

            posv = [pos_v[pr, pl.ds(pc + e * 16, 16)] for e in range(4)]
            gv = iota >> 3
            sv = iota & 7

            for e in range(4):
                gvec = gv + (e * 2)
                pse = posv[e]

                @pl.loop(0, 128, unroll=4)
                def _j(j):
                    val = gbuf[b][j, pl.ds(e * 16, 16)] + pse
                    plsc.store_scatter(
                        obuf[b], [gvec, sv, jnp.full((16,), j, jnp.int32)],
                        val)

            pltpu.async_copy(obuf[b].at[:, :, pl.ds(0, 128)],
                             out_hbm.at[l, :, w], ssem[b])

            @pl.when(l + NBUF < LSEQ)
            def _():
                fetch(b, l + NBUF)

    for b in range(NBUF):
        pltpu.make_async_copy(obuf[b].at[:, :, pl.ds(0, 128)],
                              out_hbm.at[0, :, 0], ssem[b]).wait()


@jax.jit
def _sc_embed(tok, xi3, pos2):
    mesh = plsc.VectorSubcoreMesh(core_axis_name="c", subcore_axis_name="s")
    fn = pl.kernel(
        _sc_body,
        out_type=jax.ShapeDtypeStruct((LSEQ, 8, WTILES, 8, 128), jnp.float32),
        mesh=mesh,
        scratch_types=[
            pltpu.VMEM((LSEQ, 128), jnp.int32),
            pltpu.VMEM((128, D), jnp.float32),
            pltpu.VMEM((128, D), jnp.float32),
            pltpu.VMEM((128, D), jnp.float32),
            pltpu.VMEM((128, D), jnp.float32),
            pltpu.VMEM((8, 8, 129), jnp.float32),
            pltpu.VMEM((8, 8, 129), jnp.float32),
            pltpu.VMEM((8, 8, 129), jnp.float32),
            pltpu.VMEM((8, 8, 129), jnp.float32),
            pltpu.VMEM((100, 128), jnp.float32),
            pltpu.SemaphoreType.DMA,
            pltpu.SemaphoreType.DMA,
            pltpu.SemaphoreType.DMA,
            pltpu.SemaphoreType.DMA,
            pltpu.SemaphoreType.DMA,
            pltpu.SemaphoreType.DMA,
            pltpu.SemaphoreType.DMA,
            pltpu.SemaphoreType.DMA,
        ],
        compiler_params=pltpu.CompilerParams(use_tc_tiling_on_sc=False,
                                             needs_layout_passes=False),
    )
    return fn(tok, xi3, pos2)


def kernel(x, token_table, pos_table):
    xi3 = x.astype(jnp.int32).T.reshape(LSEQ, WTILES, 128)
    pos2 = pos_table.reshape(100, 128)
    out5 = _sc_embed(token_table, xi3, pos2)
    return out5.transpose(2, 4, 0, 1, 3).reshape(BATCH, LSEQ, D)

# --- scband reference (transcript-rebuilt; emitter-appended) ---
"""Pipeline reference for scband-token-and-position-embedding-16810501996677 (READ-ONLY COPY).

The authoritative reference and input builder live on the scoring server;
editing this copy changes nothing except your own understanding.
"""

import jax, jax.numpy as jnp
import numpy as np

VOCAB = 1000000
MAXLEN = 200
EMBED_DIM = 64
BATCH = 4096


def setup_inputs(seed: int = 0) -> dict:
    key = jax.random.key(seed)
    k1, k2, k3 = jax.random.split(key, 3)
    x = jax.random.randint(k1, (BATCH, MAXLEN), 0, VOCAB, dtype=jnp.int64 if jax.config.jax_enable_x64 else jnp.int32)
    token_table = jax.random.normal(k2, (VOCAB, EMBED_DIM), dtype=jnp.float32) * 0.02
    pos_table = jax.random.normal(k3, (MAXLEN, EMBED_DIM), dtype=jnp.float32) * 0.02
    return {"x": x, "token_table": token_table, "pos_table": pos_table}


def reference(x, token_table, pos_table):
    # maxlen = x.shape[-1]; positions = range(maxlen)
    maxlen = x.shape[-1]
    positions = jnp.arange(maxlen)
    pos_emb = jnp.take(pos_table, positions, axis=0)  # [L, D]
    tok_emb = jnp.take(token_table, x, axis=0)        # [B, L, D]
    return tok_emb + pos_emb[None, :, :]

if __name__ == "__main__":
    import jax
    _d = setup_inputs()
    print(jax.jit(kernel)(*tuple(_d.values())))

</pallas_src>

<mosaic_0001>
#map = affine_map<(d0, d1) -> (0, 0)>
#map1 = affine_map<(d0, d1) -> (0, 0, 0)>
#map2 = affine_map<(d0, d1) -> (0, 0, 0, 0, 0)>
module attributes {stable_mosaic.version = 14 : i64} {
  func.func @_sc_body(%arg0: i32, %arg1: i32, %arg2: memref<1000000x64xf32, #tpu.memory_space<hbm>>, %arg3: memref<200x32x128xi32, #tpu.memory_space<hbm>>, %arg4: memref<100x128xf32, #tpu.memory_space<hbm>>, %arg5: memref<200x8x32x8x128xf32, #tpu.memory_space<hbm>>, %arg6: memref<200x128xi32, #tpu.memory_space<vmem>>, %arg7: memref<128x64xf32, #tpu.memory_space<vmem>>, %arg8: memref<128x64xf32, #tpu.memory_space<vmem>>, %arg9: memref<128x64xf32, #tpu.memory_space<vmem>>, %arg10: memref<128x64xf32, #tpu.memory_space<vmem>>, %arg11: memref<8x8x129xf32, #tpu.memory_space<vmem>>, %arg12: memref<8x8x129xf32, #tpu.memory_space<vmem>>, %arg13: memref<8x8x129xf32, #tpu.memory_space<vmem>>, %arg14: memref<8x8x129xf32, #tpu.memory_space<vmem>>, %arg15: memref<100x128xf32, #tpu.memory_space<vmem>>, %arg16: memref<!tpu.dma_semaphore, #tpu.memory_space<semaphore_mem>>, %arg17: memref<!tpu.dma_semaphore, #tpu.memory_space<semaphore_mem>>, %arg18: memref<!tpu.dma_semaphore, #tpu.memory_space<semaphore_mem>>, %arg19: memref<!tpu.dma_semaphore, #tpu.memory_space<semaphore_mem>>, %arg20: memref<!tpu.dma_semaphore, #tpu.memory_space<semaphore_mem>>, %arg21: memref<!tpu.dma_semaphore, #tpu.memory_space<semaphore_mem>>, %arg22: memref<!tpu.dma_semaphore, #tpu.memory_space<semaphore_mem>>, %arg23: memref<!tpu.dma_semaphore, #tpu.memory_space<semaphore_mem>>) attributes {dimension_semantics = [#tpu.dimension_semantics<core_parallel>, #tpu.dimension_semantics<subcore_parallel>], iteration_bounds = array<i64: 2, 16>, scalar_prefetch = 0 : i64, scratch_operands = 18 : i64, tpu.core_type = #tpu.core_type<sc_vector_subcore>, window_params = [{transform_indices = #map}, {transform_indices = #map1}, {transform_indices = #map}, {transform_indices = #map2}]} {
    %mul3A = arith.constant 2 : i32
    %mul3A_0 = arith.muli %arg1, %mul3A : i32
    %add3A = arith.addi %mul3A_0, %arg0 : i32
    "tpu.region"() ({
      %run_scoped3A = tpu.sem_alloc : memref<!tpu.dma_semaphore, #tpu.memory_space<semaphore_mem>>
      tpu.enqueue_dma source(%arg4 : memref<100x128xf32, #tpu.memory_space<hbm>>) target(%arg15 : memref<100x128xf32, #tpu.memory_space<vmem>>) target_semaphore(%run_scoped3A : memref<!tpu.dma_semaphore, #tpu.memory_space<semaphore_mem>>)
      tpu.wait_dma2 semaphore(%run_scoped3A : memref<!tpu.dma_semaphore, #tpu.memory_space<semaphore_mem>>) src(%arg4 : memref<100x128xf32, #tpu.memory_space<hbm>>) dst(%arg15 : memref<100x128xf32, #tpu.memory_space<vmem>>)
      tpu.yield
    }) : () -> ()
    "tpu.region"() ({
      %run_scoped3A = tpu.sem_alloc : memref<!tpu.dma_semaphore, #tpu.memory_space<semaphore_mem>>
      %dma_start3A_111 = arith.constant 0 : i32
      %dma_start3A_112 = arith.constant 0 : i32
      %dma_start3A_113 = tpu.memref_slice %arg3[%dma_start3A_111, %add3A, %dma_start3A_112] : memref<200x32x128xi32, #tpu.memory_space<hbm>> -> memref<200x1x128xi32, #tpu.memory_space<hbm>>
      %dma_start3A_114 = tpu.memref_squeeze %dma_start3A_113 : memref<200x1x128xi32, #tpu.memory_space<hbm>> -> memref<200x128xi32, #tpu.memory_space<hbm>>
      %dma_start3A_115 = arith.constant 0 : i32
      %dma_start3A_116 = arith.constant 0 : i32
      %dma_start3A_117 = tpu.memref_slice %arg3[%dma_start3A_115, %add3A, %dma_start3A_116] : memref<200x32x128xi32, #tpu.memory_space<hbm>> -> memref<200x1x128xi32, #tpu.memory_space<hbm>>
      %dma_start3A_118 = tpu.memref_squeeze %dma_start3A_117 : memref<200x1x128xi32, #tpu.memory_space<hbm>> -> memref<200x128xi32, #tpu.memory_space<hbm>>
      tpu.enqueue_dma source(%dma_start3A_118 : memref<200x128xi32, #tpu.memory_space<hbm>>) target(%arg6 : memref<200x128xi32, #tpu.memory_space<vmem>>) target_semaphore(%run_scoped3A : memref<!tpu.dma_semaphore, #tpu.memory_space<semaphore_mem>>)
      %dma_wait3A_119 = arith.constant 0 : i32
      %dma_wait3A_120 = arith.constant 0 : i32
      %dma_wait3A_121 = tpu.memref_slice %arg3[%dma_wait3A_119, %add3A, %dma_wait3A_120] : memref<200x32x128xi32, #tpu.memory_space<hbm>> -> memref<200x1x128xi32, #tpu.memory_space<hbm>>
      %dma_wait3A_122 = tpu.memref_squeeze %dma_wait3A_121 : memref<200x1x128xi32, #tpu.memory_space<hbm>> -> memref<200x128xi32, #tpu.memory_space<hbm>>
      %dma_wait3A_123 = arith.constant 0 : i32
      %dma_wait3A_124 = arith.constant 0 : i32
      %dma_wait3A_125 = tpu.memref_slice %arg3[%dma_wait3A_123, %add3A, %dma_wait3A_124] : memref<200x32x128xi32, #tpu.memory_space<hbm>> -> memref<200x1x128xi32, #tpu.memory_space<hbm>>
      %dma_wait3A_126 = tpu.memref_squeeze %dma_wait3A_125 : memref<200x1x128xi32, #tpu.memory_space<hbm>> -> memref<200x128xi32, #tpu.memory_space<hbm>>
      tpu.wait_dma2 semaphore(%run_scoped3A : memref<!tpu.dma_semaphore, #tpu.memory_space<semaphore_mem>>) src(%dma_wait3A_126 : memref<200x128xi32, #tpu.memory_space<hbm>>) dst(%arg6 : memref<200x128xi32, #tpu.memory_space<vmem>>)
      tpu.yield
    }) : () -> ()
    %dma_start3A = arith.constant 0 : i32
    %dma_start3A_1 = arith.constant 0 : i32
    %dma_start3A_2 = tpu.memref_slice %arg6[%dma_start3A, %dma_start3A_1] : memref<200x128xi32, #tpu.memory_space<vmem>> -> memref<1x128xi32, #tpu.memory_space<vmem>>
    %dma_start3A_3 = tpu.memref_squeeze %dma_start3A_2 : memref<1x128xi32, #tpu.memory_space<vmem>> -> memref<128xi32, #tpu.memory_space<vmem>>
    %dma_start3A_4 = arith.constant 0 : i32
    %dma_start3A_5 = arith.constant 0 : i32
    %dma_start3A_6 = tpu.memref_slice %arg2[%dma_start3A_4, %dma_start3A_5] : memref<1000000x64xf32, #tpu.memory_space<hbm>> -> memref<1000000x64xf32, #tpu.memory_space<hbm>>
    tpu.enqueue_indirect_dma source(%dma_start3A_6 : memref<1000000x64xf32, #tpu.memory_space<hbm>>) target(%arg7 : memref<128x64xf32, #tpu.memory_space<vmem>>) offsets(%dma_start3A_3 : memref<128xi32, #tpu.memory_space<vmem>>) semaphore(%arg16 : memref<!tpu.dma_semaphore, #tpu.memory_space<semaphore_mem>>)
    %dma_start3A_7 = arith.constant 1 : i32
    %dma_start3A_8 = arith.constant 0 : i32
    %dma_start3A_9 = tpu.memref_slice %arg6[%dma_start3A_7, %dma_start3A_8] : memref<200x128xi32, #tpu.memory_space<vmem>> -> memref<1x128xi32, #tpu.memory_space<vmem>>
    %dma_start3A_10 = tpu.memref_squeeze %dma_start3A_9 : memref<1x128xi32, #tpu.memory_space<vmem>> -> memref<128xi32, #tpu.memory_space<vmem>>
    %dma_start3A_11 = arith.constant 0 : i32
    %dma_start3A_12 = arith.constant 0 : i32
    %dma_start3A_13 = tpu.memref_slice %arg2[%dma_start3A_11, %dma_start3A_12] : memref<1000000x64xf32, #tpu.memory_space<hbm>> -> memref<1000000x64xf32, #tpu.memory_space<hbm>>
    tpu.enqueue_indirect_dma source(%dma_start3A_13 : memref<1000000x64xf32, #tpu.memory_space<hbm>>) target(%arg8 : memref<128x64xf32, #tpu.memory_space<vmem>>) offsets(%dma_start3A_10 : memref<128xi32, #tpu.memory_space<vmem>>) semaphore(%arg17 : memref<!tpu.dma_semaphore, #tpu.memory_space<semaphore_mem>>)
    %dma_start3A_14 = arith.constant 2 : i32
    %dma_start3A_15 = arith.constant 0 : i32
    %dma_start3A_16 = tpu.memref_slice %arg6[%dma_start3A_14, %dma_start3A_15] : memref<200x128xi32, #tpu.memory_space<vmem>> -> memref<1x128xi32, #tpu.memory_space<vmem>>
    %dma_start3A_17 = tpu.memref_squeeze %dma_start3A_16 : memref<1x128xi32, #tpu.memory_space<vmem>> -> memref<128xi32, #tpu.memory_space<vmem>>
    %dma_start3A_18 = arith.constant 0 : i32
    %dma_start3A_19 = arith.constant 0 : i32
    %dma_start3A_20 = tpu.memref_slice %arg2[%dma_start3A_18, %dma_start3A_19] : memref<1000000x64xf32, #tpu.memory_space<hbm>> -> memref<1000000x64xf32, #tpu.memory_space<hbm>>
    tpu.enqueue_indirect_dma source(%dma_start3A_20 : memref<1000000x64xf32, #tpu.memory_space<hbm>>) target(%arg9 : memref<128x64xf32, #tpu.memory_space<vmem>>) offsets(%dma_start3A_17 : memref<128xi32, #tpu.memory_space<vmem>>) semaphore(%arg18 : memref<!tpu.dma_semaphore, #tpu.memory_space<semaphore_mem>>)
    %dma_start3A_21 = arith.constant 3 : i32
    %dma_start3A_22 = arith.constant 0 : i32
    %dma_start3A_23 = tpu.memref_slice %arg6[%dma_start3A_21, %dma_start3A_22] : memref<200x128xi32, #tpu.memory_space<vmem>> -> memref<1x128xi32, #tpu.memory_space<vmem>>
    %dma_start3A_24 = tpu.memref_squeeze %dma_start3A_23 : memref<1x128xi32, #tpu.memory_space<vmem>> -> memref<128xi32, #tpu.memory_space<vmem>>
    %dma_start3A_25 = arith.constant 0 : i32
    %dma_start3A_26 = arith.constant 0 : i32
    %dma_start3A_27 = tpu.memref_slice %arg2[%dma_start3A_25, %dma_start3A_26] : memref<1000000x64xf32, #tpu.memory_space<hbm>> -> memref<1000000x64xf32, #tpu.memory_space<hbm>>
    tpu.enqueue_indirect_dma source(%dma_start3A_27 : memref<1000000x64xf32, #tpu.memory_space<hbm>>) target(%arg10 : memref<128x64xf32, #tpu.memory_space<vmem>>) offsets(%dma_start3A_24 : memref<128xi32, #tpu.memory_space<vmem>>) semaphore(%arg19 : memref<!tpu.dma_semaphore, #tpu.memory_space<semaphore_mem>>)
    %iota3A = tpu.iota {dimensions = array<i32: 0>} : vector<16xi32>
    %scan3A = arith.constant 0 : i32
    %scan3A_28 = arith.constant 50 : i32
    %scan3A_29 = arith.addi %scan3A, %scan3A_28 : i32
    %scan3A_30 = arith.constant 1 : i32
    scf.for %scan3A_111 = %scan3A to %scan3A_29 step %scan3A_30  : i32 {
      %mul3A_112 = arith.constant 1 : i32
      %mul3A_113 = arith.muli %scan3A_111, %mul3A_112 : i32
      %add3A_114 = arith.constant 0 : i32
      %add3A_115 = arith.addi %add3A_114, %mul3A_113 : i32
      %mul3A_116 = arith.constant 4 : i32
      %mul3A_117 = arith.muli %add3A_115, %mul3A_116 : i32
      %add3A_118 = arith.constant 0 : i32
      %add3A_119 = arith.addi %mul3A_117, %add3A_118 : i32
      %dma_wait3A_120 = arith.constant 0 : i32
      %dma_wait3A_121 = arith.constant 0 : i32
      %dma_wait3A_122 = tpu.memref_slice %arg2[%dma_wait3A_120, %dma_wait3A_121] : memref<1000000x64xf32, #tpu.memory_space<hbm>> -> memref<128x64xf32, #tpu.memory_space<hbm>>
      %dma_wait3A_123 = arith.constant 0 : i32
      %dma_wait3A_124 = arith.constant 0 : i32
      %dma_wait3A_125 = tpu.memref_slice %arg2[%dma_wait3A_123, %dma_wait3A_124] : memref<1000000x64xf32, #tpu.memory_space<hbm>> -> memref<128x64xf32, #tpu.memory_space<hbm>>
      tpu.wait_dma2 semaphore(%arg16 : memref<!tpu.dma_semaphore, #tpu.memory_space<semaphore_mem>>) src(%dma_wait3A_125 : memref<128x64xf32, #tpu.memory_space<hbm>>) dst(%arg7 : memref<128x64xf32, #tpu.memory_space<vmem>>)
      %gt3A = arith.constant 0 : i32
      %gt3A_126 = arith.cmpi sgt, %add3A_115, %gt3A : i32
      %convert_element_type3A = arith.extui %gt3A_126 : i1 to i32
      %cond3A = arith.constant 0 : i32
      %cond3A_127 = arith.cmpi ne, %convert_element_type3A, %cond3A : i32
      scf.if %cond3A_127 {
        %dma_wait3A_661 = arith.constant 0 : i32
        %dma_wait3A_662 = arith.constant 0 : i32
        %dma_wait3A_663 = arith.constant 0 : i32
        %dma_wait3A_664 = arith.constant 0 : i32
        %dma_wait3A_665 = arith.constant 0 : i32
        %dma_wait3A_666 = tpu.memref_slice %arg11[%dma_wait3A_663, %dma_wait3A_664, %dma_wait3A_665] : memref<8x8x129xf32, #tpu.memory_space<vmem>> -> memref<8x8x128xf32, #tpu.memory_space<vmem>>
        %dma_wait3A_667 = arith.constant 0 : i32
        %dma_wait3A_668 = arith.constant 0 : i32
        %dma_wait3A_669 = arith.constant 0 : i32
        %dma_wait3A_670 = tpu.memref_slice %arg5[%dma_wait3A_661, %dma_wait3A_667, %dma_wait3A_662, %dma_wait3A_668, %dma_wait3A_669] : memref<200x8x32x8x128xf32, #tpu.memory_space<hbm>> -> memref<1x8x1x8x128xf32, #tpu.memory_space<hbm>>
        %dma_wait3A_671 = tpu.memref_squeeze %dma_wait3A_670 : memref<1x8x1x8x128xf32, #tpu.memory_space<hbm>> -> memref<8x8x128xf32, #tpu.memory_space<hbm>>
        %dma_wait3A_672 = arith.constant 0 : i32
        %dma_wait3A_673 = arith.constant 0 : i32
        %dma_wait3A_674 = arith.constant 0 : i32
        %dma_wait3A_675 = tpu.memref_slice %arg5[%dma_wait3A_661, %dma_wait3A_672, %dma_wait3A_662, %dma_wait3A_673, %dma_wait3A_674] : memref<200x8x32x8x128xf32, #tpu.memory_space<hbm>> -> memref<1x8x1x8x128xf32, #tpu.memory_space<hbm>>
        %dma_wait3A_676 = tpu.memref_squeeze %dma_wait3A_675 : memref<1x8x1x8x128xf32, #tpu.memory_space<hbm>> -> memref<8x8x128xf32, #tpu.memory_space<hbm>>
        %dma_wait3A_677 = arith.constant 0 : i32
        %dma_wait3A_678 = arith.constant 0 : i32
        %dma_wait3A_679 = arith.constant 0 : i32
        %dma_wait3A_680 = tpu.memref_slice %arg11[%dma_wait3A_677, %dma_wait3A_678, %dma_wait3A_679] : memref<8x8x129xf32, #tpu.memory_space<vmem>> -> memref<8x8x128xf32, #tpu.memory_space<vmem>>
        tpu.wait_dma2 semaphore(%arg20 : memref<!tpu.dma_semaphore, #tpu.memory_space<semaphore_mem>>) src(%dma_wait3A_680 : memref<8x8x128xf32, #tpu.memory_space<vmem>>) dst(%dma_wait3A_676 : memref<8x8x128xf32, #tpu.memory_space<hbm>>)
      } else {
      }
      %jit3A = arith.constant 2 : i32
      %div3A = arith.divsi %add3A_119, %jit3A : i32
      %sign3A = arith.constant 0 : i32
      %sign3A_128 = arith.cmpi sgt, %add3A_119, %sign3A : i32
      %sign3A_129 = arith.extui %sign3A_128 : i1 to i32
      %sign3A_130 = arith.constant 0 : i32
      %sign3A_131 = arith.cmpi slt, %add3A_119, %sign3A_130 : i32
      %sign3A_132 = arith.extui %sign3A_131 : i1 to i32
      %sign3A_133 = arith.subi %sign3A_129, %sign3A_132 : i32
      %sign3A_134 = arith.constant 0 : i32
      %sign3A_135 = arith.cmpi sgt, %jit3A, %sign3A_134 : i32
      %sign3A_136 = arith.extui %sign3A_135 : i1 to i32
      %sign3A_137 = arith.constant 0 : i32
      %sign3A_138 = arith.cmpi slt, %jit3A, %sign3A_137 : i32
      %sign3A_139 = arith.extui %sign3A_138 : i1 to i32
      %sign3A_140 = arith.subi %sign3A_136, %sign3A_139 : i32
      %ne3A = arith.cmpi ne, %sign3A_133, %sign3A_140 : i32
      %rem3A = arith.remsi %add3A_119, %jit3A : i32
      %ne3A_141 = arith.constant 0 : i32
      %ne3A_142 = arith.cmpi ne, %rem3A, %ne3A_141 : i32
      %and3A = arith.andi %ne3A, %ne3A_142 : i1
      %sub3A = arith.constant 1 : i32
      %sub3A_143 = arith.subi %div3A, %sub3A : i32
      %select_n3A = arith.select %and3A, %sub3A_143, %div3A : i32
      %jit3A_144 = arith.constant 2 : i32
      %eq3A = arith.constant 0 : i32
      %eq3A_145 = arith.cmpi eq, %jit3A_144, %eq3A : i32
      %jit3A_146 = arith.constant 1 : i32
      %select_n3A_147 = arith.select %eq3A_145, %jit3A_146, %jit3A_144 : i32
      %rem3A_148 = arith.remsi %add3A_119, %select_n3A_147 : i32
      %ne3A_149 = arith.constant 0 : i32
      %ne3A_150 = arith.cmpi ne, %rem3A_148, %ne3A_149 : i32
      %lt3A = arith.constant 0 : i32
      %lt3A_151 = arith.cmpi slt, %rem3A_148, %lt3A : i32
      %lt3A_152 = arith.constant 0 : i32
      %lt3A_153 = arith.cmpi slt, %select_n3A_147, %lt3A_152 : i32
      %ne3A_154 = arith.xori %lt3A_151, %lt3A_153 : i1
      %and3A_155 = arith.andi %ne3A_154, %ne3A_150 : i1
      %add3A_156 = arith.addi %rem3A_148, %select_n3A_147 : i32
      %select_n3A_157 = arith.select %and3A_155, %add3A_156, %rem3A_148 : i32
      %mul3A_158 = arith.constant 64 : i32
      %mul3A_159 = arith.muli %select_n3A_157, %mul3A_158 : i32
      %add3A_160 = arith.constant 0 : i32
      %add3A_161 = arith.addi %mul3A_159, %add3A_160 : i32
      %get3A = arith.index_cast %select_n3A : i32 to index
      %get3A_162 = arith.index_cast %add3A_161 : i32 to index
      %get3A_163 = tpu.vector_load %arg15[%get3A, %get3A_162] {strides = array<i32>} : memref<100x128xf32, #tpu.memory_space<vmem>>, vector<16xf32>,
      %add3A_164 = arith.constant 16 : i32
      %add3A_165 = arith.addi %mul3A_159, %add3A_164 : i32
      %get3A_166 = arith.index_cast %select_n3A : i32 to index
      %get3A_167 = arith.index_cast %add3A_165 : i32 to index
      %get3A_168 = tpu.vector_load %arg15[%get3A_166, %get3A_167] {strides = array<i32>} : memref<100x128xf32, #tpu.memory_space<vmem>>, vector<16xf32>,
      %add3A_169 = arith.constant 32 : i32
      %add3A_170 = arith.addi %mul3A_159, %add3A_169 : i32
      %get3A_171 = arith.index_cast %select_n3A : i32 to index
      %get3A_172 = arith.index_cast %add3A_170 : i32 to index
      %get3A_173 = tpu.vector_load %arg15[%get3A_171, %get3A_172] {strides = array<i32>} : memref<100x128xf32, #tpu.memory_space<vmem>>, vector<16xf32>,
      %add3A_174 = arith.constant 48 : i32
      %add3A_175 = arith.addi %mul3A_159, %add3A_174 : i32
      %get3A_176 = arith.index_cast %select_n3A : i32 to index
      %get3A_177 = arith.index_cast %add3A_175 : i32 to index
      %get3A_178 = tpu.vector_load %arg15[%get3A_176, %get3A_177] {strides = array<i32>} : memref<100x128xf32, #tpu.memory_space<vmem>>, vector<16xf32>,
      %shift_right_arithmetic3A = arith.constant 3 : i32
      %shift_right_arithmetic3A_179 = vector.broadcast %shift_right_arithmetic3A : i32 to vector<16xi32>
      %shift_right_arithmetic3A_180 = arith.shrsi %iota3A, %shift_right_arithmetic3A_179 : vector<16xi32>
      %and3A_181 = arith.constant 7 : i32
      %and3A_182 = vector.broadcast %and3A_181 : i32 to vector<16xi32>
      %and3A_183 = arith.andi %iota3A, %and3A_182 : vector<16xi32>
      %add3A_184 = arith.constant 0 : i32
      %add3A_185 = vector.broadcast %add3A_184 : i32 to vector<16xi32>
      %add3A_186 = arith.addi %shift_right_arithmetic3A_180, %add3A_185 : vector<16xi32>
      %scan3A_187 = arith.constant 0 : i32
      %scan3A_188 = arith.constant 128 : i32
      %scan3A_189 = arith.addi %scan3A_187, %scan3A_188 : i32
      %scan3A_190 = arith.constant 4 : i32
      scf.for %scan3A_661 = %scan3A_187 to %scan3A_189 step %scan3A_190  : i32 {
        %mul3A_662 = arith.constant 1 : i32
        %mul3A_663 = arith.muli %scan3A_661, %mul3A_662 : i32
        %add3A_664 = arith.constant 0 : i32
        %add3A_665 = arith.addi %add3A_664, %mul3A_663 : i32
        %get3A_666 = arith.index_cast %add3A_665 : i32 to index
        %get3A_667 = arith.constant 0 : index
        %get3A_668 = tpu.vector_load %arg7[%get3A_666, %get3A_667] {strides = array<i32>} : memref<128x64xf32, #tpu.memory_space<vmem>>, vector<16xf32>,
        %add3A_669 = arith.addf %get3A_668, %get3A_163 : vector<16xf32>
        %broadcast_in_dim3A = vector.broadcast %add3A_665 : i32 to vector<16xi32>
        tpu.vector_store_idx %arg11[%add3A_186, %and3A_183, %broadcast_in_dim3A], %add3A_669 : memref<8x8x129xf32, #tpu.memory_space<vmem>>[vector<16xi32>, vector<16xi32>, vector<16xi32>], vector<16xf32>,
        %scan3A_670 = arith.constant 1 : i32
        %scan3A_671 = arith.addi %scan3A_661, %scan3A_670 : i32
        %mul3A_672 = arith.constant 1 : i32
        %mul3A_673 = arith.muli %scan3A_671, %mul3A_672 : i32
        %add3A_674 = arith.constant 0 : i32
        %add3A_675 = arith.addi %add3A_674, %mul3A_673 : i32
        %get3A_676 = arith.index_cast %add3A_675 : i32 to index
        %get3A_677 = arith.constant 0 : index
        %get3A_678 = tpu.vector_load %arg7[%get3A_676, %get3A_677] {strides = array<i32>} : memref<128x64xf32, #tpu.memory_space<vmem>>, vector<16xf32>,
        %add3A_679 = arith.addf %get3A_678, %get3A_163 : vector<16xf32>
        %broadcast_in_dim3A_680 = vector.broadcast %add3A_675 : i32 to vector<16xi32>
        tpu.vector_store_idx %arg11[%add3A_186, %and3A_183, %broadcast_in_dim3A_680], %add3A_679 : memref<8x8x129xf32, #tpu.memory_space<vmem>>[vector<16xi32>, vector<16xi32>, vector<16xi32>], vector<16xf32>,
        %scan3A_681 = arith.constant 2 : i32
        %scan3A_682 = arith.addi %scan3A_661, %scan3A_681 : i32
        %mul3A_683 = arith.constant 1 : i32
        %mul3A_684 = arith.muli %scan3A_682, %mul3A_683 : i32
        %add3A_685 = arith.constant 0 : i32
        %add3A_686 = arith.addi %add3A_685, %mul3A_684 : i32
        %get3A_687 = arith.index_cast %add3A_686 : i32 to index
        %get3A_688 = arith.constant 0 : index
        %get3A_689 = tpu.vector_load %arg7[%get3A_687, %get3A_688] {strides = array<i32>} : memref<128x64xf32, #tpu.memory_space<vmem>>, vector<16xf32>,
        %add3A_690 = arith.addf %get3A_689, %get3A_163 : vector<16xf32>
        %broadcast_in_dim3A_691 = vector.broadcast %add3A_686 : i32 to vector<16xi32>
        tpu.vector_store_idx %arg11[%add3A_186, %and3A_183, %broadcast_in_dim3A_691], %add3A_690 : memref<8x8x129xf32, #tpu.memory_space<vmem>>[vector<16xi32>, vector<16xi32>, vector<16xi32>], vector<16xf32>,
        %scan3A_692 = arith.constant 3 : i32
        %scan3A_693 = arith.addi %scan3A_661, %scan3A_692 : i32
        %mul3A_694 = arith.constant 1 : i32
        %mul3A_695 = arith.muli %scan3A_693, %mul3A_694 : i32
        %add3A_696 = arith.constant 0 : i32
        %add3A_697 = arith.addi %add3A_696, %mul3A_695 : i32
        %get3A_698 = arith.index_cast %add3A_697 : i32 to index
        %get3A_699 = arith.constant 0 : index
        %get3A_700 = tpu.vector_load %arg7[%get3A_698, %get3A_699] {strides = array<i32>} : memref<128x64xf32, #tpu.memory_space<vmem>>, vector<16xf32>,
        %add3A_701 = arith.addf %get3A_700, %get3A_163 : vector<16xf32>
        %broadcast_in_dim3A_702 = vector.broadcast %add3A_697 : i32 to vector<16xi32>
        tpu.vector_store_idx %arg11[%add3A_186, %and3A_183, %broadcast_in_dim3A_702], %add3A_701 : memref<8x8x129xf32, #tpu.memory_space<vmem>>[vector<16xi32>, vector<16xi32>, vector<16xi32>], vector<16xf32>,
      }
      %scan3A_191 = arith.constant 128 : i32
      %add3A_192 = arith.constant 2 : i32
      %add3A_193 = vector.broadcast %add3A_192 : i32 to vector<16xi32>
      %add3A_194 = arith.addi %shift_right_arithmetic3A_180, %add3A_193 : vector<16xi32>
      %scan3A_195 = arith.constant 0 : i32
      %scan3A_196 = arith.constant 128 : i32
      %scan3A_197 = arith.addi %scan3A_195, %scan3A_196 : i32
      %scan3A_198 = arith.constant 4 : i32
      scf.for %scan3A_661 = %scan3A_195 to %scan3A_197 step %scan3A_198  : i32 {
        %mul3A_662 = arith.constant 1 : i32
        %mul3A_663 = arith.muli %scan3A_661, %mul3A_662 : i32
        %add3A_664 = arith.constant 0 : i32
        %add3A_665 = arith.addi %add3A_664, %mul3A_663 : i32
        %get3A_666 = arith.index_cast %add3A_665 : i32 to index
        %get3A_667 = arith.constant 16 : index
        %get3A_668 = tpu.vector_load %arg7[%get3A_666, %get3A_667] {strides = array<i32>} : memref<128x64xf32, #tpu.memory_space<vmem>>, vector<16xf32>,
        %add3A_669 = arith.addf %get3A_668, %get3A_168 : vector<16xf32>
        %broadcast_in_dim3A = vector.broadcast %add3A_665 : i32 to vector<16xi32>
        tpu.vector_store_idx %arg11[%add3A_194, %and3A_183, %broadcast_in_dim3A], %add3A_669 : memref<8x8x129xf32, #tpu.memory_space<vmem>>[vector<16xi32>, vector<16xi32>, vector<16xi32>], vector<16xf32>,
        %scan3A_670 = arith.constant 1 : i32
        %scan3A_671 = arith.addi %scan3A_661, %scan3A_670 : i32
        %mul3A_672 = arith.constant 1 : i32
        %mul3A_673 = arith.muli %scan3A_671, %mul3A_672 : i32
        %add3A_674 = arith.constant 0 : i32
        %add3A_675 = arith.addi %add3A_674, %mul3A_673 : i32
        %get3A_676 = arith.index_cast %add3A_675 : i32 to index
        %get3A_677 = arith.constant 16 : index
        %get3A_678 = tpu.vector_load %arg7[%get3A_676, %get3A_677] {strides = array<i32>} : memref<128x64xf32, #tpu.memory_space<vmem>>, vector<16xf32>,
        %add3A_679 = arith.addf %get3A_678, %get3A_168 : vector<16xf32>
        %broadcast_in_dim3A_680 = vector.broadcast %add3A_675 : i32 to vector<16xi32>
        tpu.vector_store_idx %arg11[%add3A_194, %and3A_183, %broadcast_in_dim3A_680], %add3A_679 : memref<8x8x129xf32, #tpu.memory_space<vmem>>[vector<16xi32>, vector<16xi32>, vector<16xi32>], vector<16xf32>,
        %scan3A_681 = arith.constant 2 : i32
        %scan3A_682 = arith.addi %scan3A_661, %scan3A_681 : i32
        %mul3A_683 = arith.constant 1 : i32
        %mul3A_684 = arith.muli %scan3A_682, %mul3A_683 : i32
        %add3A_685 = arith.constant 0 : i32
        %add3A_686 = arith.addi %add3A_685, %mul3A_684 : i32
        %get3A_687 = arith.index_cast %add3A_686 : i32 to index
        %get3A_688 = arith.constant 16 : index
        %get3A_689 = tpu.vector_load %arg7[%get3A_687, %get3A_688] {strides = array<i32>} : memref<128x64xf32, #tpu.memory_space<vmem>>, vector<16xf32>,
        %add3A_690 = arith.addf %get3A_689, %get3A_168 : vector<16xf32>
        %broadcast_in_dim3A_691 = vector.broadcast %add3A_686 : i32 to vector<16xi32>
        tpu.vector_store_idx %arg11[%add3A_194, %and3A_183, %broadcast_in_dim3A_691], %add3A_690 : memref<8x8x129xf32, #tpu.memory_space<vmem>>[vector<16xi32>, vector<16xi32>, vector<16xi32>], vector<16xf32>,
        %scan3A_692 = arith.constant 3 : i32
        %scan3A_693 = arith.addi %scan3A_661, %scan3A_692 : i32
        %mul3A_694 = arith.constant 1 : i32
        %mul3A_695 = arith.muli %scan3A_693, %mul3A_694 : i32
        %add3A_696 = arith.constant 0 : i32
        %add3A_697 = arith.addi %add3A_696, %mul3A_695 : i32
        %get3A_698 = arith.index_cast %add3A_697 : i32 to index
        %get3A_699 = arith.constant 16 : index
        %get3A_700 = tpu.vector_load %arg7[%get3A_698, %get3A_699] {strides = array<i32>} : memref<128x64xf32, #tpu.memory_space<vmem>>, vector<16xf32>,
        %add3A_701 = arith.addf %get3A_700, %get3A_168 : vector<16xf32>
        %broadcast_in_dim3A_702 = vector.broadcast %add3A_697 : i32 to vector<16xi32>
        tpu.vector_store_idx %arg11[%add3A_194, %and3A_183, %broadcast_in_dim3A_702], %add3A_701 : memref<8x8x129xf32, #tpu.memory_space<vmem>>[vector<16xi32>, vector<16xi32>, vector<16xi32>], vector<16xf32>,
      }
      %scan3A_199 = arith.constant 128 : i32
      %add3A_200 = arith.constant 4 : i32
      %add3A_201 = vector.broadcast %add3A_200 : i32 to vector<16xi32>
      %add3A_202 = arith.addi %shift_right_arithmetic3A_180, %add3A_201 : vector<16xi32>
      %scan3A_203 = arith.constant 0 : i32
      %scan3A_204 = arith.constant 128 : i32
      %scan3A_205 = arith.addi %scan3A_203, %scan3A_204 : i32
      %scan3A_206 = arith.constant 4 : i32
      scf.for %scan3A_661 = %scan3A_203 to %scan3A_205 step %scan3A_206  : i32 {
        %mul3A_662 = arith.constant 1 : i32
        %mul3A_663 = arith.muli %scan3A_661, %mul3A_662 : i32
        %add3A_664 = arith.constant 0 : i32
        %add3A_665 = arith.addi %add3A_664, %mul3A_663 : i32
        %get3A_666 = arith.index_cast %add3A_665 : i32 to index
        %get3A_667 = arith.constant 32 : index
        %get3A_668 = tpu.vector_load %arg7[%get3A_666, %get3A_667] {strides = array<i32>} : memref<128x64xf32, #tpu.memory_space<vmem>>, vector<16xf32>,
        %add3A_669 = arith.addf %get3A_668, %get3A_173 : vector<16xf32>
        %broadcast_in_dim3A = vector.broadcast %add3A_665 : i32 to vector<16xi32>
        tpu.vector_store_idx %arg11[%add3A_202, %and3A_183, %broadcast_in_dim3A], %add3A_669 : memref<8x8x129xf32, #tpu.memory_space<vmem>>[vector<16xi32>, vector<16xi32>, vector<16xi32>], vector<16xf32>,
        %scan3A_670 = arith.constant 1 : i32
        %scan3A_671 = arith.addi %scan3A_661, %scan3A_670 : i32
        %mul3A_672 = arith.constant 1 : i32
        %mul3A_673 = arith.muli %scan3A_671, %mul3A_672 : i32
        %add3A_674 = arith.constant 0 : i32
        %add3A_675 = arith.addi %add3A_674, %mul3A_673 : i32
        %get3A_676 = arith.index_cast %add3A_675 : i32 to index
        %get3A_677 = arith.constant 32 : index
        %get3A_678 = tpu.vector_load %arg7[%get3A_676, %get3A_677] {strides = array<i32>} : memref<128x64xf32, #tpu.memory_space<vmem>>, vector<16xf32>,
        %add3A_679 = arith.addf %get3A_678, %get3A_173 : vector<16xf32>
        %broadcast_in_dim3A_680 = vector.broadcast %add3A_675 : i32 to vector<16xi32>
        tpu.vector_store_idx %arg11[%add3A_202, %and3A_183, %broadcast_in_dim3A_680], %add3A_679 : memref<8x8x129xf32, #tpu.memory_space<vmem>>[vector<16xi32>, vector<16xi32>, vector<16xi32>], vector<16xf32>,
        %scan3A_681 = arith.constant 2 : i32
        %scan3A_682 = arith.addi %scan3A_661, %scan3A_681 : i32
        %mul3A_683 = arith.constant 1 : i32
        %mul3A_684 = arith.muli %scan3A_682, %mul3A_683 : i32
        %add3A_685 = arith.constant 0 : i32
        %add3A_686 = arith.addi %add3A_685, %mul3A_684 : i32
        %get3A_687 = arith.index_cast %add3A_686 : i32 to index
        %get3A_688 = arith.constant 32 : index
        %get3A_689 = tpu.vector_load %arg7[%get3A_687, %get3A_688] {strides = array<i32>} : memref<128x64xf32, #tpu.memory_space<vmem>>, vector<16xf32>,
        %add3A_690 = arith.addf %get3A_689, %get3A_173 : vector<16xf32>
        %broadcast_in_dim3A_691 = vector.broadcast %add3A_686 : i32 to vector<16xi32>
        tpu.vector_store_idx %arg11[%add3A_202, %and3A_183, %broadcast_in_dim3A_691], %add3A_690 : memref<8x8x129xf32, #tpu.memory_space<vmem>>[vector<16xi32>, vector<16xi32>, vector<16xi32>], vector<16xf32>,
        %scan3A_692 = arith.constant 3 : i32
        %scan3A_693 = arith.addi %scan3A_661, %scan3A_692 : i32
        %mul3A_694 = arith.constant 1 : i32
        %mul3A_695 = arith.muli %scan3A_693, %mul3A_694 : i32
        %add3A_696 = arith.constant 0 : i32
        %add3A_697 = arith.addi %add3A_696, %mul3A_695 : i32
        %get3A_698 = arith.index_cast %add3A_697 : i32 to index
        %get3A_699 = arith.constant 32 : index
        %get3A_700 = tpu.vector_load %arg7[%get3A_698, %get3A_699] {strides = array<i32>} : memref<128x64xf32, #tpu.memory_space<vmem>>, vector<16xf32>,
        %add3A_701 = arith.addf %get3A_700, %get3A_173 : vector<16xf32>
        %broadcast_in_dim3A_702 = vector.broadcast %add3A_697 : i32 to vector<16xi32>
        tpu.vector_store_idx %arg11[%add3A_202, %and3A_183, %broadcast_in_dim3A_702], %add3A_701 : memref<8x8x129xf32, #tpu.memory_space<vmem>>[vector<16xi32>, vector<16xi32>, vector<16xi32>], vector<16xf32>,
      }
      %scan3A_207 = arith.constant 128 : i32
      %add3A_208 = arith.constant 6 : i32
      %add3A_209 = vector.broadcast %add3A_208 : i32 to vector<16xi32>
      %add3A_210 = arith.addi %shift_right_arithmetic3A_180, %add3A_209 : vector<16xi32>
      %scan3A_211 = arith.constant 0 : i32
      %scan3A_212 = arith.constant 128 : i32
      %scan3A_213 = arith.addi %scan3A_211, %scan3A_212 : i32
      %scan3A_214 = arith.constant 4 : i32
      scf.for %scan3A_661 = %scan3A_211 to %scan3A_213 step %scan3A_214  : i32 {
        %mul3A_662 = arith.constant 1 : i32
        %mul3A_663 = arith.muli %scan3A_661, %mul3A_662 : i32
        %add3A_664 = arith.constant 0 : i32
        %add3A_665 = arith.addi %add3A_664, %mul3A_663 : i32
        %get3A_666 = arith.index_cast %add3A_665 : i32 to index
        %get3A_667 = arith.constant 48 : index
        %get3A_668 = tpu.vector_load %arg7[%get3A_666, %get3A_667] {strides = array<i32>} : memref<128x64xf32, #tpu.memory_space<vmem>>, vector<16xf32>,
        %add3A_669 = arith.addf %get3A_668, %get3A_178 : vector<16xf32>
        %broadcast_in_dim3A = vector.broadcast %add3A_665 : i32 to vector<16xi32>
        tpu.vector_store_idx %arg11[%add3A_210, %and3A_183, %broadcast_in_dim3A], %add3A_669 : memref<8x8x129xf32, #tpu.memory_space<vmem>>[vector<16xi32>, vector<16xi32>, vector<16xi32>], vector<16xf32>,
        %scan3A_670 = arith.constant 1 : i32
        %scan3A_671 = arith.addi %scan3A_661, %scan3A_670 : i32
        %mul3A_672 = arith.constant 1 : i32
        %mul3A_673 = arith.muli %scan3A_671, %mul3A_672 : i32
        %add3A_674 = arith.constant 0 : i32
        %add3A_675 = arith.addi %add3A_674, %mul3A_673 : i32
        %get3A_676 = arith.index_cast %add3A_675 : i32 to index
        %get3A_677 = arith.constant 48 : index
        %get3A_678 = tpu.vector_load %arg7[%get3A_676, %get3A_677] {strides = array<i32>} : memref<128x64xf32, #tpu.memory_space<vmem>>, vector<16xf32>,
        %add3A_679 = arith.addf %get3A_678, %get3A_178 : vector<16xf32>
        %broadcast_in_dim3A_680 = vector.broadcast %add3A_675 : i32 to vector<16xi32>
        tpu.vector_store_idx %arg11[%add3A_210, %and3A_183, %broadcast_in_dim3A_680], %add3A_679 : memref<8x8x129xf32, #tpu.memory_space<vmem>>[vector<16xi32>, vector<16xi32>, vector<16xi32>], vector<16xf32>,
        %scan3A_681 = arith.constant 2 : i32
        %scan3A_682 = arith.addi %scan3A_661, %scan3A_681 : i32
        %mul3A_683 = arith.constant 1 : i32
        %mul3A_684 = arith.muli %scan3A_682, %mul3A_683 : i32
        %add3A_685 = arith.constant 0 : i32
        %add3A_686 = arith.addi %add3A_685, %mul3A_684 : i32
        %get3A_687 = arith.index_cast %add3A_686 : i32 to index
        %get3A_688 = arith.constant 48 : index
        %get3A_689 = tpu.vector_load %arg7[%get3A_687, %get3A_688] {strides = array<i32>} : memref<128x64xf32, #tpu.memory_space<vmem>>, vector<16xf32>,
        %add3A_690 = arith.addf %get3A_689, %get3A_178 : vector<16xf32>
        %broadcast_in_dim3A_691 = vector.broadcast %add3A_686 : i32 to vector<16xi32>
        tpu.vector_store_idx %arg11[%add3A_210, %and3A_183, %broadcast_in_dim3A_691], %add3A_690 : memref<8x8x129xf32, #tpu.memory_space<vmem>>[vector<16xi32>, vector<16xi32>, vector<16xi32>], vector<16xf32>,
        %scan3A_692 = arith.constant 3 : i32
        %scan3A_693 = arith.addi %scan3A_661, %scan3A_692 : i32
        %mul3A_694 = arith.constant 1 : i32
        %mul3A_695 = arith.muli %scan3A_693, %mul3A_694 : i32
        %add3A_696 = arith.constant 0 : i32
        %add3A_697 = arith.addi %add3A_696, %mul3A_695 : i32
        %get3A_698 = arith.index_cast %add3A_697 : i32 to index
        %get3A_699 = arith.constant 48 : index
        %get3A_700 = tpu.vector_load %arg7[%get3A_698, %get3A_699] {strides = array<i32>} : memref<128x64xf32, #tpu.memory_space<vmem>>, vector<16xf32>,
        %add3A_701 = arith.addf %get3A_700, %get3A_178 : vector<16xf32>
        %broadcast_in_dim3A_702 = vector.broadcast %add3A_697 : i32 to vector<16xi32>
        tpu.vector_store_idx %arg11[%add3A_210, %and3A_183, %broadcast_in_dim3A_702], %add3A_701 : memref<8x8x129xf32, #tpu.memory_space<vmem>>[vector<16xi32>, vector<16xi32>, vector<16xi32>], vector<16xf32>,
      }
      %scan3A_215 = arith.constant 128 : i32
      %dma_start3A_216 = arith.constant 0 : i32
      %dma_start3A_217 = arith.constant 0 : i32
      %dma_start3A_218 = arith.constant 0 : i32
      %dma_start3A_219 = tpu.memref_slice %arg11[%dma_start3A_216, %dma_start3A_217, %dma_start3A_218] : memref<8x8x129xf32, #tpu.memory_space<vmem>> -> memref<8x8x128xf32, #tpu.memory_space<vmem>>
      %dma_start3A_220 = arith.constant 0 : i32
      %dma_start3A_221 = arith.constant 0 : i32
      %dma_start3A_222 = arith.constant 0 : i32
      %dma_start3A_223 = tpu.memref_slice %arg5[%add3A_119, %dma_start3A_220, %add3A, %dma_start3A_221, %dma_start3A_222] : memref<200x8x32x8x128xf32, #tpu.memory_space<hbm>> -> memref<1x8x1x8x128xf32, #tpu.memory_space<hbm>>
      %dma_start3A_224 = tpu.memref_squeeze %dma_start3A_223 : memref<1x8x1x8x128xf32, #tpu.memory_space<hbm>> -> memref<8x8x128xf32, #tpu.memory_space<hbm>>
      %dma_start3A_225 = arith.constant 0 : i32
      %dma_start3A_226 = arith.constant 0 : i32
      %dma_start3A_227 = arith.constant 0 : i32
      %dma_start3A_228 = tpu.memref_slice %arg5[%add3A_119, %dma_start3A_225, %add3A, %dma_start3A_226, %dma_start3A_227] : memref<200x8x32x8x128xf32, #tpu.memory_space<hbm>> -> memref<1x8x1x8x128xf32, #tpu.memory_space<hbm>>
      %dma_start3A_229 = tpu.memref_squeeze %dma_start3A_228 : memref<1x8x1x8x128xf32, #tpu.memory_space<hbm>> -> memref<8x8x128xf32, #tpu.memory_space<hbm>>
      %dma_start3A_230 = arith.constant 0 : i32
      %dma_start3A_231 = arith.constant 0 : i32
      %dma_start3A_232 = arith.constant 0 : i32
      %dma_start3A_233 = tpu.memref_slice %arg11[%dma_start3A_230, %dma_start3A_231, %dma_start3A_232] : memref<8x8x129xf32, #tpu.memory_space<vmem>> -> memref<8x8x128xf32, #tpu.memory_space<vmem>>
      tpu.enqueue_dma source(%dma_start3A_233 : memref<8x8x128xf32, #tpu.memory_space<vmem>>) target(%dma_start3A_229 : memref<8x8x128xf32, #tpu.memory_space<hbm>>) target_semaphore(%arg20 : memref<!tpu.dma_semaphore, #tpu.memory_space<semaphore_mem>>)
      %add3A_234 = arith.constant 4 : i32
      %add3A_235 = arith.addi %add3A_119, %add3A_234 : i32
      %lt3A_236 = arith.constant 200 : i32
      %lt3A_237 = arith.cmpi slt, %add3A_235, %lt3A_236 : i32
      %convert_element_type3A_238 = arith.extui %lt3A_237 : i1 to i32
      %cond3A_239 = arith.constant 0 : i32
      %cond3A_240 = arith.cmpi ne, %convert_element_type3A_238, %cond3A_239 : i32
      scf.if %cond3A_240 {
        %add3A_661 = arith.constant 4 : i32
        %add3A_662 = arith.addi %add3A_119, %add3A_661 : i32
        %dma_start3A_663 = arith.constant 0 : i32
        %dma_start3A_664 = tpu.memref_slice %arg6[%add3A_662, %dma_start3A_663] : memref<200x128xi32, #tpu.memory_space<vmem>> -> memref<1x128xi32, #tpu.memory_space<vmem>>
        %dma_start3A_665 = tpu.memref_squeeze %dma_start3A_664 : memref<1x128xi32, #tpu.memory_space<vmem>> -> memref<128xi32, #tpu.memory_space<vmem>>
        %dma_start3A_666 = arith.constant 0 : i32
        %dma_start3A_667 = arith.constant 0 : i32
        %dma_start3A_668 = tpu.memref_slice %arg2[%dma_start3A_666, %dma_start3A_667] : memref<1000000x64xf32, #tpu.memory_space<hbm>> -> memref<1000000x64xf32, #tpu.memory_space<hbm>>
        tpu.enqueue_indirect_dma source(%dma_start3A_668 : memref<1000000x64xf32, #tpu.memory_space<hbm>>) target(%arg7 : memref<128x64xf32, #tpu.memory_space<vmem>>) offsets(%dma_start3A_665 : memref<128xi32, #tpu.memory_space<vmem>>) semaphore(%arg16 : memref<!tpu.dma_semaphore, #tpu.memory_space<semaphore_mem>>)
      } else {
      }
      %mul3A_241 = arith.constant 4 : i32
      %mul3A_242 = arith.muli %add3A_115, %mul3A_241 : i32
      %add3A_243 = arith.constant 1 : i32
      %add3A_244 = arith.addi %mul3A_242, %add3A_243 : i32
      %dma_wait3A_245 = arith.constant 0 : i32
      %dma_wait3A_246 = arith.constant 0 : i32
      %dma_wait3A_247 = tpu.memref_slice %arg2[%dma_wait3A_245, %dma_wait3A_246] : memref<1000000x64xf32, #tpu.memory_space<hbm>> -> memref<128x64xf32, #tpu.memory_space<hbm>>
      %dma_wait3A_248 = arith.constant 0 : i32
      %dma_wait3A_249 = arith.constant 0 : i32
      %dma_wait3A_250 = tpu.memref_slice %arg2[%dma_wait3A_248, %dma_wait3A_249] : memref<1000000x64xf32, #tpu.memory_space<hbm>> -> memref<128x64xf32, #tpu.memory_space<hbm>>
      tpu.wait_dma2 semaphore(%arg17 : memref<!tpu.dma_semaphore, #tpu.memory_space<semaphore_mem>>) src(%dma_wait3A_250 : memref<128x64xf32, #tpu.memory_space<hbm>>) dst(%arg8 : memref<128x64xf32, #tpu.memory_space<vmem>>)
      %gt3A_251 = arith.constant 0 : i32
      %gt3A_252 = arith.cmpi sgt, %add3A_115, %gt3A_251 : i32
      %convert_element_type3A_253 = arith.extui %gt3A_252 : i1 to i32
      %cond3A_254 = arith.constant 0 : i32
      %cond3A_255 = arith.cmpi ne, %convert_element_type3A_253, %cond3A_254 : i32
      scf.if %cond3A_255 {
        %dma_wait3A_661 = arith.constant 0 : i32
        %dma_wait3A_662 = arith.constant 0 : i32
        %dma_wait3A_663 = arith.constant 0 : i32
        %dma_wait3A_664 = arith.constant 0 : i32
        %dma_wait3A_665 = arith.constant 0 : i32
        %dma_wait3A_666 = tpu.memref_slice %arg12[%dma_wait3A_663, %dma_wait3A_664, %dma_wait3A_665] : memref<8x8x129xf32, #tpu.memory_space<vmem>> -> memref<8x8x128xf32, #tpu.memory_space<vmem>>
        %dma_wait3A_667 = arith.constant 0 : i32
        %dma_wait3A_668 = arith.constant 0 : i32
        %dma_wait3A_669 = arith.constant 0 : i32
        %dma_wait3A_670 = tpu.memref_slice %arg5[%dma_wait3A_661, %dma_wait3A_667, %dma_wait3A_662, %dma_wait3A_668, %dma_wait3A_669] : memref<200x8x32x8x128xf32, #tpu.memory_space<hbm>> -> memref<1x8x1x8x128xf32, #tpu.memory_space<hbm>>
        %dma_wait3A_671 = tpu.memref_squeeze %dma_wait3A_670 : memref<1x8x1x8x128xf32, #tpu.memory_space<hbm>> -> memref<8x8x128xf32, #tpu.memory_space<hbm>>
        %dma_wait3A_672 = arith.constant 0 : i32
        %dma_wait3A_673 = arith.constant 0 : i32
        %dma_wait3A_674 = arith.constant 0 : i32
        %dma_wait3A_675 = tpu.memref_slice %arg5[%dma_wait3A_661, %dma_wait3A_672, %dma_wait3A_662, %dma_wait3A_673, %dma_wait3A_674] : memref<200x8x32x8x128xf32, #tpu.memory_space<hbm>> -> memref<1x8x1x8x128xf32, #tpu.memory_space<hbm>>
        %dma_wait3A_676 = tpu.memref_squeeze %dma_wait3A_675 : memref<1x8x1x8x128xf32, #tpu.memory_space<hbm>> -> memref<8x8x128xf32, #tpu.memory_space<hbm>>
        %dma_wait3A_677 = arith.constant 0 : i32
        %dma_wait3A_678 = arith.constant 0 : i32
        %dma_wait3A_679 = arith.constant 0 : i32
        %dma_wait3A_680 = tpu.memref_slice %arg12[%dma_wait3A_677, %dma_wait3A_678, %dma_wait3A_679] : memref<8x8x129xf32, #tpu.memory_space<vmem>> -> memref<8x8x128xf32, #tpu.memory_space<vmem>>
        tpu.wait_dma2 semaphore(%arg21 : memref<!tpu.dma_semaphore, #tpu.memory_space<semaphore_mem>>) src(%dma_wait3A_680 : memref<8x8x128xf32, #tpu.memory_space<vmem>>) dst(%dma_wait3A_676 : memref<8x8x128xf32, #tpu.memory_space<hbm>>)
      } else {
      }
      %jit3A_256 = arith.constant 2 : i32
      %div3A_257 = arith.divsi %add3A_244, %jit3A_256 : i32
      %sign3A_258 = arith.constant 0 : i32
      %sign3A_259 = arith.cmpi sgt, %add3A_244, %sign3A_258 : i32
      %sign3A_260 = arith.extui %sign3A_259 : i1 to i32
      %sign3A_261 = arith.constant 0 : i32
      %sign3A_262 = arith.cmpi slt, %add3A_244, %sign3A_261 : i32
      %sign3A_263 = arith.extui %sign3A_262 : i1 to i32
      %sign3A_264 = arith.subi %sign3A_260, %sign3A_263 : i32
      %sign3A_265 = arith.constant 0 : i32
      %sign3A_266 = arith.cmpi sgt, %jit3A_256, %sign3A_265 : i32
      %sign3A_267 = arith.extui %sign3A_266 : i1 to i32
      %sign3A_268 = arith.constant 0 : i32
      %sign3A_269 = arith.cmpi slt, %jit3A_256, %sign3A_268 : i32
      %sign3A_270 = arith.extui %sign3A_269 : i1 to i32
      %sign3A_271 = arith.subi %sign3A_267, %sign3A_270 : i32
      %ne3A_272 = arith.cmpi ne, %sign3A_264, %sign3A_271 : i32
      %rem3A_273 = arith.remsi %add3A_244, %jit3A_256 : i32
      %ne3A_274 = arith.constant 0 : i32
      %ne3A_275 = arith.cmpi ne, %rem3A_273, %ne3A_274 : i32
      %and3A_276 = arith.andi %ne3A_272, %ne3A_275 : i1
      %sub3A_277 = arith.constant 1 : i32
      %sub3A_278 = arith.subi %div3A_257, %sub3A_277 : i32
      %select_n3A_279 = arith.select %and3A_276, %sub3A_278, %div3A_257 : i32
      %jit3A_280 = arith.constant 2 : i32
      %eq3A_281 = arith.constant 0 : i32
      %eq3A_282 = arith.cmpi eq, %jit3A_280, %eq3A_281 : i32
      %jit3A_283 = arith.constant 1 : i32
      %select_n3A_284 = arith.select %eq3A_282, %jit3A_283, %jit3A_280 : i32
      %rem3A_285 = arith.remsi %add3A_244, %select_n3A_284 : i32
      %ne3A_286 = arith.constant 0 : i32
      %ne3A_287 = arith.cmpi ne, %rem3A_285, %ne3A_286 : i32
      %lt3A_288 = arith.constant 0 : i32
      %lt3A_289 = arith.cmpi slt, %rem3A_285, %lt3A_288 : i32
      %lt3A_290 = arith.constant 0 : i32
      %lt3A_291 = arith.cmpi slt, %select_n3A_284, %lt3A_290 : i32
      %ne3A_292 = arith.xori %lt3A_289, %lt3A_291 : i1
      %and3A_293 = arith.andi %ne3A_292, %ne3A_287 : i1
      %add3A_294 = arith.addi %rem3A_285, %select_n3A_284 : i32
      %select_n3A_295 = arith.select %and3A_293, %add3A_294, %rem3A_285 : i32
      %mul3A_296 = arith.constant 64 : i32
      %mul3A_297 = arith.muli %select_n3A_295, %mul3A_296 : i32
      %add3A_298 = arith.constant 0 : i32
      %add3A_299 = arith.addi %mul3A_297, %add3A_298 : i32
      %get3A_300 = arith.index_cast %select_n3A_279 : i32 to index
      %get3A_301 = arith.index_cast %add3A_299 : i32 to index
      %get3A_302 = tpu.vector_load %arg15[%get3A_300, %get3A_301] {strides = array<i32>} : memref<100x128xf32, #tpu.memory_space<vmem>>, vector<16xf32>,
      %add3A_303 = arith.constant 16 : i32
      %add3A_304 = arith.addi %mul3A_297, %add3A_303 : i32
      %get3A_305 = arith.index_cast %select_n3A_279 : i32 to index
      %get3A_306 = arith.index_cast %add3A_304 : i32 to index
      %get3A_307 = tpu.vector_load %arg15[%get3A_305, %get3A_306] {strides = array<i32>} : memref<100x128xf32, #tpu.memory_space<vmem>>, vector<16xf32>,
      %add3A_308 = arith.constant 32 : i32
      %add3A_309 = arith.addi %mul3A_297, %add3A_308 : i32
      %get3A_310 = arith.index_cast %select_n3A_279 : i32 to index
      %get3A_311 = arith.index_cast %add3A_309 : i32 to index
      %get3A_312 = tpu.vector_load %arg15[%get3A_310, %get3A_311] {strides = array<i32>} : memref<100x128xf32, #tpu.memory_space<vmem>>, vector<16xf32>,
      %add3A_313 = arith.constant 48 : i32
      %add3A_314 = arith.addi %mul3A_297, %add3A_313 : i32
      %get3A_315 = arith.index_cast %select_n3A_279 : i32 to index
      %get3A_316 = arith.index_cast %add3A_314 : i32 to index
      %get3A_317 = tpu.vector_load %arg15[%get3A_315, %get3A_316] {strides = array<i32>} : memref<100x128xf32, #tpu.memory_space<vmem>>, vector<16xf32>,
      %shift_right_arithmetic3A_318 = arith.constant 3 : i32
      %shift_right_arithmetic3A_319 = vector.broadcast %shift_right_arithmetic3A_318 : i32 to vector<16xi32>
      %shift_right_arithmetic3A_320 = arith.shrsi %iota3A, %shift_right_arithmetic3A_319 : vector<16xi32>
      %and3A_321 = arith.constant 7 : i32
      %and3A_322 = vector.broadcast %and3A_321 : i32 to vector<16xi32>
      %and3A_323 = arith.andi %iota3A, %and3A_322 : vector<16xi32>
      %add3A_324 = arith.constant 0 : i32
      %add3A_325 = vector.broadcast %add3A_324 : i32 to vector<16xi32>
      %add3A_326 = arith.addi %shift_right_arithmetic3A_320, %add3A_325 : vector<16xi32>
      %scan3A_327 = arith.constant 0 : i32
      %scan3A_328 = arith.constant 128 : i32
      %scan3A_329 = arith.addi %scan3A_327, %scan3A_328 : i32
      %scan3A_330 = arith.constant 4 : i32
      scf.for %scan3A_661 = %scan3A_327 to %scan3A_329 step %scan3A_330  : i32 {
        %mul3A_662 = arith.constant 1 : i32
        %mul3A_663 = arith.muli %scan3A_661, %mul3A_662 : i32
        %add3A_664 = arith.constant 0 : i32
        %add3A_665 = arith.addi %add3A_664, %mul3A_663 : i32
        %get3A_666 = arith.index_cast %add3A_665 : i32 to index
        %get3A_667 = arith.constant 0 : index
        %get3A_668 = tpu.vector_load %arg8[%get3A_666, %get3A_667] {strides = array<i32>} : memref<128x64xf32, #tpu.memory_space<vmem>>, vector<16xf32>,
        %add3A_669 = arith.addf %get3A_668, %get3A_302 : vector<16xf32>
        %broadcast_in_dim3A = vector.broadcast %add3A_665 : i32 to vector<16xi32>
        tpu.vector_store_idx %arg12[%add3A_326, %and3A_323, %broadcast_in_dim3A], %add3A_669 : memref<8x8x129xf32, #tpu.memory_space<vmem>>[vector<16xi32>, vector<16xi32>, vector<16xi32>], vector<16xf32>,
        %scan3A_670 = arith.constant 1 : i32
        %scan3A_671 = arith.addi %scan3A_661, %scan3A_670 : i32
        %mul3A_672 = arith.constant 1 : i32
        %mul3A_673 = arith.muli %scan3A_671, %mul3A_672 : i32
        %add3A_674 = arith.constant 0 : i32
        %add3A_675 = arith.addi %add3A_674, %mul3A_673 : i32
        %get3A_676 = arith.index_cast %add3A_675 : i32 to index
        %get3A_677 = arith.constant 0 : index
        %get3A_678 = tpu.vector_load %arg8[%get3A_676, %get3A_677] {strides = array<i32>} : memref<128x64xf32, #tpu.memory_space<vmem>>, vector<16xf32>,
        %add3A_679 = arith.addf %get3A_678, %get3A_302 : vector<16xf32>
        %broadcast_in_dim3A_680 = vector.broadcast %add3A_675 : i32 to vector<16xi32>
        tpu.vector_store_idx %arg12[%add3A_326, %and3A_323, %broadcast_in_dim3A_680], %add3A_679 : memref<8x8x129xf32, #tpu.memory_space<vmem>>[vector<16xi32>, vector<16xi32>, vector<16xi32>], vector<16xf32>,
        %scan3A_681 = arith.constant 2 : i32
        %scan3A_682 = arith.addi %scan3A_661, %scan3A_681 : i32
        %mul3A_683 = arith.constant 1 : i32
        %mul3A_684 = arith.muli %scan3A_682, %mul3A_683 : i32
        %add3A_685 = arith.constant 0 : i32
        %add3A_686 = arith.addi %add3A_685, %mul3A_684 : i32
        %get3A_687 = arith.index_cast %add3A_686 : i32 to index
        %get3A_688 = arith.constant 0 : index
        %get3A_689 = tpu.vector_load %arg8[%get3A_687, %get3A_688] {strides = array<i32>} : memref<128x64xf32, #tpu.memory_space<vmem>>, vector<16xf32>,
        %add3A_690 = arith.addf %get3A_689, %get3A_302 : vector<16xf32>
        %broadcast_in_dim3A_691 = vector.broadcast %add3A_686 : i32 to vector<16xi32>
        tpu.vector_store_idx %arg12[%add3A_326, %and3A_323, %broadcast_in_dim3A_691], %add3A_690 : memref<8x8x129xf32, #tpu.memory_space<vmem>>[vector<16xi32>, vector<16xi32>, vector<16xi32>], vector<16xf32>,
        %scan3A_692 = arith.constant 3 : i32
        %scan3A_693 = arith.addi %scan3A_661, %scan3A_692 : i32
        %mul3A_694 = arith.constant 1 : i32
        %mul3A_695 = arith.muli %scan3A_693, %mul3A_694 : i32
        %add3A_696 = arith.constant 0 : i32
        %add3A_697 = arith.addi %add3A_696, %mul3A_695 : i32
        %get3A_698 = arith.index_cast %add3A_697 : i32 to index
        %get3A_699 = arith.constant 0 : index
        %get3A_700 = tpu.vector_load %arg8[%get3A_698, %get3A_699] {strides = array<i32>} : memref<128x64xf32, #tpu.memory_space<vmem>>, vector<16xf32>,
        %add3A_701 = arith.addf %get3A_700, %get3A_302 : vector<16xf32>
        %broadcast_in_dim3A_702 = vector.broadcast %add3A_697 : i32 to vector<16xi32>
        tpu.vector_store_idx %arg12[%add3A_326, %and3A_323, %broadcast_in_dim3A_702], %add3A_701 : memref<8x8x129xf32, #tpu.memory_space<vmem>>[vector<16xi32>, vector<16xi32>, vector<16xi32>], vector<16xf32>,
      }
      %scan3A_331 = arith.constant 128 : i32
      %add3A_332 = arith.constant 2 : i32
      %add3A_333 = vector.broadcast %add3A_332 : i32 to vector<16xi32>
      %add3A_334 = arith.addi %shift_right_arithmetic3A_320, %add3A_333 : vector<16xi32>
      %scan3A_335 = arith.constant 0 : i32
      %scan3A_336 = arith.constant 128 : i32
      %scan3A_337 = arith.addi %scan3A_335, %scan3A_336 : i32
      %scan3A_338 = arith.constant 4 : i32
      scf.for %scan3A_661 = %scan3A_335 to %scan3A_337 step %scan3A_338  : i32 {
        %mul3A_662 = arith.constant 1 : i32
        %mul3A_663 = arith.muli %scan3A_661, %mul3A_662 : i32
        %add3A_664 = arith.constant 0 : i32
        %add3A_665 = arith.addi %add3A_664, %mul3A_663 : i32
        %get3A_666 = arith.index_cast %add3A_665 : i32 to index
        %get3A_667 = arith.constant 16 : index
        %get3A_668 = tpu.vector_load %arg8[%get3A_666, %get3A_667] {strides = array<i32>} : memref<128x64xf32, #tpu.memory_space<vmem>>, vector<16xf32>,
        %add3A_669 = arith.addf %get3A_668, %get3A_307 : vector<16xf32>
        %broadcast_in_dim3A = vector.broadcast %add3A_665 : i32 to vector<16xi32>
        tpu.vector_store_idx %arg12[%add3A_334, %and3A_323, %broadcast_in_dim3A], %add3A_669 : memref<8x8x129xf32, #tpu.memory_space<vmem>>[vector<16xi32>, vector<16xi32>, vector<16xi32>], vector<16xf32>,
        %scan3A_670 = arith.constant 1 : i32
        %scan3A_671 = arith.addi %scan3A_661, %scan3A_670 : i32
        %mul3A_672 = arith.constant 1 : i32
        %mul3A_673 = arith.muli %scan3A_671, %mul3A_672 : i32
        %add3A_674 = arith.constant 0 : i32
        %add3A_675 = arith.addi %add3A_674, %mul3A_673 : i32
        %get3A_676 = arith.index_cast %add3A_675 : i32 to index
        %get3A_677 = arith.constant 16 : index
        %get3A_678 = tpu.vector_load %arg8[%get3A_676, %get3A_677] {strides = array<i32>} : memref<128x64xf32, #tpu.memory_space<vmem>>, vector<16xf32>,
        %add3A_679 = arith.addf %get3A_678, %get3A_307 : vector<16xf32>
        %broadcast_in_dim3A_680 = vector.broadcast %add3A_675 : i32 to vector<16xi32>
        tpu.vector_store_idx %arg12[%add3A_334, %and3A_323, %broadcast_in_dim3A_680], %add3A_679 : memref<8x8x129xf32, #tpu.memory_space<vmem>>[vector<16xi32>, vector<16xi32>, vector<16xi32>], vector<16xf32>,
        %scan3A_681 = arith.constant 2 : i32
        %scan3A_682 = arith.addi %scan3A_661, %scan3A_681 : i32
        %mul3A_683 = arith.constant 1 : i32
        %mul3A_684 = arith.muli %scan3A_682, %mul3A_683 : i32
        %add3A_685 = arith.constant 0 : i32
        %add3A_686 = arith.addi %add3A_685, %mul3A_684 : i32
        %get3A_687 = arith.index_cast %add3A_686 : i32 to index
        %get3A_688 = arith.constant 16 : index
        %get3A_689 = tpu.vector_load %arg8[%get3A_687, %get3A_688] {strides = array<i32>} : memref<128x64xf32, #tpu.memory_space<vmem>>, vector<16xf32>,
        %add3A_690 = arith.addf %get3A_689, %get3A_307 : vector<16xf32>
        %broadcast_in_dim3A_691 = vector.broadcast %add3A_686 : i32 to vector<16xi32>
        tpu.vector_store_idx %arg12[%add3A_334, %and3A_323, %broadcast_in_dim3A_691], %add3A_690 : memref<8x8x129xf32, #tpu.memory_space<vmem>>[vector<16xi32>, vector<16xi32>, vector<16xi32>], vector<16xf32>,
        %scan3A_692 = arith.constant 3 : i32
        %scan3A_693 = arith.addi %scan3A_661, %scan3A_692 : i32
        %mul3A_694 = arith.constant 1 : i32
        %mul3A_695 = arith.muli %scan3A_693, %mul3A_694 : i32
        %add3A_696 = arith.constant 0 : i32
        %add3A_697 = arith.addi %add3A_696, %mul3A_695 : i32
        %get3A_698 = arith.index_cast %add3A_697 : i32 to index
        %get3A_699 = arith.constant 16 : index
        %get3A_700 = tpu.vector_load %arg8[%get3A_698, %get3A_699] {strides = array<i32>} : memref<128x64xf32, #tpu.memory_space<vmem>>, vector<16xf32>,
        %add3A_701 = arith.addf %get3A_700, %get3A_307 : vector<16xf32>
        %broadcast_in_dim3A_702 = vector.broadcast %add3A_697 : i32 to vector<16xi32>
        tpu.vector_store_idx %arg12[%add3A_334, %and3A_323, %broadcast_in_dim3A_702], %add3A_701 : memref<8x8x129xf32, #tpu.memory_space<vmem>>[vector<16xi32>, vector<16xi32>, vector<16xi32>], vector<16xf32>,
      }
      %scan3A_339 = arith.constant 128 : i32
      %add3A_340 = arith.constant 4 : i32
      %add3A_341 = vector.broadcast %add3A_340 : i32 to vector<16xi32>
      %add3A_342 = arith.addi %shift_right_arithmetic3A_320, %add3A_341 : vector<16xi32>
      %scan3A_343 = arith.constant 0 : i32
      %scan3A_344 = arith.constant 128 : i32
      %scan3A_345 = arith.addi %scan3A_343, %scan3A_344 : i32
      %scan3A_346 = arith.constant 4 : i32
      scf.for %scan3A_661 = %scan3A_343 to %scan3A_345 step %scan3A_346  : i32 {
        %mul3A_662 = arith.constant 1 : i32
        %mul3A_663 = arith.muli %scan3A_661, %mul3A_662 : i32
        %add3A_664 = arith.constant 0 : i32
        %add3A_665 = arith.addi %add3A_664, %mul3A_663 : i32
        %get3A_666 = arith.index_cast %add3A_665 : i32 to index
        %get3A_667 = arith.constant 32 : index
        %get3A_668 = tpu.vector_load %arg8[%get3A_666, %get3A_667] {strides = array<i32>} : memref<128x64xf32, #tpu.memory_space<vmem>>, vector<16xf32>,
        %add3A_669 = arith.addf %get3A_668, %get3A_312 : vector<16xf32>
        %broadcast_in_dim3A = vector.broadcast %add3A_665 : i32 to vector<16xi32>
        tpu.vector_store_idx %arg12[%add3A_342, %and3A_323, %broadcast_in_dim3A], %add3A_669 : memref<8x8x129xf32, #tpu.memory_space<vmem>>[vector<16xi32>, vector<16xi32>, vector<16xi32>], vector<16xf32>,
        %scan3A_670 = arith.constant 1 : i32
        %scan3A_671 = arith.addi %scan3A_661, %scan3A_670 : i32
        %mul3A_672 = arith.constant 1 : i32
        %mul3A_673 = arith.muli %scan3A_671, %mul3A_672 : i32
        %add3A_674 = arith.constant 0 : i32
        %add3A_675 = arith.addi %add3A_674, %mul3A_673 : i32
        %get3A_676 = arith.index_cast %add3A_675 : i32 to index
        %get3A_677 = arith.constant 32 : index
        %get3A_678 = tpu.vector_load %arg8[%get3A_676, %get3A_677] {strides = array<i32>} : memref<128x64xf32, #tpu.memory_space<vmem>>, vector<16xf32>,
        %add3A_679 = arith.addf %get3A_678, %get3A_312 : vector<16xf32>
        %broadcast_in_dim3A_680 = vector.broadcast %add3A_675 : i32 to vector<16xi32>
        tpu.vector_store_idx %arg12[%add3A_342, %and3A_323, %broadcast_in_dim3A_680], %add3A_679 : memref<8x8x129xf32, #tpu.memory_space<vmem>>[vector<16xi32>, vector<16xi32>, vector<16xi32>], vector<16xf32>,
        %scan3A_681 = arith.constant 2 : i32
        %scan3A_682 = arith.addi %scan3A_661, %scan3A_681 : i32
        %mul3A_683 = arith.constant 1 : i32
        %mul3A_684 = arith.muli %scan3A_682, %mul3A_683 : i32
        %add3A_685 = arith.constant 0 : i32
        %add3A_686 = arith.addi %add3A_685, %mul3A_684 : i32
        %get3A_687 = arith.index_cast %add3A_686 : i32 to index
        %get3A_688 = arith.constant 32 : index
        %get3A_689 = tpu.vector_load %arg8[%get3A_687, %get3A_688] {strides = array<i32>} : memref<128x64xf32, #tpu.memory_space<vmem>>, vector<16xf32>,
        %add3A_690 = arith.addf %get3A_689, %get3A_312 : vector<16xf32>
        %broadcast_in_dim3A_691 = vector.broadcast %add3A_686 : i32 to vector<16xi32>
        tpu.vector_store_idx %arg12[%add3A_342, %and3A_323, %broadcast_in_dim3A_691], %add3A_690 : memref<8x8x129xf32, #tpu.memory_space<vmem>>[vector<16xi32>, vector<16xi32>, vector<16xi32>], vector<16xf32>,
        %scan3A_692 = arith.constant 3 : i32
        %scan3A_693 = arith.addi %scan3A_661, %scan3A_692 : i32
        %mul3A_694 = arith.constant 1 : i32
        %mul3A_695 = arith.muli %scan3A_693, %mul3A_694 : i32
        %add3A_696 = arith.constant 0 : i32
        %add3A_697 = arith.addi %add3A_696, %mul3A_695 : i32
        %get3A_698 = arith.index_cast %add3A_697 : i32 to index
        %get3A_699 = arith.constant 32 : index
        %get3A_700 = tpu.vector_load %arg8[%get3A_698, %get3A_699] {strides = array<i32>} : memref<128x64xf32, #tpu.memory_space<vmem>>, vector<16xf32>,
        %add3A_701 = arith.addf %get3A_700, %get3A_312 : vector<16xf32>
        %broadcast_in_dim3A_702 = vector.broadcast %add3A_697 : i32 to vector<16xi32>
        tpu.vector_store_idx %arg12[%add3A_342, %and3A_323, %broadcast_in_dim3A_702], %add3A_701 : memref<8x8x129xf32, #tpu.memory_space<vmem>>[vector<16xi32>, vector<16xi32>, vector<16xi32>], vector<16xf32>,
      }
      %scan3A_347 = arith.constant 128 : i32
      %add3A_348 = arith.constant 6 : i32
      %add3A_349 = vector.broadcast %add3A_348 : i32 to vector<16xi32>
      %add3A_350 = arith.addi %shift_right_arithmetic3A_320, %add3A_349 : vector<16xi32>
      %scan3A_351 = arith.constant 0 : i32
      %scan3A_352 = arith.constant 128 : i32
      %scan3A_353 = arith.addi %scan3A_351, %scan3A_352 : i32
      %scan3A_354 = arith.constant 4 : i32
      scf.for %scan3A_661 = %scan3A_351 to %scan3A_353 step %scan3A_354  : i32 {
        %mul3A_662 = arith.constant 1 : i32
        %mul3A_663 = arith.muli %scan3A_661, %mul3A_662 : i32
        %add3A_664 = arith.constant 0 : i32
        %add3A_665 = arith.addi %add3A_664, %mul3A_663 : i32
        %get3A_666 = arith.index_cast %add3A_665 : i32 to index
        %get3A_667 = arith.constant 48 : index
        %get3A_668 = tpu.vector_load %arg8[%get3A_666, %get3A_667] {strides = array<i32>} : memref<128x64xf32, #tpu.memory_space<vmem>>, vector<16xf32>,
        %add3A_669 = arith.addf %get3A_668, %get3A_317 : vector<16xf32>
        %broadcast_in_dim3A = vector.broadcast %add3A_665 : i32 to vector<16xi32>
        tpu.vector_store_idx %arg12[%add3A_350, %and3A_323, %broadcast_in_dim3A], %add3A_669 : memref<8x8x129xf32, #tpu.memory_space<vmem>>[vector<16xi32>, vector<16xi32>, vector<16xi32>], vector<16xf32>,
        %scan3A_670 = arith.constant 1 : i32
        %scan3A_671 = arith.addi %scan3A_661, %scan3A_670 : i32
        %mul3A_672 = arith.constant 1 : i32
        %mul3A_673 = arith.muli %scan3A_671, %mul3A_672 : i32
        %add3A_674 = arith.constant 0 : i32
        %add3A_675 = arith.addi %add3A_674, %mul3A_673 : i32
        %get3A_676 = arith.index_cast %add3A_675 : i32 to index
        %get3A_677 = arith.constant 48 : index
        %get3A_678 = tpu.vector_load %arg8[%get3A_676, %get3A_677] {strides = array<i32>} : memref<128x64xf32, #tpu.memory_space<vmem>>, vector<16xf32>,
        %add3A_679 = arith.addf %get3A_678, %get3A_317 : vector<16xf32>
        %broadcast_in_dim3A_680 = vector.broadcast %add3A_675 : i32 to vector<16xi32>
        tpu.vector_store_idx %arg12[%add3A_350, %and3A_323, %broadcast_in_dim3A_680], %add3A_679 : memref<8x8x129xf32, #tpu.memory_space<vmem>>[vector<16xi32>, vector<16xi32>, vector<16xi32>], vector<16xf32>,
        %scan3A_681 = arith.constant 2 : i32
        %scan3A_682 = arith.addi %scan3A_661, %scan3A_681 : i32
        %mul3A_683 = arith.constant 1 : i32
        %mul3A_684 = arith.muli %scan3A_682, %mul3A_683 : i32
        %add3A_685 = arith.constant 0 : i32
        %add3A_686 = arith.addi %add3A_685, %mul3A_684 : i32
        %get3A_687 = arith.index_cast %add3A_686 : i32 to index
        %get3A_688 = arith.constant 48 : index
        %get3A_689 = tpu.vector_load %arg8[%get3A_687, %get3A_688] {strides = array<i32>} : memref<128x64xf32, #tpu.memory_space<vmem>>, vector<16xf32>,
        %add3A_690 = arith.addf %get3A_689, %get3A_317 : vector<16xf32>
        %broadcast_in_dim3A_691 = vector.broadcast %add3A_686 : i32 to vector<16xi32>
        tpu.vector_store_idx %arg12[%add3A_350, %and3A_323, %broadcast_in_dim3A_691], %add3A_690 : memref<8x8x129xf32, #tpu.memory_space<vmem>>[vector<16xi32>, vector<16xi32>, vector<16xi32>], vector<16xf32>,
        %scan3A_692 = arith.constant 3 : i32
        %scan3A_693 = arith.addi %scan3A_661, %scan3A_692 : i32
        %mul3A_694 = arith.constant 1 : i32
        %mul3A_695 = arith.muli %scan3A_693, %mul3A_694 : i32
        %add3A_696 = arith.constant 0 : i32
        %add3A_697 = arith.addi %add3A_696, %mul3A_695 : i32
        %get3A_698 = arith.index_cast %add3A_697 : i32 to index
        %get3A_699 = arith.constant 48 : index
        %get3A_700 = tpu.vector_load %arg8[%get3A_698, %get3A_699] {strides = array<i32>} : memref<128x64xf32, #tpu.memory_space<vmem>>, vector<16xf32>,
        %add3A_701 = arith.addf %get3A_700, %get3A_317 : vector<16xf32>
        %broadcast_in_dim3A_702 = vector.broadcast %add3A_697 : i32 to vector<16xi32>
        tpu.vector_store_idx %arg12[%add3A_350, %and3A_323, %broadcast_in_dim3A_702], %add3A_701 : memref<8x8x129xf32, #tpu.memory_space<vmem>>[vector<16xi32>, vector<16xi32>, vector<16xi32>], vector<16xf32>,
      }
      %scan3A_355 = arith.constant 128 : i32
      %dma_start3A_356 = arith.constant 0 : i32
      %dma_start3A_357 = arith.constant 0 : i32
      %dma_start3A_358 = arith.constant 0 : i32
      %dma_start3A_359 = tpu.memref_slice %arg12[%dma_start3A_356, %dma_start3A_357, %dma_start3A_358] : memref<8x8x129xf32, #tpu.memory_space<vmem>> -> memref<8x8x128xf32, #tpu.memory_space<vmem>>
      %dma_start3A_360 = arith.constant 0 : i32
      %dma_start3A_361 = arith.constant 0 : i32
      %dma_start3A_362 = arith.constant 0 : i32
      %dma_start3A_363 = tpu.memref_slice %arg5[%add3A_244, %dma_start3A_360, %add3A, %dma_start3A_361, %dma_start3A_362] : memref<200x8x32x8x128xf32, #tpu.memory_space<hbm>> -> memref<1x8x1x8x128xf32, #tpu.memory_space<hbm>>
      %dma_start3A_364 = tpu.memref_squeeze %dma_start3A_363 : memref<1x8x1x8x128xf32, #tpu.memory_space<hbm>> -> memref<8x8x128xf32, #tpu.memory_space<hbm>>
      %dma_start3A_365 = arith.constant 0 : i32
      %dma_start3A_366 = arith.constant 0 : i32
      %dma_start3A_367 = arith.constant 0 : i32
      %dma_start3A_368 = tpu.memref_slice %arg5[%add3A_244, %dma_start3A_365, %add3A, %dma_start3A_366, %dma_start3A_367] : memref<200x8x32x8x128xf32, #tpu.memory_space<hbm>> -> memref<1x8x1x8x128xf32, #tpu.memory_space<hbm>>
      %dma_start3A_369 = tpu.memref_squeeze %dma_start3A_368 : memref<1x8x1x8x128xf32, #tpu.memory_space<hbm>> -> memref<8x8x128xf32, #tpu.memory_space<hbm>>
      %dma_start3A_370 = arith.constant 0 : i32
      %dma_start3A_371 = arith.constant 0 : i32
      %dma_start3A_372 = arith.constant 0 : i32
      %dma_start3A_373 = tpu.memref_slice %arg12[%dma_start3A_370, %dma_start3A_371, %dma_start3A_372] : memref<8x8x129xf32, #tpu.memory_space<vmem>> -> memref<8x8x128xf32, #tpu.memory_space<vmem>>
      tpu.enqueue_dma source(%dma_start3A_373 : memref<8x8x128xf32, #tpu.memory_space<vmem>>) target(%dma_start3A_369 : memref<8x8x128xf32, #tpu.memory_space<hbm>>) target_semaphore(%arg21 : memref<!tpu.dma_semaphore, #tpu.memory_space<semaphore_mem>>)
      %add3A_374 = arith.constant 4 : i32
      %add3A_375 = arith.addi %add3A_244, %add3A_374 : i32
      %lt3A_376 = arith.constant 200 : i32
      %lt3A_377 = arith.cmpi slt, %add3A_375, %lt3A_376 : i32
      %convert_element_type3A_378 = arith.extui %lt3A_377 : i1 to i32
      %cond3A_379 = arith.constant 0 : i32
      %cond3A_380 = arith.cmpi ne, %convert_element_type3A_378, %cond3A_379 : i32
      scf.if %cond3A_380 {
        %add3A_661 = arith.constant 4 : i32
        %add3A_662 = arith.addi %add3A_244, %add3A_661 : i32
        %dma_start3A_663 = arith.constant 0 : i32
        %dma_start3A_664 = tpu.memref_slice %arg6[%add3A_662, %dma_start3A_663] : memref<200x128xi32, #tpu.memory_space<vmem>> -> memref<1x128xi32, #tpu.memory_space<vmem>>
        %dma_start3A_665 = tpu.memref_squeeze %dma_start3A_664 : memref<1x128xi32, #tpu.memory_space<vmem>> -> memref<128xi32, #tpu.memory_space<vmem>>
        %dma_start3A_666 = arith.constant 0 : i32
        %dma_start3A_667 = arith.constant 0 : i32
        %dma_start3A_668 = tpu.memref_slice %arg2[%dma_start3A_666, %dma_start3A_667] : memref<1000000x64xf32, #tpu.memory_space<hbm>> -> memref<1000000x64xf32, #tpu.memory_space<hbm>>
        tpu.enqueue_indirect_dma source(%dma_start3A_668 : memref<1000000x64xf32, #tpu.memory_space<hbm>>) target(%arg8 : memref<128x64xf32, #tpu.memory_space<vmem>>) offsets(%dma_start3A_665 : memref<128xi32, #tpu.memory_space<vmem>>) semaphore(%arg17 : memref<!tpu.dma_semaphore, #tpu.memory_space<semaphore_mem>>)
      } else {
      }
      %mul3A_381 = arith.constant 4 : i32
      %mul3A_382 = arith.muli %add3A_115, %mul3A_381 : i32
      %add3A_383 = arith.constant 2 : i32
      %add3A_384 = arith.addi %mul3A_382, %add3A_383 : i32
      %dma_wait3A_385 = arith.constant 0 : i32
      %dma_wait3A_386 = arith.constant 0 : i32
      %dma_wait3A_387 = tpu.memref_slice %arg2[%dma_wait3A_385, %dma_wait3A_386] : memref<1000000x64xf32, #tpu.memory_space<hbm>> -> memref<128x64xf32, #tpu.memory_space<hbm>>
      %dma_wait3A_388 = arith.constant 0 : i32
      %dma_wait3A_389 = arith.constant 0 : i32
      %dma_wait3A_390 = tpu.memref_slice %arg2[%dma_wait3A_388, %dma_wait3A_389] : memref<1000000x64xf32, #tpu.memory_space<hbm>> -> memref<128x64xf32, #tpu.memory_space<hbm>>
      tpu.wait_dma2 semaphore(%arg18 : memref<!tpu.dma_semaphore, #tpu.memory_space<semaphore_mem>>) src(%dma_wait3A_390 : memref<128x64xf32, #tpu.memory_space<hbm>>) dst(%arg9 : memref<128x64xf32, #tpu.memory_space<vmem>>)
      %gt3A_391 = arith.constant 0 : i32
      %gt3A_392 = arith.cmpi sgt, %add3A_115, %gt3A_391 : i32
      %convert_element_type3A_393 = arith.extui %gt3A_392 : i1 to i32
      %cond3A_394 = arith.constant 0 : i32
      %cond3A_395 = arith.cmpi ne, %convert_element_type3A_393, %cond3A_394 : i32
      scf.if %cond3A_395 {
        %dma_wait3A_661 = arith.constant 0 : i32
        %dma_wait3A_662 = arith.constant 0 : i32
        %dma_wait3A_663 = arith.constant 0 : i32
        %dma_wait3A_664 = arith.constant 0 : i32
        %dma_wait3A_665 = arith.constant 0 : i32
        %dma_wait3A_666 = tpu.memref_slice %arg13[%dma_wait3A_663, %dma_wait3A_664, %dma_wait3A_665] : memref<8x8x129xf32, #tpu.memory_space<vmem>> -> memref<8x8x128xf32, #tpu.memory_space<vmem>>
        %dma_wait3A_667 = arith.constant 0 : i32
        %dma_wait3A_668 = arith.constant 0 : i32
        %dma_wait3A_669 = arith.constant 0 : i32
        %dma_wait3A_670 = tpu.memref_slice %arg5[%dma_wait3A_661, %dma_wait3A_667, %dma_wait3A_662, %dma_wait3A_668, %dma_wait3A_669] : memref<200x8x32x8x128xf32, #tpu.memory_space<hbm>> -> memref<1x8x1x8x128xf32, #tpu.memory_space<hbm>>
        %dma_wait3A_671 = tpu.memref_squeeze %dma_wait3A_670 : memref<1x8x1x8x128xf32, #tpu.memory_space<hbm>> -> memref<8x8x128xf32, #tpu.memory_space<hbm>>
        %dma_wait3A_672 = arith.constant 0 : i32
        %dma_wait3A_673 = arith.constant 0 : i32
        %dma_wait3A_674 = arith.constant 0 : i32
        %dma_wait3A_675 = tpu.memref_slice %arg5[%dma_wait3A_661, %dma_wait3A_672, %dma_wait3A_662, %dma_wait3A_673, %dma_wait3A_674] : memref<200x8x32x8x128xf32, #tpu.memory_space<hbm>> -> memref<1x8x1x8x128xf32, #tpu.memory_space<hbm>>
        %dma_wait3A_676 = tpu.memref_squeeze %dma_wait3A_675 : memref<1x8x1x8x128xf32, #tpu.memory_space<hbm>> -> memref<8x8x128xf32, #tpu.memory_space<hbm>>
        %dma_wait3A_677 = arith.constant 0 : i32
        %dma_wait3A_678 = arith.constant 0 : i32
        %dma_wait3A_679 = arith.constant 0 : i32
        %dma_wait3A_680 = tpu.memref_slice %arg13[%dma_wait3A_677, %dma_wait3A_678, %dma_wait3A_679] : memref<8x8x129xf32, #tpu.memory_space<vmem>> -> memref<8x8x128xf32, #tpu.memory_space<vmem>>
        tpu.wait_dma2 semaphore(%arg22 : memref<!tpu.dma_semaphore, #tpu.memory_space<semaphore_mem>>) src(%dma_wait3A_680 : memref<8x8x128xf32, #tpu.memory_space<vmem>>) dst(%dma_wait3A_676 : memref<8x8x128xf32, #tpu.memory_space<hbm>>)
      } else {
      }
      %jit3A_396 = arith.constant 2 : i32
      %div3A_397 = arith.divsi %add3A_384, %jit3A_396 : i32
      %sign3A_398 = arith.constant 0 : i32
      %sign3A_399 = arith.cmpi sgt, %add3A_384, %sign3A_398 : i32
      %sign3A_400 = arith.extui %sign3A_399 : i1 to i32
      %sign3A_401 = arith.constant 0 : i32
      %sign3A_402 = arith.cmpi slt, %add3A_384, %sign3A_401 : i32
      %sign3A_403 = arith.extui %sign3A_402 : i1 to i32
      %sign3A_404 = arith.subi %sign3A_400, %sign3A_403 : i32
      %sign3A_405 = arith.constant 0 : i32
      %sign3A_406 = arith.cmpi sgt, %jit3A_396, %sign3A_405 : i32
      %sign3A_407 = arith.extui %sign3A_406 : i1 to i32
      %sign3A_408 = arith.constant 0 : i32
      %sign3A_409 = arith.cmpi slt, %jit3A_396, %sign3A_408 : i32
      %sign3A_410 = arith.extui %sign3A_409 : i1 to i32
      %sign3A_411 = arith.subi %sign3A_407, %sign3A_410 : i32
      %ne3A_412 = arith.cmpi ne, %sign3A_404, %sign3A_411 : i32
      %rem3A_413 = arith.remsi %add3A_384, %jit3A_396 : i32
      %ne3A_414 = arith.constant 0 : i32
      %ne3A_415 = arith.cmpi ne, %rem3A_413, %ne3A_414 : i32
      %and3A_416 = arith.andi %ne3A_412, %ne3A_415 : i1
      %sub3A_417 = arith.constant 1 : i32
      %sub3A_418 = arith.subi %div3A_397, %sub3A_417 : i32
      %select_n3A_419 = arith.select %and3A_416, %sub3A_418, %div3A_397 : i32
      %jit3A_420 = arith.constant 2 : i32
      %eq3A_421 = arith.constant 0 : i32
      %eq3A_422 = arith.cmpi eq, %jit3A_420, %eq3A_421 : i32
      %jit3A_423 = arith.constant 1 : i32
      %select_n3A_424 = arith.select %eq3A_422, %jit3A_423, %jit3A_420 : i32
      %rem3A_425 = arith.remsi %add3A_384, %select_n3A_424 : i32
      %ne3A_426 = arith.constant 0 : i32
      %ne3A_427 = arith.cmpi ne, %rem3A_425, %ne3A_426 : i32
      %lt3A_428 = arith.constant 0 : i32
      %lt3A_429 = arith.cmpi slt, %rem3A_425, %lt3A_428 : i32
      %lt3A_430 = arith.constant 0 : i32
      %lt3A_431 = arith.cmpi slt, %select_n3A_424, %lt3A_430 : i32
      %ne3A_432 = arith.xori %lt3A_429, %lt3A_431 : i1
      %and3A_433 = arith.andi %ne3A_432, %ne3A_427 : i1
      %add3A_434 = arith.addi %rem3A_425, %select_n3A_424 : i32
      %select_n3A_435 = arith.select %and3A_433, %add3A_434, %rem3A_425 : i32
      %mul3A_436 = arith.constant 64 : i32
      %mul3A_437 = arith.muli %select_n3A_435, %mul3A_436 : i32
      %add3A_438 = arith.constant 0 : i32
      %add3A_439 = arith.addi %mul3A_437, %add3A_438 : i32
      %get3A_440 = arith.index_cast %select_n3A_419 : i32 to index
      %get3A_441 = arith.index_cast %add3A_439 : i32 to index
      %get3A_442 = tpu.vector_load %arg15[%get3A_440, %get3A_441] {strides = array<i32>} : memref<100x128xf32, #tpu.memory_space<vmem>>, vector<16xf32>,
      %add3A_443 = arith.constant 16 : i32
      %add3A_444 = arith.addi %mul3A_437, %add3A_443 : i32
      %get3A_445 = arith.index_cast %select_n3A_419 : i32 to index
      %get3A_446 = arith.index_cast %add3A_444 : i32 to index
      %get3A_447 = tpu.vector_load %arg15[%get3A_445, %get3A_446] {strides = array<i32>} : memref<100x128xf32, #tpu.memory_space<vmem>>, vector<16xf32>,
      %add3A_448 = arith.constant 32 : i32
      %add3A_449 = arith.addi %mul3A_437, %add3A_448 : i32
      %get3A_450 = arith.index_cast %select_n3A_419 : i32 to index
      %get3A_451 = arith.index_cast %add3A_449 : i32 to index
      %get3A_452 = tpu.vector_load %arg15[%get3A_450, %get3A_451] {strides = array<i32>} : memref<100x128xf32, #tpu.memory_space<vmem>>, vector<16xf32>,
      %add3A_453 = arith.constant 48 : i32
      %add3A_454 = arith.addi %mul3A_437, %add3A_453 : i32
      %get3A_455 = arith.index_cast %select_n3A_419 : i32 to index
      %get3A_456 = arith.index_cast %add3A_454 : i32 to index
      %get3A_457 = tpu.vector_load %arg15[%get3A_455, %get3A_456] {strides = array<i32>} : memref<100x128xf32, #tpu.memory_space<vmem>>, vector<16xf32>,
      %shift_right_arithmetic3A_458 = arith.constant 3 : i32
      %shift_right_arithmetic3A_459 = vector.broadcast %shift_right_arithmetic3A_458 : i32 to vector<16xi32>
      %shift_right_arithmetic3A_460 = arith.shrsi %iota3A, %shift_right_arithmetic3A_459 : vector<16xi32>
      %and3A_461 = arith.constant 7 : i32
      %and3A_462 = vector.broadcast %and3A_461 : i32 to vector<16xi32>
      %and3A_463 = arith.andi %iota3A, %and3A_462 : vector<16xi32>
      %add3A_464 = arith.constant 0 : i32
      %add3A_465 = vector.broadcast %add3A_464 : i32 to vector<16xi32>
      %add3A_466 = arith.addi %shift_right_arithmetic3A_460, %add3A_465 : vector<16xi32>
      %scan3A_467 = arith.constant 0 : i32
      %scan3A_468 = arith.constant 128 : i32
      %scan3A_469 = arith.addi %scan3A_467, %scan3A_468 : i32
      %scan3A_470 = arith.constant 4 : i32
      scf.for %scan3A_661 = %scan3A_467 to %scan3A_469 step %scan3A_470  : i32 {
        %mul3A_662 = arith.constant 1 : i32
        %mul3A_663 = arith.muli %scan3A_661, %mul3A_662 : i32
        %add3A_664 = arith.constant 0 : i32
        %add3A_665 = arith.addi %add3A_664, %mul3A_663 : i32
        %get3A_666 = arith.index_cast %add3A_665 : i32 to index
        %get3A_667 = arith.constant 0 : index
        %get3A_668 = tpu.vector_load %arg9[%get3A_666, %get3A_667] {strides = array<i32>} : memref<128x64xf32, #tpu.memory_space<vmem>>, vector<16xf32>,
        %add3A_669 = arith.addf %get3A_668, %get3A_442 : vector<16xf32>
        %broadcast_in_dim3A = vector.broadcast %add3A_665 : i32 to vector<16xi32>
        tpu.vector_store_idx %arg13[%add3A_466, %and3A_463, %broadcast_in_dim3A], %add3A_669 : memref<8x8x129xf32, #tpu.memory_space<vmem>>[vector<16xi32>, vector<16xi32>, vector<16xi32>], vector<16xf32>,
        %scan3A_670 = arith.constant 1 : i32
        %scan3A_671 = arith.addi %scan3A_661, %scan3A_670 : i32
        %mul3A_672 = arith.constant 1 : i32
        %mul3A_673 = arith.muli %scan3A_671, %mul3A_672 : i32
        %add3A_674 = arith.constant 0 : i32
        %add3A_675 = arith.addi %add3A_674, %mul3A_673 : i32
        %get3A_676 = arith.index_cast %add3A_675 : i32 to index
        %get3A_677 = arith.constant 0 : index
        %get3A_678 = tpu.vector_load %arg9[%get3A_676, %get3A_677] {strides = array<i32>} : memref<128x64xf32, #tpu.memory_space<vmem>>, vector<16xf32>,
        %add3A_679 = arith.addf %get3A_678, %get3A_442 : vector<16xf32>
        %broadcast_in_dim3A_680 = vector.broadcast %add3A_675 : i32 to vector<16xi32>
        tpu.vector_store_idx %arg13[%add3A_466, %and3A_463, %broadcast_in_dim3A_680], %add3A_679 : memref<8x8x129xf32, #tpu.memory_space<vmem>>[vector<16xi32>, vector<16xi32>, vector<16xi32>], vector<16xf32>,
        %scan3A_681 = arith.constant 2 : i32
        %scan3A_682 = arith.addi %scan3A_661, %scan3A_681 : i32
        %mul3A_683 = arith.constant 1 : i32
        %mul3A_684 = arith.muli %scan3A_682, %mul3A_683 : i32
        %add3A_685 = arith.constant 0 : i32
        %add3A_686 = arith.addi %add3A_685, %mul3A_684 : i32
        %get3A_687 = arith.index_cast %add3A_686 : i32 to index
        %get3A_688 = arith.constant 0 : index
        %get3A_689 = tpu.vector_load %arg9[%get3A_687, %get3A_688] {strides = array<i32>} : memref<128x64xf32, #tpu.memory_space<vmem>>, vector<16xf32>,
        %add3A_690 = arith.addf %get3A_689, %get3A_442 : vector<16xf32>
        %broadcast_in_dim3A_691 = vector.broadcast %add3A_686 : i32 to vector<16xi32>
        tpu.vector_store_idx %arg13[%add3A_466, %and3A_463, %broadcast_in_dim3A_691], %add3A_690 : memref<8x8x129xf32, #tpu.memory_space<vmem>>[vector<16xi32>, vector<16xi32>, vector<16xi32>], vector<16xf32>,
        %scan3A_692 = arith.constant 3 : i32
        %scan3A_693 = arith.addi %scan3A_661, %scan3A_692 : i32
        %mul3A_694 = arith.constant 1 : i32
        %mul3A_695 = arith.muli %scan3A_693, %mul3A_694 : i32
        %add3A_696 = arith.constant 0 : i32
        %add3A_697 = arith.addi %add3A_696, %mul3A_695 : i32
        %get3A_698 = arith.index_cast %add3A_697 : i32 to index
        %get3A_699 = arith.constant 0 : index
        %get3A_700 = tpu.vector_load %arg9[%get3A_698, %get3A_699] {strides = array<i32>} : memref<128x64xf32, #tpu.memory_space<vmem>>, vector<16xf32>,
        %add3A_701 = arith.addf %get3A_700, %get3A_442 : vector<16xf32>
        %broadcast_in_dim3A_702 = vector.broadcast %add3A_697 : i32 to vector<16xi32>
        tpu.vector_store_idx %arg13[%add3A_466, %and3A_463, %broadcast_in_dim3A_702], %add3A_701 : memref<8x8x129xf32, #tpu.memory_space<vmem>>[vector<16xi32>, vector<16xi32>, vector<16xi32>], vector<16xf32>,
      }
      %scan3A_471 = arith.constant 128 : i32
      %add3A_472 = arith.constant 2 : i32
      %add3A_473 = vector.broadcast %add3A_472 : i32 to vector<16xi32>
      %add3A_474 = arith.addi %shift_right_arithmetic3A_460, %add3A_473 : vector<16xi32>
      %scan3A_475 = arith.constant 0 : i32
      %scan3A_476 = arith.constant 128 : i32
      %scan3A_477 = arith.addi %scan3A_475, %scan3A_476 : i32
      %scan3A_478 = arith.constant 4 : i32
      scf.for %scan3A_661 = %scan3A_475 to %scan3A_477 step %scan3A_478  : i32 {
        %mul3A_662 = arith.constant 1 : i32
        %mul3A_663 = arith.muli %scan3A_661, %mul3A_662 : i32
        %add3A_664 = arith.constant 0 : i32
        %add3A_665 = arith.addi %add3A_664, %mul3A_663 : i32
        %get3A_666 = arith.index_cast %add3A_665 : i32 to index
        %get3A_667 = arith.constant 16 : index
        %get3A_668 = tpu.vector_load %arg9[%get3A_666, %get3A_667] {strides = array<i32>} : memref<128x64xf32, #tpu.memory_space<vmem>>, vector<16xf32>,
        %add3A_669 = arith.addf %get3A_668, %get3A_447 : vector<16xf32>
        %broadcast_in_dim3A = vector.broadcast %add3A_665 : i32 to vector<16xi32>
        tpu.vector_store_idx %arg13[%add3A_474, %and3A_463, %broadcast_in_dim3A], %add3A_669 : memref<8x8x129xf32, #tpu.memory_space<vmem>>[vector<16xi32>, vector<16xi32>, vector<16xi32>], vector<16xf32>,
        %scan3A_670 = arith.constant 1 : i32
        %scan3A_671 = arith.addi %scan3A_661, %scan3A_670 : i32
        %mul3A_672 = arith.constant 1 : i32
        %mul3A_673 = arith.muli %scan3A_671, %mul3A_672 : i32
        %add3A_674 = arith.constant 0 : i32
        %add3A_675 = arith.addi %add3A_674, %mul3A_673 : i32
        %get3A_676 = arith.index_cast %add3A_675 : i32 to index
        %get3A_677 = arith.constant 16 : index
        %get3A_678 = tpu.vector_load %arg9[%get3A_676, %get3A_677] {strides = array<i32>} : memref<128x64xf32, #tpu.memory_space<vmem>>, vector<16xf32>,
        %add3A_679 = arith.addf %get3A_678, %get3A_447 : vector<16xf32>
        %broadcast_in_dim3A_680 = vector.broadcast %add3A_675 : i32 to vector<16xi32>
        tpu.vector_store_idx %arg13[%add3A_474, %and3A_463, %broadcast_in_dim3A_680], %add3A_679 : memref<8x8x129xf32, #tpu.memory_space<vmem>>[vector<16xi32>, vector<16xi32>, vector<16xi32>], vector<16xf32>,
        %scan3A_681 = arith.constant 2 : i32
        %scan3A_682 = arith.addi %scan3A_661, %scan3A_681 : i32
        %mul3A_683 = arith.constant 1 : i32
        %mul3A_684 = arith.muli %scan3A_682, %mul3A_683 : i32
        %add3A_685 = arith.constant 0 : i32
        %add3A_686 = arith.addi %add3A_685, %mul3A_684 : i32
        %get3A_687 = arith.index_cast %add3A_686 : i32 to index
        %get3A_688 = arith.constant 16 : index
        %get3A_689 = tpu.vector_load %arg9[%get3A_687, %get3A_688] {strides = array<i32>} : memref<128x64xf32, #tpu.memory_space<vmem>>, vector<16xf32>,
        %add3A_690 = arith.addf %get3A_689, %get3A_447 : vector<16xf32>
        %broadcast_in_dim3A_691 = vector.broadcast %add3A_686 : i32 to vector<16xi32>
        tpu.vector_store_idx %arg13[%add3A_474, %and3A_463, %broadcast_in_dim3A_691], %add3A_690 : memref<8x8x129xf32, #tpu.memory_space<vmem>>[vector<16xi32>, vector<16xi32>, vector<16xi32>], vector<16xf32>,
        %scan3A_692 = arith.constant 3 : i32
        %scan3A_693 = arith.addi %scan3A_661, %scan3A_692 : i32
        %mul3A_694 = arith.constant 1 : i32
        %mul3A_695 = arith.muli %scan3A_693, %mul3A_694 : i32
        %add3A_696 = arith.constant 0 : i32
        %add3A_697 = arith.addi %add3A_696, %mul3A_695 : i32
        %get3A_698 = arith.index_cast %add3A_697 : i32 to index
        %get3A_699 = arith.constant 16 : index
        %get3A_700 = tpu.vector_load %arg9[%get3A_698, %get3A_699] {strides = array<i32>} : memref<128x64xf32, #tpu.memory_space<vmem>>, vector<16xf32>,
        %add3A_701 = arith.addf %get3A_700, %get3A_447 : vector<16xf32>
        %broadcast_in_dim3A_702 = vector.broadcast %add3A_697 : i32 to vector<16xi32>
        tpu.vector_store_idx %arg13[%add3A_474, %and3A_463, %broadcast_in_dim3A_702], %add3A_701 : memref<8x8x129xf32, #tpu.memory_space<vmem>>[vector<16xi32>, vector<16xi32>, vector<16xi32>], vector<16xf32>,
      }
      %scan3A_479 = arith.constant 128 : i32
      %add3A_480 = arith.constant 4 : i32
      %add3A_481 = vector.broadcast %add3A_480 : i32 to vector<16xi32>
      %add3A_482 = arith.addi %shift_right_arithmetic3A_460, %add3A_481 : vector<16xi32>
      %scan3A_483 = arith.constant 0 : i32
      %scan3A_484 = arith.constant 128 : i32
      %scan3A_485 = arith.addi %scan3A_483, %scan3A_484 : i32
      %scan3A_486 = arith.constant 4 : i32
      scf.for %scan3A_661 = %scan3A_483 to %scan3A_485 step %scan3A_486  : i32 {
        %mul3A_662 = arith.constant 1 : i32
        %mul3A_663 = arith.muli %scan3A_661, %mul3A_662 : i32
        %add3A_664 = arith.constant 0 : i32
        %add3A_665 = arith.addi %add3A_664, %mul3A_663 : i32
        %get3A_666 = arith.index_cast %add3A_665 : i32 to index
        %get3A_667 = arith.constant 32 : index
        %get3A_668 = tpu.vector_load %arg9[%get3A_666, %get3A_667] {strides = array<i32>} : memref<128x64xf32, #tpu.memory_space<vmem>>, vector<16xf32>,
        %add3A_669 = arith.addf %get3A_668, %get3A_452 : vector<16xf32>
        %broadcast_in_dim3A = vector.broadcast %add3A_665 : i32 to vector<16xi32>
        tpu.vector_store_idx %arg13[%add3A_482, %and3A_463, %broadcast_in_dim3A], %add3A_669 : memref<8x8x129xf32, #tpu.memory_space<vmem>>[vector<16xi32>, vector<16xi32>, vector<16xi32>], vector<16xf32>,
        %scan3A_670 = arith.constant 1 : i32
        %scan3A_671 = arith.addi %scan3A_661, %scan3A_670 : i32
        %mul3A_672 = arith.constant 1 : i32
        %mul3A_673 = arith.muli %scan3A_671, %mul3A_672 : i32
        %add3A_674 = arith.constant 0 : i32
        %add3A_675 = arith.addi %add3A_674, %mul3A_673 : i32
        %get3A_676 = arith.index_cast %add3A_675 : i32 to index
        %get3A_677 = arith.constant 32 : index
        %get3A_678 = tpu.vector_load %arg9[%get3A_676, %get3A_677] {strides = array<i32>} : memref<128x64xf32, #tpu.memory_space<vmem>>, vector<16xf32>,
        %add3A_679 = arith.addf %get3A_678, %get3A_452 : vector<16xf32>
        %broadcast_in_dim3A_680 = vector.broadcast %add3A_675 : i32 to vector<16xi32>
        tpu.vector_store_idx %arg13[%add3A_482, %and3A_463, %broadcast_in_dim3A_680], %add3A_679 : memref<8x8x129xf32, #tpu.memory_space<vmem>>[vector<16xi32>, vector<16xi32>, vector<16xi32>], vector<16xf32>,
        %scan3A_681 = arith.constant 2 : i32
        %scan3A_682 = arith.addi %scan3A_661, %scan3A_681 : i32
        %mul3A_683 = arith.constant 1 : i32
        %mul3A_684 = arith.muli %scan3A_682, %mul3A_683 : i32
        %add3A_685 = arith.constant 0 : i32
        %add3A_686 = arith.addi %add3A_685, %mul3A_684 : i32
        %get3A_687 = arith.index_cast %add3A_686 : i32 to index
        %get3A_688 = arith.constant 32 : index
        %get3A_689 = tpu.vector_load %arg9[%get3A_687, %get3A_688] {strides = array<i32>} : memref<128x64xf32, #tpu.memory_space<vmem>>, vector<16xf32>,
        %add3A_690 = arith.addf %get3A_689, %get3A_452 : vector<16xf32>
        %broadcast_in_dim3A_691 = vector.broadcast %add3A_686 : i32 to vector<16xi32>
        tpu.vector_store_idx %arg13[%add3A_482, %and3A_463, %broadcast_in_dim3A_691], %add3A_690 : memref<8x8x129xf32, #tpu.memory_space<vmem>>[vector<16xi32>, vector<16xi32>, vector<16xi32>], vector<16xf32>,
        %scan3A_692 = arith.constant 3 : i32
        %scan3A_693 = arith.addi %scan3A_661, %scan3A_692 : i32
        %mul3A_694 = arith.constant 1 : i32
        %mul3A_695 = arith.muli %scan3A_693, %mul3A_694 : i32
        %add3A_696 = arith.constant 0 : i32
        %add3A_697 = arith.addi %add3A_696, %mul3A_695 : i32
        %get3A_698 = arith.index_cast %add3A_697 : i32 to index
        %get3A_699 = arith.constant 32 : index
        %get3A_700 = tpu.vector_load %arg9[%get3A_698, %get3A_699] {strides = array<i32>} : memref<128x64xf32, #tpu.memory_space<vmem>>, vector<16xf32>,
        %add3A_701 = arith.addf %get3A_700, %get3A_452 : vector<16xf32>
        %broadcast_in_dim3A_702 = vector.broadcast %add3A_697 : i32 to vector<16xi32>
        tpu.vector_store_idx %arg13[%add3A_482, %and3A_463, %broadcast_in_dim3A_702], %add3A_701 : memref<8x8x129xf32, #tpu.memory_space<vmem>>[vector<16xi32>, vector<16xi32>, vector<16xi32>], vector<16xf32>,
      }
      %scan3A_487 = arith.constant 128 : i32
      %add3A_488 = arith.constant 6 : i32
      %add3A_489 = vector.broadcast %add3A_488 : i32 to vector<16xi32>
      %add3A_490 = arith.addi %shift_right_arithmetic3A_460, %add3A_489 : vector<16xi32>
      %scan3A_491 = arith.constant 0 : i32
      %scan3A_492 = arith.constant 128 : i32
      %scan3A_493 = arith.addi %scan3A_491, %scan3A_492 : i32
      %scan3A_494 = arith.constant 4 : i32
      scf.for %scan3A_661 = %scan3A_491 to %scan3A_493 step %scan3A_494  : i32 {
        %mul3A_662 = arith.constant 1 : i32
        %mul3A_663 = arith.muli %scan3A_661, %mul3A_662 : i32
        %add3A_664 = arith.constant 0 : i32
        %add3A_665 = arith.addi %add3A_664, %mul3A_663 : i32
        %get3A_666 = arith.index_cast %add3A_665 : i32 to index
        %get3A_667 = arith.constant 48 : index
        %get3A_668 = tpu.vector_load %arg9[%get3A_666, %get3A_667] {strides = array<i32>} : memref<128x64xf32, #tpu.memory_space<vmem>>, vector<16xf32>,
        %add3A_669 = arith.addf %get3A_668, %get3A_457 : vector<16xf32>
        %broadcast_in_dim3A = vector.broadcast %add3A_665 : i32 to vector<16xi32>
        tpu.vector_store_idx %arg13[%add3A_490, %and3A_463, %broadcast_in_dim3A], %add3A_669 : memref<8x8x129xf32, #tpu.memory_space<vmem>>[vector<16xi32>, vector<16xi32>, vector<16xi32>], vector<16xf32>,
        %scan3A_670 = arith.constant 1 : i32
        %scan3A_671 = arith.addi %scan3A_661, %scan3A_670 : i32
        %mul3A_672 = arith.constant 1 : i32
        %mul3A_673 = arith.muli %scan3A_671, %mul3A_672 : i32
        %add3A_674 = arith.constant 0 : i32
        %add3A_675 = arith.addi %add3A_674, %mul3A_673 : i32
        %get3A_676 = arith.index_cast %add3A_675 : i32 to index
        %get3A_677 = arith.constant 48 : index
        %get3A_678 = tpu.vector_load %arg9[%get3A_676, %get3A_677] {strides = array<i32>} : memref<128x64xf32, #tpu.memory_space<vmem>>, vector<16xf32>,
        %add3A_679 = arith.addf %get3A_678, %get3A_457 : vector<16xf32>
        %broadcast_in_dim3A_680 = vector.broadcast %add3A_675 : i32 to vector<16xi32>
        tpu.vector_store_idx %arg13[%add3A_490, %and3A_463, %broadcast_in_dim3A_680], %add3A_679 : memref<8x8x129xf32, #tpu.memory_space<vmem>>[vector<16xi32>, vector<16xi32>, vector<16xi32>], vector<16xf32>,
        %scan3A_681 = arith.constant 2 : i32
        %scan3A_682 = arith.addi %scan3A_661, %scan3A_681 : i32
        %mul3A_683 = arith.constant 1 : i32
        %mul3A_684 = arith.muli %scan3A_682, %mul3A_683 : i32
        %add3A_685 = arith.constant 0 : i32
        %add3A_686 = arith.addi %add3A_685, %mul3A_684 : i32
        %get3A_687 = arith.index_cast %add3A_686 : i32 to index
        %get3A_688 = arith.constant 48 : index
        %get3A_689 = tpu.vector_load %arg9[%get3A_687, %get3A_688] {strides = array<i32>} : memref<128x64xf32, #tpu.memory_space<vmem>>, vector<16xf32>,
        %add3A_690 = arith.addf %get3A_689, %get3A_457 : vector<16xf32>
        %broadcast_in_dim3A_691 = vector.broadcast %add3A_686 : i32 to vector<16xi32>
        tpu.vector_store_idx %arg13[%add3A_490, %and3A_463, %broadcast_in_dim3A_691], %add3A_690 : memref<8x8x129xf32, #tpu.memory_space<vmem>>[vector<16xi32>, vector<16xi32>, vector<16xi32>], vector<16xf32>,
        %scan3A_692 = arith.constant 3 : i32
        %scan3A_693 = arith.addi %scan3A_661, %scan3A_692 : i32
        %mul3A_694 = arith.constant 1 : i32
        %mul3A_695 = arith.muli %scan3A_693, %mul3A_694 : i32
        %add3A_696 = arith.constant 0 : i32
        %add3A_697 = arith.addi %add3A_696, %mul3A_695 : i32
        %get3A_698 = arith.index_cast %add3A_697 : i32 to index
        %get3A_699 = arith.constant 48 : index
        %get3A_700 = tpu.vector_load %arg9[%get3A_698, %get3A_699] {strides = array<i32>} : memref<128x64xf32, #tpu.memory_space<vmem>>, vector<16xf32>,
        %add3A_701 = arith.addf %get3A_700, %get3A_457 : vector<16xf32>
        %broadcast_in_dim3A_702 = vector.broadcast %add3A_697 : i32 to vector<16xi32>
        tpu.vector_store_idx %arg13[%add3A_490, %and3A_463, %broadcast_in_dim3A_702], %add3A_701 : memref<8x8x129xf32, #tpu.memory_space<vmem>>[vector<16xi32>, vector<16xi32>, vector<16xi32>], vector<16xf32>,
      }
      %scan3A_495 = arith.constant 128 : i32
      %dma_start3A_496 = arith.constant 0 : i32
      %dma_start3A_497 = arith.constant 0 : i32
      %dma_start3A_498 = arith.constant 0 : i32
      %dma_start3A_499 = tpu.memref_slice %arg13[%dma_start3A_496, %dma_start3A_497, %dma_start3A_498] : memref<8x8x129xf32, #tpu.memory_space<vmem>> -> memref<8x8x128xf32, #tpu.memory_space<vmem>>
      %dma_start3A_500 = arith.constant 0 : i32
      %dma_start3A_501 = arith.constant 0 : i32
      %dma_start3A_502 = arith.constant 0 : i32
      %dma_start3A_503 = tpu.memref_slice %arg5[%add3A_384, %dma_start3A_500, %add3A, %dma_start3A_501, %dma_start3A_502] : memref<200x8x32x8x128xf32, #tpu.memory_space<hbm>> -> memref<1x8x1x8x128xf32, #tpu.memory_space<hbm>>
      %dma_start3A_504 = tpu.memref_squeeze %dma_start3A_503 : memref<1x8x1x8x128xf32, #tpu.memory_space<hbm>> -> memref<8x8x128xf32, #tpu.memory_space<hbm>>
      %dma_start3A_505 = arith.constant 0 : i32
      %dma_start3A_506 = arith.constant 0 : i32
      %dma_start3A_507 = arith.constant 0 : i32
      %dma_start3A_508 = tpu.memref_slice %arg5[%add3A_384, %dma_start3A_505, %add3A, %dma_start3A_506, %dma_start3A_507] : memref<200x8x32x8x128xf32, #tpu.memory_space<hbm>> -> memref<1x8x1x8x128xf32, #tpu.memory_space<hbm>>
      %dma_start3A_509 = tpu.memref_squeeze %dma_start3A_508 : memref<1x8x1x8x128xf32, #tpu.memory_space<hbm>> -> memref<8x8x128xf32, #tpu.memory_space<hbm>>
      %dma_start3A_510 = arith.constant 0 : i32
      %dma_start3A_511 = arith.constant 0 : i32
      %dma_start3A_512 = arith.constant 0 : i32
      %dma_start3A_513 = tpu.memref_slice %arg13[%dma_start3A_510, %dma_start3A_511, %dma_start3A_512] : memref<8x8x129xf32, #tpu.memory_space<vmem>> -> memref<8x8x128xf32, #tpu.memory_space<vmem>>
      tpu.enqueue_dma source(%dma_start3A_513 : memref<8x8x128xf32, #tpu.memory_space<vmem>>) target(%dma_start3A_509 : memref<8x8x128xf32, #tpu.memory_space<hbm>>) target_semaphore(%arg22 : memref<!tpu.dma_semaphore, #tpu.memory_space<semaphore_mem>>)
      %add3A_514 = arith.constant 4 : i32
      %add3A_515 = arith.addi %add3A_384, %add3A_514 : i32
      %lt3A_516 = arith.constant 200 : i32
      %lt3A_517 = arith.cmpi slt, %add3A_515, %lt3A_516 : i32
      %convert_element_type3A_518 = arith.extui %lt3A_517 : i1 to i32
      %cond3A_519 = arith.constant 0 : i32
      %cond3A_520 = arith.cmpi ne, %convert_element_type3A_518, %cond3A_519 : i32
      scf.if %cond3A_520 {
        %add3A_661 = arith.constant 4 : i32
        %add3A_662 = arith.addi %add3A_384, %add3A_661 : i32
        %dma_start3A_663 = arith.constant 0 : i32
        %dma_start3A_664 = tpu.memref_slice %arg6[%add3A_662, %dma_start3A_663] : memref<200x128xi32, #tpu.memory_space<vmem>> -> memref<1x128xi32, #tpu.memory_space<vmem>>
        %dma_start3A_665 = tpu.memref_squeeze %dma_start3A_664 : memref<1x128xi32, #tpu.memory_space<vmem>> -> memref<128xi32, #tpu.memory_space<vmem>>
        %dma_start3A_666 = arith.constant 0 : i32
        %dma_start3A_667 = arith.constant 0 : i32
        %dma_start3A_668 = tpu.memref_slice %arg2[%dma_start3A_666, %dma_start3A_667] : memref<1000000x64xf32, #tpu.memory_space<hbm>> -> memref<1000000x64xf32, #tpu.memory_space<hbm>>
        tpu.enqueue_indirect_dma source(%dma_start3A_668 : memref<1000000x64xf32, #tpu.memory_space<hbm>>) target(%arg9 : memref<128x64xf32, #tpu.memory_space<vmem>>) offsets(%dma_start3A_665 : memref<128xi32, #tpu.memory_space<vmem>>) semaphore(%arg18 : memref<!tpu.dma_semaphore, #tpu.memory_space<semaphore_mem>>)
      } else {
      }
      %mul3A_521 = arith.constant 4 : i32
      %mul3A_522 = arith.muli %add3A_115, %mul3A_521 : i32
      %add3A_523 = arith.constant 3 : i32
      %add3A_524 = arith.addi %mul3A_522, %add3A_523 : i32
      %dma_wait3A_525 = arith.constant 0 : i32
      %dma_wait3A_526 = arith.constant 0 : i32
      %dma_wait3A_527 = tpu.memref_slice %arg2[%dma_wait3A_525, %dma_wait3A_526] : memref<1000000x64xf32, #tpu.memory_space<hbm>> -> memref<128x64xf32, #tpu.memory_space<hbm>>
      %dma_wait3A_528 = arith.constant 0 : i32
      %dma_wait3A_529 = arith.constant 0 : i32
      %dma_wait3A_530 = tpu.memref_slice %arg2[%dma_wait3A_528, %dma_wait3A_529] : memref<1000000x64xf32, #tpu.memory_space<hbm>> -> memref<128x64xf32, #tpu.memory_space<hbm>>
      tpu.wait_dma2 semaphore(%arg19 : memref<!tpu.dma_semaphore, #tpu.memory_space<semaphore_mem>>) src(%dma_wait3A_530 : memref<128x64xf32, #tpu.memory_space<hbm>>) dst(%arg10 : memref<128x64xf32, #tpu.memory_space<vmem>>)
      %gt3A_531 = arith.constant 0 : i32
      %gt3A_532 = arith.cmpi sgt, %add3A_115, %gt3A_531 : i32
      %convert_element_type3A_533 = arith.extui %gt3A_532 : i1 to i32
      %cond3A_534 = arith.constant 0 : i32
      %cond3A_535 = arith.cmpi ne, %convert_element_type3A_533, %cond3A_534 : i32
      scf.if %cond3A_535 {
        %dma_wait3A_661 = arith.constant 0 : i32
        %dma_wait3A_662 = arith.constant 0 : i32
        %dma_wait3A_663 = arith.constant 0 : i32
        %dma_wait3A_664 = arith.constant 0 : i32
        %dma_wait3A_665 = arith.constant 0 : i32
        %dma_wait3A_666 = tpu.memref_slice %arg14[%dma_wait3A_663, %dma_wait3A_664, %dma_wait3A_665] : memref<8x8x129xf32, #tpu.memory_space<vmem>> -> memref<8x8x128xf32, #tpu.memory_space<vmem>>
        %dma_wait3A_667 = arith.constant 0 : i32
        %dma_wait3A_668 = arith.constant 0 : i32
        %dma_wait3A_669 = arith.constant 0 : i32
        %dma_wait3A_670 = tpu.memref_slice %arg5[%dma_wait3A_661, %dma_wait3A_667, %dma_wait3A_662, %dma_wait3A_668, %dma_wait3A_669] : memref<200x8x32x8x128xf32, #tpu.memory_space<hbm>> -> memref<1x8x1x8x128xf32, #tpu.memory_space<hbm>>
        %dma_wait3A_671 = tpu.memref_squeeze %dma_wait3A_670 : memref<1x8x1x8x128xf32, #tpu.memory_space<hbm>> -> memref<8x8x128xf32, #tpu.memory_space<hbm>>
        %dma_wait3A_672 = arith.constant 0 : i32
        %dma_wait3A_673 = arith.constant 0 : i32
        %dma_wait3A_674 = arith.constant 0 : i32
        %dma_wait3A_675 = tpu.memref_slice %arg5[%dma_wait3A_661, %dma_wait3A_672, %dma_wait3A_662, %dma_wait3A_673, %dma_wait3A_674] : memref<200x8x32x8x128xf32, #tpu.memory_space<hbm>> -> memref<1x8x1x8x128xf32, #tpu.memory_space<hbm>>
        %dma_wait3A_676 = tpu.memref_squeeze %dma_wait3A_675 : memref<1x8x1x8x128xf32, #tpu.memory_space<hbm>> -> memref<8x8x128xf32, #tpu.memory_space<hbm>>
        %dma_wait3A_677 = arith.constant 0 : i32
        %dma_wait3A_678 = arith.constant 0 : i32
        %dma_wait3A_679 = arith.constant 0 : i32
        %dma_wait3A_680 = tpu.memref_slice %arg14[%dma_wait3A_677, %dma_wait3A_678, %dma_wait3A_679] : memref<8x8x129xf32, #tpu.memory_space<vmem>> -> memref<8x8x128xf32, #tpu.memory_space<vmem>>
        tpu.wait_dma2 semaphore(%arg23 : memref<!tpu.dma_semaphore, #tpu.memory_space<semaphore_mem>>) src(%dma_wait3A_680 : memref<8x8x128xf32, #tpu.memory_space<vmem>>) dst(%dma_wait3A_676 : memref<8x8x128xf32, #tpu.memory_space<hbm>>)
      } else {
      }
      %jit3A_536 = arith.constant 2 : i32
      %div3A_537 = arith.divsi %add3A_524, %jit3A_536 : i32
      %sign3A_538 = arith.constant 0 : i32
      %sign3A_539 = arith.cmpi sgt, %add3A_524, %sign3A_538 : i32
      %sign3A_540 = arith.extui %sign3A_539 : i1 to i32
      %sign3A_541 = arith.constant 0 : i32
      %sign3A_542 = arith.cmpi slt, %add3A_524, %sign3A_541 : i32
      %sign3A_543 = arith.extui %sign3A_542 : i1 to i32
      %sign3A_544 = arith.subi %sign3A_540, %sign3A_543 : i32
      %sign3A_545 = arith.constant 0 : i32
      %sign3A_546 = arith.cmpi sgt, %jit3A_536, %sign3A_545 : i32
      %sign3A_547 = arith.extui %sign3A_546 : i1 to i32
      %sign3A_548 = arith.constant 0 : i32
      %sign3A_549 = arith.cmpi slt, %jit3A_536, %sign3A_548 : i32
      %sign3A_550 = arith.extui %sign3A_549 : i1 to i32
      %sign3A_551 = arith.subi %sign3A_547, %sign3A_550 : i32
      %ne3A_552 = arith.cmpi ne, %sign3A_544, %sign3A_551 : i32
      %rem3A_553 = arith.remsi %add3A_524, %jit3A_536 : i32
      %ne3A_554 = arith.constant 0 : i32
      %ne3A_555 = arith.cmpi ne, %rem3A_553, %ne3A_554 : i32
      %and3A_556 = arith.andi %ne3A_552, %ne3A_555 : i1
      %sub3A_557 = arith.constant 1 : i32
      %sub3A_558 = arith.subi %div3A_537, %sub3A_557 : i32
      %select_n3A_559 = arith.select %and3A_556, %sub3A_558, %div3A_537 : i32
      %jit3A_560 = arith.constant 2 : i32
      %eq3A_561 = arith.constant 0 : i32
      %eq3A_562 = arith.cmpi eq, %jit3A_560, %eq3A_561 : i32
      %jit3A_563 = arith.constant 1 : i32
      %select_n3A_564 = arith.select %eq3A_562, %jit3A_563, %jit3A_560 : i32
      %rem3A_565 = arith.remsi %add3A_524, %select_n3A_564 : i32
      %ne3A_566 = arith.constant 0 : i32
      %ne3A_567 = arith.cmpi ne, %rem3A_565, %ne3A_566 : i32
      %lt3A_568 = arith.constant 0 : i32
      %lt3A_569 = arith.cmpi slt, %rem3A_565, %lt3A_568 : i32
      %lt3A_570 = arith.constant 0 : i32
      %lt3A_571 = arith.cmpi slt, %select_n3A_564, %lt3A_570 : i32
      %ne3A_572 = arith.xori %lt3A_569, %lt3A_571 : i1
      %and3A_573 = arith.andi %ne3A_572, %ne3A_567 : i1
      %add3A_574 = arith.addi %rem3A_565, %select_n3A_564 : i32
      %select_n3A_575 = arith.select %and3A_573, %add3A_574, %rem3A_565 : i32
      %mul3A_576 = arith.constant 64 : i32
      %mul3A_577 = arith.muli %select_n3A_575, %mul3A_576 : i32
      %add3A_578 = arith.constant 0 : i32
      %add3A_579 = arith.addi %mul3A_577, %add3A_578 : i32
      %get3A_580 = arith.index_cast %select_n3A_559 : i32 to index
      %get3A_581 = arith.index_cast %add3A_579 : i32 to index
      %get3A_582 = tpu.vector_load %arg15[%get3A_580, %get3A_581] {strides = array<i32>} : memref<100x128xf32, #tpu.memory_space<vmem>>, vector<16xf32>,
      %add3A_583 = arith.constant 16 : i32
      %add3A_584 = arith.addi %mul3A_577, %add3A_583 : i32
      %get3A_585 = arith.index_cast %select_n3A_559 : i32 to index
      %get3A_586 = arith.index_cast %add3A_584 : i32 to index
      %get3A_587 = tpu.vector_load %arg15[%get3A_585, %get3A_586] {strides = array<i32>} : memref<100x128xf32, #tpu.memory_space<vmem>>, vector<16xf32>,
      %add3A_588 = arith.constant 32 : i32
      %add3A_589 = arith.addi %mul3A_577, %add3A_588 : i32
      %get3A_590 = arith.index_cast %select_n3A_559 : i32 to index
      %get3A_591 = arith.index_cast %add3A_589 : i32 to index
      %get3A_592 = tpu.vector_load %arg15[%get3A_590, %get3A_591] {strides = array<i32>} : memref<100x128xf32, #tpu.memory_space<vmem>>, vector<16xf32>,
      %add3A_593 = arith.constant 48 : i32
      %add3A_594 = arith.addi %mul3A_577, %add3A_593 : i32
      %get3A_595 = arith.index_cast %select_n3A_559 : i32 to index
      %get3A_596 = arith.index_cast %add3A_594 : i32 to index
      %get3A_597 = tpu.vector_load %arg15[%get3A_595, %get3A_596] {strides = array<i32>} : memref<100x128xf32, #tpu.memory_space<vmem>>, vector<16xf32>,
      %shift_right_arithmetic3A_598 = arith.constant 3 : i32
      %shift_right_arithmetic3A_599 = vector.broadcast %shift_right_arithmetic3A_598 : i32 to vector<16xi32>
      %shift_right_arithmetic3A_600 = arith.shrsi %iota3A, %shift_right_arithmetic3A_599 : vector<16xi32>
      %and3A_601 = arith.constant 7 : i32
      %and3A_602 = vector.broadcast %and3A_601 : i32 to vector<16xi32>
      %and3A_603 = arith.andi %iota3A, %and3A_602 : vector<16xi32>
      %add3A_604 = arith.constant 0 : i32
      %add3A_605 = vector.broadcast %add3A_604 : i32 to vector<16xi32>
      %add3A_606 = arith.addi %shift_right_arithmetic3A_600, %add3A_605 : vector<16xi32>
      %scan3A_607 = arith.constant 0 : i32
      %scan3A_608 = arith.constant 128 : i32
      %scan3A_609 = arith.addi %scan3A_607, %scan3A_608 : i32
      %scan3A_610 = arith.constant 4 : i32
      scf.for %scan3A_661 = %scan3A_607 to %scan3A_609 step %scan3A_610  : i32 {
        %mul3A_662 = arith.constant 1 : i32
        %mul3A_663 = arith.muli %scan3A_661, %mul3A_662 : i32
        %add3A_664 = arith.constant 0 : i32
        %add3A_665 = arith.addi %add3A_664, %mul3A_663 : i32
        %get3A_666 = arith.index_cast %add3A_665 : i32 to index
        %get3A_667 = arith.constant 0 : index
        %get3A_668 = tpu.vector_load %arg10[%get3A_666, %get3A_667] {strides = array<i32>} : memref<128x64xf32, #tpu.memory_space<vmem>>, vector<16xf32>,
        %add3A_669 = arith.addf %get3A_668, %get3A_582 : vector<16xf32>
        %broadcast_in_dim3A = vector.broadcast %add3A_665 : i32 to vector<16xi32>
        tpu.vector_store_idx %arg14[%add3A_606, %and3A_603, %broadcast_in_dim3A], %add3A_669 : memref<8x8x129xf32, #tpu.memory_space<vmem>>[vector<16xi32>, vector<16xi32>, vector<16xi32>], vector<16xf32>,
        %scan3A_670 = arith.constant 1 : i32
        %scan3A_671 = arith.addi %scan3A_661, %scan3A_670 : i32
        %mul3A_672 = arith.constant 1 : i32
        %mul3A_673 = arith.muli %scan3A_671, %mul3A_672 : i32
        %add3A_674 = arith.constant 0 : i32
        %add3A_675 = arith.addi %add3A_674, %mul3A_673 : i32
        %get3A_676 = arith.index_cast %add3A_675 : i32 to index
        %get3A_677 = arith.constant 0 : index
        %get3A_678 = tpu.vector_load %arg10[%get3A_676, %get3A_677] {strides = array<i32>} : memref<128x64xf32, #tpu.memory_space<vmem>>, vector<16xf32>,
        %add3A_679 = arith.addf %get3A_678, %get3A_582 : vector<16xf32>
        %broadcast_in_dim3A_680 = vector.broadcast %add3A_675 : i32 to vector<16xi32>
        tpu.vector_store_idx %arg14[%add3A_606, %and3A_603, %broadcast_in_dim3A_680], %add3A_679 : memref<8x8x129xf32, #tpu.memory_space<vmem>>[vector<16xi32>, vector<16xi32>, vector<16xi32>], vector<16xf32>,
        %scan3A_681 = arith.constant 2 : i32
        %scan3A_682 = arith.addi %scan3A_661, %scan3A_681 : i32
        %mul3A_683 = arith.constant 1 : i32
        %mul3A_684 = arith.muli %scan3A_682, %mul3A_683 : i32
        %add3A_685 = arith.constant 0 : i32
        %add3A_686 = arith.addi %add3A_685, %mul3A_684 : i32
        %get3A_687 = arith.index_cast %add3A_686 : i32 to index
        %get3A_688 = arith.constant 0 : index
        %get3A_689 = tpu.vector_load %arg10[%get3A_687, %get3A_688] {strides = array<i32>} : memref<128x64xf32, #tpu.memory_space<vmem>>, vector<16xf32>,
        %add3A_690 = arith.addf %get3A_689, %get3A_582 : vector<16xf32>
        %broadcast_in_dim3A_691 = vector.broadcast %add3A_686 : i32 to vector<16xi32>
        tpu.vector_store_idx %arg14[%add3A_606, %and3A_603, %broadcast_in_dim3A_691], %add3A_690 : memref<8x8x129xf32, #tpu.memory_space<vmem>>[vector<16xi32>, vector<16xi32>, vector<16xi32>], vector<16xf32>,
        %scan3A_692 = arith.constant 3 : i32
        %scan3A_693 = arith.addi %scan3A_661, %scan3A_692 : i32
        %mul3A_694 = arith.constant 1 : i32
        %mul3A_695 = arith.muli %scan3A_693, %mul3A_694 : i32
        %add3A_696 = arith.constant 0 : i32
        %add3A_697 = arith.addi %add3A_696, %mul3A_695 : i32
        %get3A_698 = arith.index_cast %add3A_697 : i32 to index
        %get3A_699 = arith.constant 0 : index
        %get3A_700 = tpu.vector_load %arg10[%get3A_698, %get3A_699] {strides = array<i32>} : memref<128x64xf32, #tpu.memory_space<vmem>>, vector<16xf32>,
        %add3A_701 = arith.addf %get3A_700, %get3A_582 : vector<16xf32>
        %broadcast_in_dim3A_702 = vector.broadcast %add3A_697 : i32 to vector<16xi32>
        tpu.vector_store_idx %arg14[%add3A_606, %and3A_603, %broadcast_in_dim3A_702], %add3A_701 : memref<8x8x129xf32, #tpu.memory_space<vmem>>[vector<16xi32>, vector<16xi32>, vector<16xi32>], vector<16xf32>,
      }
      %scan3A_611 = arith.constant 128 : i32
      %add3A_612 = arith.constant 2 : i32
      %add3A_613 = vector.broadcast %add3A_612 : i32 to vector<16xi32>
      %add3A_614 = arith.addi %shift_right_arithmetic3A_600, %add3A_613 : vector<16xi32>
      %scan3A_615 = arith.constant 0 : i32
      %scan3A_616 = arith.constant 128 : i32
      %scan3A_617 = arith.addi %scan3A_615, %scan3A_616 : i32
      %scan3A_618 = arith.constant 4 : i32
      scf.for %scan3A_661 = %scan3A_615 to %scan3A_617 step %scan3A_618  : i32 {
        %mul3A_662 = arith.constant 1 : i32
        %mul3A_663 = arith.muli %scan3A_661, %mul3A_662 : i32
        %add3A_664 = arith.constant 0 : i32
        %add3A_665 = arith.addi %add3A_664, %mul3A_663 : i32
        %get3A_666 = arith.index_cast %add3A_665 : i32 to index
        %get3A_667 = arith.constant 16 : index
        %get3A_668 = tpu.vector_load %arg10[%get3A_666, %get3A_667] {strides = array<i32>} : memref<128x64xf32, #tpu.memory_space<vmem>>, vector<16xf32>,
        %add3A_669 = arith.addf %get3A_668, %get3A_587 : vector<16xf32>
        %broadcast_in_dim3A = vector.broadcast %add3A_665 : i32 to vector<16xi32>
        tpu.vector_store_idx %arg14[%add3A_614, %and3A_603, %broadcast_in_dim3A], %add3A_669 : memref<8x8x129xf32, #tpu.memory_space<vmem>>[vector<16xi32>, vector<16xi32>, vector<16xi32>], vector<16xf32>,
        %scan3A_670 = arith.constant 1 : i32
        %scan3A_671 = arith.addi %scan3A_661, %scan3A_670 : i32
        %mul3A_672 = arith.constant 1 : i32
        %mul3A_673 = arith.muli %scan3A_671, %mul3A_672 : i32
        %add3A_674 = arith.constant 0 : i32
        %add3A_675 = arith.addi %add3A_674, %mul3A_673 : i32
        %get3A_676 = arith.index_cast %add3A_675 : i32 to index
        %get3A_677 = arith.constant 16 : index
        %get3A_678 = tpu.vector_load %arg10[%get3A_676, %get3A_677] {strides = array<i32>} : memref<128x64xf32, #tpu.memory_space<vmem>>, vector<16xf32>,
        %add3A_679 = arith.addf %get3A_678, %get3A_587 : vector<16xf32>
        %broadcast_in_dim3A_680 = vector.broadcast %add3A_675 : i32 to vector<16xi32>
        tpu.vector_store_idx %arg14[%add3A_614, %and3A_603, %broadcast_in_dim3A_680], %add3A_679 : memref<8x8x129xf32, #tpu.memory_space<vmem>>[vector<16xi32>, vector<16xi32>, vector<16xi32>], vector<16xf32>,
        %scan3A_681 = arith.constant 2 : i32
        %scan3A_682 = arith.addi %scan3A_661, %scan3A_681 : i32
        %mul3A_683 = arith.constant 1 : i32
        %mul3A_684 = arith.muli %scan3A_682, %mul3A_683 : i32
        %add3A_685 = arith.constant 0 : i32
        %add3A_686 = arith.addi %add3A_685, %mul3A_684 : i32
        %get3A_687 = arith.index_cast %add3A_686 : i32 to index
        %get3A_688 = arith.constant 16 : index
        %get3A_689 = tpu.vector_load %arg10[%get3A_687, %get3A_688] {strides = array<i32>} : memref<128x64xf32, #tpu.memory_space<vmem>>, vector<16xf32>,
        %add3A_690 = arith.addf %get3A_689, %get3A_587 : vector<16xf32>
        %broadcast_in_dim3A_691 = vector.broadcast %add3A_686 : i32 to vector<16xi32>
        tpu.vector_store_idx %arg14[%add3A_614, %and3A_603, %broadcast_in_dim3A_691], %add3A_690 : memref<8x8x129xf32, #tpu.memory_space<vmem>>[vector<16xi32>, vector<16xi32>, vector<16xi32>], vector<16xf32>,
        %scan3A_692 = arith.constant 3 : i32
        %scan3A_693 = arith.addi %scan3A_661, %scan3A_692 : i32
        %mul3A_694 = arith.constant 1 : i32
        %mul3A_695 = arith.muli %scan3A_693, %mul3A_694 : i32
        %add3A_696 = arith.constant 0 : i32
        %add3A_697 = arith.addi %add3A_696, %mul3A_695 : i32
        %get3A_698 = arith.index_cast %add3A_697 : i32 to index
        %get3A_699 = arith.constant 16 : index
        %get3A_700 = tpu.vector_load %arg10[%get3A_698, %get3A_699] {strides = array<i32>} : memref<128x64xf32, #tpu.memory_space<vmem>>, vector<16xf32>,
        %add3A_701 = arith.addf %get3A_700, %get3A_587 : vector<16xf32>
        %broadcast_in_dim3A_702 = vector.broadcast %add3A_697 : i32 to vector<16xi32>
        tpu.vector_store_idx %arg14[%add3A_614, %and3A_603, %broadcast_in_dim3A_702], %add3A_701 : memref<8x8x129xf32, #tpu.memory_space<vmem>>[vector<16xi32>, vector<16xi32>, vector<16xi32>], vector<16xf32>,
      }
      %scan3A_619 = arith.constant 128 : i32
      %add3A_620 = arith.constant 4 : i32
      %add3A_621 = vector.broadcast %add3A_620 : i32 to vector<16xi32>
      %add3A_622 = arith.addi %shift_right_arithmetic3A_600, %add3A_621 : vector<16xi32>
      %scan3A_623 = arith.constant 0 : i32
      %scan3A_624 = arith.constant 128 : i32
      %scan3A_625 = arith.addi %scan3A_623, %scan3A_624 : i32
      %scan3A_626 = arith.constant 4 : i32
      scf.for %scan3A_661 = %scan3A_623 to %scan3A_625 step %scan3A_626  : i32 {
        %mul3A_662 = arith.constant 1 : i32
        %mul3A_663 = arith.muli %scan3A_661, %mul3A_662 : i32
        %add3A_664 = arith.constant 0 : i32
        %add3A_665 = arith.addi %add3A_664, %mul3A_663 : i32
        %get3A_666 = arith.index_cast %add3A_665 : i32 to index
        %get3A_667 = arith.constant 32 : index
        %get3A_668 = tpu.vector_load %arg10[%get3A_666, %get3A_667] {strides = array<i32>} : memref<128x64xf32, #tpu.memory_space<vmem>>, vector<16xf32>,
        %add3A_669 = arith.addf %get3A_668, %get3A_592 : vector<16xf32>
        %broadcast_in_dim3A = vector.broadcast %add3A_665 : i32 to vector<16xi32>
        tpu.vector_store_idx %arg14[%add3A_622, %and3A_603, %broadcast_in_dim3A], %add3A_669 : memref<8x8x129xf32, #tpu.memory_space<vmem>>[vector<16xi32>, vector<16xi32>, vector<16xi32>], vector<16xf32>,
        %scan3A_670 = arith.constant 1 : i32
        %scan3A_671 = arith.addi %scan3A_661, %scan3A_670 : i32
        %mul3A_672 = arith.constant 1 : i32
        %mul3A_673 = arith.muli %scan3A_671, %mul3A_672 : i32
        %add3A_674 = arith.constant 0 : i32
        %add3A_675 = arith.addi %add3A_674, %mul3A_673 : i32
        %get3A_676 = arith.index_cast %add3A_675 : i32 to index
        %get3A_677 = arith.constant 32 : index
        %get3A_678 = tpu.vector_load %arg10[%get3A_676, %get3A_677] {strides = array<i32>} : memref<128x64xf32, #tpu.memory_space<vmem>>, vector<16xf32>,
        %add3A_679 = arith.addf %get3A_678, %get3A_592 : vector<16xf32>
        %broadcast_in_dim3A_680 = vector.broadcast %add3A_675 : i32 to vector<16xi32>
        tpu.vector_store_idx %arg14[%add3A_622, %and3A_603, %broadcast_in_dim3A_680], %add3A_679 : memref<8x8x129xf32, #tpu.memory_space<vmem>>[vector<16xi32>, vector<16xi32>, vector<16xi32>], vector<16xf32>,
        %scan3A_681 = arith.constant 2 : i32
        %scan3A_682 = arith.addi %scan3A_661, %scan3A_681 : i32
        %mul3A_683 = arith.constant 1 : i32
        %mul3A_684 = arith.muli %scan3A_682, %mul3A_683 : i32
        %add3A_685 = arith.constant 0 : i32
        %add3A_686 = arith.addi %add3A_685, %mul3A_684 : i32
        %get3A_687 = arith.index_cast %add3A_686 : i32 to index
        %get3A_688 = arith.constant 32 : index
        %get3A_689 = tpu.vector_load %arg10[%get3A_687, %get3A_688] {strides = array<i32>} : memref<128x64xf32, #tpu.memory_space<vmem>>, vector<16xf32>,
        %add3A_690 = arith.addf %get3A_689, %get3A_592 : vector<16xf32>
        %broadcast_in_dim3A_691 = vector.broadcast %add3A_686 : i32 to vector<16xi32>
        tpu.vector_store_idx %arg14[%add3A_622, %and3A_603, %broadcast_in_dim3A_691], %add3A_690 : memref<8x8x129xf32, #tpu.memory_space<vmem>>[vector<16xi32>, vector<16xi32>, vector<16xi32>], vector<16xf32>,
        %scan3A_692 = arith.constant 3 : i32
        %scan3A_693 = arith.addi %scan3A_661, %scan3A_692 : i32
        %mul3A_694 = arith.constant 1 : i32
        %mul3A_695 = arith.muli %scan3A_693, %mul3A_694 : i32
        %add3A_696 = arith.constant 0 : i32
        %add3A_697 = arith.addi %add3A_696, %mul3A_695 : i32
        %get3A_698 = arith.index_cast %add3A_697 : i32 to index
        %get3A_699 = arith.constant 32 : index
        %get3A_700 = tpu.vector_load %arg10[%get3A_698, %get3A_699] {strides = array<i32>} : memref<128x64xf32, #tpu.memory_space<vmem>>, vector<16xf32>,
        %add3A_701 = arith.addf %get3A_700, %get3A_592 : vector<16xf32>
        %broadcast_in_dim3A_702 = vector.broadcast %add3A_697 : i32 to vector<16xi32>
        tpu.vector_store_idx %arg14[%add3A_622, %and3A_603, %broadcast_in_dim3A_702], %add3A_701 : memref<8x8x129xf32, #tpu.memory_space<vmem>>[vector<16xi32>, vector<16xi32>, vector<16xi32>], vector<16xf32>,
      }
      %scan3A_627 = arith.constant 128 : i32
      %add3A_628 = arith.constant 6 : i32
      %add3A_629 = vector.broadcast %add3A_628 : i32 to vector<16xi32>
      %add3A_630 = arith.addi %shift_right_arithmetic3A_600, %add3A_629 : vector<16xi32>
      %scan3A_631 = arith.constant 0 : i32
      %scan3A_632 = arith.constant 128 : i32
      %scan3A_633 = arith.addi %scan3A_631, %scan3A_632 : i32
      %scan3A_634 = arith.constant 4 : i32
      scf.for %scan3A_661 = %scan3A_631 to %scan3A_633 step %scan3A_634  : i32 {
        %mul3A_662 = arith.constant 1 : i32
        %mul3A_663 = arith.muli %scan3A_661, %mul3A_662 : i32
        %add3A_664 = arith.constant 0 : i32
        %add3A_665 = arith.addi %add3A_664, %mul3A_663 : i32
        %get3A_666 = arith.index_cast %add3A_665 : i32 to index
        %get3A_667 = arith.constant 48 : index
        %get3A_668 = tpu.vector_load %arg10[%get3A_666, %get3A_667] {strides = array<i32>} : memref<128x64xf32, #tpu.memory_space<vmem>>, vector<16xf32>,
        %add3A_669 = arith.addf %get3A_668, %get3A_597 : vector<16xf32>
        %broadcast_in_dim3A = vector.broadcast %add3A_665 : i32 to vector<16xi32>
        tpu.vector_store_idx %arg14[%add3A_630, %and3A_603, %broadcast_in_dim3A], %add3A_669 : memref<8x8x129xf32, #tpu.memory_space<vmem>>[vector<16xi32>, vector<16xi32>, vector<16xi32>], vector<16xf32>,
        %scan3A_670 = arith.constant 1 : i32
        %scan3A_671 = arith.addi %scan3A_661, %scan3A_670 : i32
        %mul3A_672 = arith.constant 1 : i32
        %mul3A_673 = arith.muli %scan3A_671, %mul3A_672 : i32
        %add3A_674 = arith.constant 0 : i32
        %add3A_675 = arith.addi %add3A_674, %mul3A_673 : i32
        %get3A_676 = arith.index_cast %add3A_675 : i32 to index
        %get3A_677 = arith.constant 48 : index
        %get3A_678 = tpu.vector_load %arg10[%get3A_676, %get3A_677] {strides = array<i32>} : memref<128x64xf32, #tpu.memory_space<vmem>>, vector<16xf32>,
        %add3A_679 = arith.addf %get3A_678, %get3A_597 : vector<16xf32>
        %broadcast_in_dim3A_680 = vector.broadcast %add3A_675 : i32 to vector<16xi32>
        tpu.vector_store_idx %arg14[%add3A_630, %and3A_603, %broadcast_in_dim3A_680], %add3A_679 : memref<8x8x129xf32, #tpu.memory_space<vmem>>[vector<16xi32>, vector<16xi32>, vector<16xi32>], vector<16xf32>,
        %scan3A_681 = arith.constant 2 : i32
        %scan3A_682 = arith.addi %scan3A_661, %scan3A_681 : i32
        %mul3A_683 = arith.constant 1 : i32
        %mul3A_684 = arith.muli %scan3A_682, %mul3A_683 : i32
        %add3A_685 = arith.constant 0 : i32
        %add3A_686 = arith.addi %add3A_685, %mul3A_684 : i32
        %get3A_687 = arith.index_cast %add3A_686 : i32 to index
        %get3A_688 = arith.constant 48 : index
        %get3A_689 = tpu.vector_load %arg10[%get3A_687, %get3A_688] {strides = array<i32>} : memref<128x64xf32, #tpu.memory_space<vmem>>, vector<16xf32>,
        %add3A_690 = arith.addf %get3A_689, %get3A_597 : vector<16xf32>
        %broadcast_in_dim3A_691 = vector.broadcast %add3A_686 : i32 to vector<16xi32>
        tpu.vector_store_idx %arg14[%add3A_630, %and3A_603, %broadcast_in_dim3A_691], %add3A_690 : memref<8x8x129xf32, #tpu.memory_space<vmem>>[vector<16xi32>, vector<16xi32>, vector<16xi32>], vector<16xf32>,
        %scan3A_692 = arith.constant 3 : i32
        %scan3A_693 = arith.addi %scan3A_661, %scan3A_692 : i32
        %mul3A_694 = arith.constant 1 : i32
        %mul3A_695 = arith.muli %scan3A_693, %mul3A_694 : i32
        %add3A_696 = arith.constant 0 : i32
        %add3A_697 = arith.addi %add3A_696, %mul3A_695 : i32
        %get3A_698 = arith.index_cast %add3A_697 : i32 to index
        %get3A_699 = arith.constant 48 : index
        %get3A_700 = tpu.vector_load %arg10[%get3A_698, %get3A_699] {strides = array<i32>} : memref<128x64xf32, #tpu.memory_space<vmem>>, vector<16xf32>,
        %add3A_701 = arith.addf %get3A_700, %get3A_597 : vector<16xf32>
        %broadcast_in_dim3A_702 = vector.broadcast %add3A_697 : i32 to vector<16xi32>
        tpu.vector_store_idx %arg14[%add3A_630, %and3A_603, %broadcast_in_dim3A_702], %add3A_701 : memref<8x8x129xf32, #tpu.memory_space<vmem>>[vector<16xi32>, vector<16xi32>, vector<16xi32>], vector<16xf32>,
      }
      %scan3A_635 = arith.constant 128 : i32
      %dma_start3A_636 = arith.constant 0 : i32
      %dma_start3A_637 = arith.constant 0 : i32
      %dma_start3A_638 = arith.constant 0 : i32
      %dma_start3A_639 = tpu.memref_slice %arg14[%dma_start3A_636, %dma_start3A_637, %dma_start3A_638] : memref<8x8x129xf32, #tpu.memory_space<vmem>> -> memref<8x8x128xf32, #tpu.memory_space<vmem>>
      %dma_start3A_640 = arith.constant 0 : i32
      %dma_start3A_641 = arith.constant 0 : i32
      %dma_start3A_642 = arith.constant 0 : i32
      %dma_start3A_643 = tpu.memref_slice %arg5[%add3A_524, %dma_start3A_640, %add3A, %dma_start3A_641, %dma_start3A_642] : memref<200x8x32x8x128xf32, #tpu.memory_space<hbm>> -> memref<1x8x1x8x128xf32, #tpu.memory_space<hbm>>
      %dma_start3A_644 = tpu.memref_squeeze %dma_start3A_643 : memref<1x8x1x8x128xf32, #tpu.memory_space<hbm>> -> memref<8x8x128xf32, #tpu.memory_space<hbm>>
      %dma_start3A_645 = arith.constant 0 : i32
      %dma_start3A_646 = arith.constant 0 : i32
      %dma_start3A_647 = arith.constant 0 : i32
      %dma_start3A_648 = tpu.memref_slice %arg5[%add3A_524, %dma_start3A_645, %add3A, %dma_start3A_646, %dma_start3A_647] : memref<200x8x32x8x128xf32, #tpu.memory_space<hbm>> -> memref<1x8x1x8x128xf32, #tpu.memory_space<hbm>>
      %dma_start3A_649 = tpu.memref_squeeze %dma_start3A_648 : memref<1x8x1x8x128xf32, #tpu.memory_space<hbm>> -> memref<8x8x128xf32, #tpu.memory_space<hbm>>
      %dma_start3A_650 = arith.constant 0 : i32
      %dma_start3A_651 = arith.constant 0 : i32
      %dma_start3A_652 = arith.constant 0 : i32
      %dma_start3A_653 = tpu.memref_slice %arg14[%dma_start3A_650, %dma_start3A_651, %dma_start3A_652] : memref<8x8x129xf32, #tpu.memory_space<vmem>> -> memref<8x8x128xf32, #tpu.memory_space<vmem>>
      tpu.enqueue_dma source(%dma_start3A_653 : memref<8x8x128xf32, #tpu.memory_space<vmem>>) target(%dma_start3A_649 : memref<8x8x128xf32, #tpu.memory_space<hbm>>) target_semaphore(%arg23 : memref<!tpu.dma_semaphore, #tpu.memory_space<semaphore_mem>>)
      %add3A_654 = arith.constant 4 : i32
      %add3A_655 = arith.addi %add3A_524, %add3A_654 : i32
      %lt3A_656 = arith.constant 200 : i32
      %lt3A_657 = arith.cmpi slt, %add3A_655, %lt3A_656 : i32
      %convert_element_type3A_658 = arith.extui %lt3A_657 : i1 to i32
      %cond3A_659 = arith.constant 0 : i32
      %cond3A_660 = arith.cmpi ne, %convert_element_type3A_658, %cond3A_659 : i32
      scf.if %cond3A_660 {
        %add3A_661 = arith.constant 4 : i32
        %add3A_662 = arith.addi %add3A_524, %add3A_661 : i32
        %dma_start3A_663 = arith.constant 0 : i32
        %dma_start3A_664 = tpu.memref_slice %arg6[%add3A_662, %dma_start3A_663] : memref<200x128xi32, #tpu.memory_space<vmem>> -> memref<1x128xi32, #tpu.memory_space<vmem>>
        %dma_start3A_665 = tpu.memref_squeeze %dma_start3A_664 : memref<1x128xi32, #tpu.memory_space<vmem>> -> memref<128xi32, #tpu.memory_space<vmem>>
        %dma_start3A_666 = arith.constant 0 : i32
        %dma_start3A_667 = arith.constant 0 : i32
        %dma_start3A_668 = tpu.memref_slice %arg2[%dma_start3A_666, %dma_start3A_667] : memref<1000000x64xf32, #tpu.memory_space<hbm>> -> memref<1000000x64xf32, #tpu.memory_space<hbm>>
        tpu.enqueue_indirect_dma source(%dma_start3A_668 : memref<1000000x64xf32, #tpu.memory_space<hbm>>) target(%arg10 : memref<128x64xf32, #tpu.memory_space<vmem>>) offsets(%dma_start3A_665 : memref<128xi32, #tpu.memory_space<vmem>>) semaphore(%arg19 : memref<!tpu.dma_semaphore, #tpu.memory_space<semaphore_mem>>)
      } else {
      }
    }
    %scan3A_31 = arith.constant 50 : i32
    %dma_wait3A = arith.constant 0 : i32
    %dma_wait3A_32 = arith.constant 0 : i32
    %dma_wait3A_33 = arith.constant 0 : i32
    %dma_wait3A_34 = arith.constant 0 : i32
    %dma_wait3A_35 = arith.constant 0 : i32
    %dma_wait3A_36 = tpu.memref_slice %arg11[%dma_wait3A_33, %dma_wait3A_34, %dma_wait3A_35] : memref<8x8x129xf32, #tpu.memory_space<vmem>> -> memref<8x8x128xf32, #tpu.memory_space<vmem>>
    %dma_wait3A_37 = arith.constant 0 : i32
    %dma_wait3A_38 = arith.constant 0 : i32
    %dma_wait3A_39 = arith.constant 0 : i32
    %dma_wait3A_40 = tpu.memref_slice %arg5[%dma_wait3A, %dma_wait3A_37, %dma_wait3A_32, %dma_wait3A_38, %dma_wait3A_39] : memref<200x8x32x8x128xf32, #tpu.memory_space<hbm>> -> memref<1x8x1x8x128xf32, #tpu.memory_space<hbm>>
    %dma_wait3A_41 = tpu.memref_squeeze %dma_wait3A_40 : memref<1x8x1x8x128xf32, #tpu.memory_space<hbm>> -> memref<8x8x128xf32, #tpu.memory_space<hbm>>
    %dma_wait3A_42 = arith.constant 0 : i32
    %dma_wait3A_43 = arith.constant 0 : i32
    %dma_wait3A_44 = arith.constant 0 : i32
    %dma_wait3A_45 = tpu.memref_slice %arg5[%dma_wait3A, %dma_wait3A_42, %dma_wait3A_32, %dma_wait3A_43, %dma_wait3A_44] : memref<200x8x32x8x128xf32, #tpu.memory_space<hbm>> -> memref<1x8x1x8x128xf32, #tpu.memory_space<hbm>>
    %dma_wait3A_46 = tpu.memref_squeeze %dma_wait3A_45 : memref<1x8x1x8x128xf32, #tpu.memory_space<hbm>> -> memref<8x8x128xf32, #tpu.memory_space<hbm>>
    %dma_wait3A_47 = arith.constant 0 : i32
    %dma_wait3A_48 = arith.constant 0 : i32
    %dma_wait3A_49 = arith.constant 0 : i32
    %dma_wait3A_50 = tpu.memref_slice %arg11[%dma_wait3A_47, %dma_wait3A_48, %dma_wait3A_49] : memref<8x8x129xf32, #tpu.memory_space<vmem>> -> memref<8x8x128xf32, #tpu.memory_space<vmem>>
    tpu.wait_dma2 semaphore(%arg20 : memref<!tpu.dma_semaphore, #tpu.memory_space<semaphore_mem>>) src(%dma_wait3A_50 : memref<8x8x128xf32, #tpu.memory_space<vmem>>) dst(%dma_wait3A_46 : memref<8x8x128xf32, #tpu.memory_space<hbm>>)
    %dma_wait3A_51 = arith.constant 0 : i32
    %dma_wait3A_52 = arith.constant 0 : i32
    %dma_wait3A_53 = arith.constant 0 : i32
    %dma_wait3A_54 = arith.constant 0 : i32
    %dma_wait3A_55 = arith.constant 0 : i32
    %dma_wait3A_56 = tpu.memref_slice %arg12[%dma_wait3A_53, %dma_wait3A_54, %dma_wait3A_55] : memref<8x8x129xf32, #tpu.memory_space<vmem>> -> memref<8x8x128xf32, #tpu.memory_space<vmem>>
    %dma_wait3A_57 = arith.constant 0 : i32
    %dma_wait3A_58 = arith.constant 0 : i32
    %dma_wait3A_59 = arith.constant 0 : i32
    %dma_wait3A_60 = tpu.memref_slice %arg5[%dma_wait3A_51, %dma_wait3A_57, %dma_wait3A_52, %dma_wait3A_58, %dma_wait3A_59] : memref<200x8x32x8x128xf32, #tpu.memory_space<hbm>> -> memref<1x8x1x8x128xf32, #tpu.memory_space<hbm>>
    %dma_wait3A_61 = tpu.memref_squeeze %dma_wait3A_60 : memref<1x8x1x8x128xf32, #tpu.memory_space<hbm>> -> memref<8x8x128xf32, #tpu.memory_space<hbm>>
    %dma_wait3A_62 = arith.constant 0 : i32
    %dma_wait3A_63 = arith.constant 0 : i32
    %dma_wait3A_64 = arith.constant 0 : i32
    %dma_wait3A_65 = tpu.memref_slice %arg5[%dma_wait3A_51, %dma_wait3A_62, %dma_wait3A_52, %dma_wait3A_63, %dma_wait3A_64] : memref<200x8x32x8x128xf32, #tpu.memory_space<hbm>> -> memref<1x8x1x8x128xf32, #tpu.memory_space<hbm>>
    %dma_wait3A_66 = tpu.memref_squeeze %dma_wait3A_65 : memref<1x8x1x8x128xf32, #tpu.memory_space<hbm>> -> memref<8x8x128xf32, #tpu.memory_space<hbm>>
    %dma_wait3A_67 = arith.constant 0 : i32
    %dma_wait3A_68 = arith.constant 0 : i32
    %dma_wait3A_69 = arith.constant 0 : i32
    %dma_wait3A_70 = tpu.memref_slice %arg12[%dma_wait3A_67, %dma_wait3A_68, %dma_wait3A_69] : memref<8x8x129xf32, #tpu.memory_space<vmem>> -> memref<8x8x128xf32, #tpu.memory_space<vmem>>
    tpu.wait_dma2 semaphore(%arg21 : memref<!tpu.dma_semaphore, #tpu.memory_space<semaphore_mem>>) src(%dma_wait3A_70 : memref<8x8x128xf32, #tpu.memory_space<vmem>>) dst(%dma_wait3A_66 : memref<8x8x128xf32, #tpu.memory_space<hbm>>)
    %dma_wait3A_71 = arith.constant 0 : i32
    %dma_wait3A_72 = arith.constant 0 : i32
    %dma_wait3A_73 = arith.constant 0 : i32
    %dma_wait3A_74 = arith.constant 0 : i32
    %dma_wait3A_75 = arith.constant 0 : i32
    %dma_wait3A_76 = tpu.memref_slice %arg13[%dma_wait3A_73, %dma_wait3A_74, %dma_wait3A_75] : memref<8x8x129xf32, #tpu.memory_space<vmem>> -> memref<8x8x128xf32, #tpu.memory_space<vmem>>
    %dma_wait3A_77 = arith.constant 0 : i32
    %dma_wait3A_78 = arith.constant 0 : i32
    %dma_wait3A_79 = arith.constant 0 : i32
    %dma_wait3A_80 = tpu.memref_slice %arg5[%dma_wait3A_71, %dma_wait3A_77, %dma_wait3A_72, %dma_wait3A_78, %dma_wait3A_79] : memref<200x8x32x8x128xf32, #tpu.memory_space<hbm>> -> memref<1x8x1x8x128xf32, #tpu.memory_space<hbm>>
    %dma_wait3A_81 = tpu.memref_squeeze %dma_wait3A_80 : memref<1x8x1x8x128xf32, #tpu.memory_space<hbm>> -> memref<8x8x128xf32, #tpu.memory_space<hbm>>
    %dma_wait3A_82 = arith.constant 0 : i32
    %dma_wait3A_83 = arith.constant 0 : i32
    %dma_wait3A_84 = arith.constant 0 : i32
    %dma_wait3A_85 = tpu.memref_slice %arg5[%dma_wait3A_71, %dma_wait3A_82, %dma_wait3A_72, %dma_wait3A_83, %dma_wait3A_84] : memref<200x8x32x8x128xf32, #tpu.memory_space<hbm>> -> memref<1x8x1x8x128xf32, #tpu.memory_space<hbm>>
    %dma_wait3A_86 = tpu.memref_squeeze %dma_wait3A_85 : memref<1x8x1x8x128xf32, #tpu.memory_space<hbm>> -> memref<8x8x128xf32, #tpu.memory_space<hbm>>
    %dma_wait3A_87 = arith.constant 0 : i32
    %dma_wait3A_88 = arith.constant 0 : i32
    %dma_wait3A_89 = arith.constant 0 : i32
    %dma_wait3A_90 = tpu.memref_slice %arg13[%dma_wait3A_87, %dma_wait3A_88, %dma_wait3A_89] : memref<8x8x129xf32, #tpu.memory_space<vmem>> -> memref<8x8x128xf32, #tpu.memory_space<vmem>>
    tpu.wait_dma2 semaphore(%arg22 : memref<!tpu.dma_semaphore, #tpu.memory_space<semaphore_mem>>) src(%dma_wait3A_90 : memref<8x8x128xf32, #tpu.memory_space<vmem>>) dst(%dma_wait3A_86 : memref<8x8x128xf32, #tpu.memory_space<hbm>>)
    %dma_wait3A_91 = arith.constant 0 : i32
    %dma_wait3A_92 = arith.constant 0 : i32
    %dma_wait3A_93 = arith.constant 0 : i32
    %dma_wait3A_94 = arith.constant 0 : i32
    %dma_wait3A_95 = arith.constant 0 : i32
    %dma_wait3A_96 = tpu.memref_slice %arg14[%dma_wait3A_93, %dma_wait3A_94, %dma_wait3A_95] : memref<8x8x129xf32, #tpu.memory_space<vmem>> -> memref<8x8x128xf32, #tpu.memory_space<vmem>>
    %dma_wait3A_97 = arith.constant 0 : i32
    %dma_wait3A_98 = arith.constant 0 : i32
    %dma_wait3A_99 = arith.constant 0 : i32
    %dma_wait3A_100 = tpu.memref_slice %arg5[%dma_wait3A_91, %dma_wait3A_97, %dma_wait3A_92, %dma_wait3A_98, %dma_wait3A_99] : memref<200x8x32x8x128xf32, #tpu.memory_space<hbm>> -> memref<1x8x1x8x128xf32, #tpu.memory_space<hbm>>
    %dma_wait3A_101 = tpu.memref_squeeze %dma_wait3A_100 : memref<1x8x1x8x128xf32, #tpu.memory_space<hbm>> -> memref<8x8x128xf32, #tpu.memory_space<hbm>>
    %dma_wait3A_102 = arith.constant 0 : i32
    %dma_wait3A_103 = arith.constant 0 : i32
    %dma_wait3A_104 = arith.constant 0 : i32
    %dma_wait3A_105 = tpu.memref_slice %arg5[%dma_wait3A_91, %dma_wait3A_102, %dma_wait3A_92, %dma_wait3A_103, %dma_wait3A_104] : memref<200x8x32x8x128xf32, #tpu.memory_space<hbm>> -> memref<1x8x1x8x128xf32, #tpu.memory_space<hbm>>
    %dma_wait3A_106 = tpu.memref_squeeze %dma_wait3A_105 : memref<1x8x1x8x128xf32, #tpu.memory_space<hbm>> -> memref<8x8x128xf32, #tpu.memory_space<hbm>>
    %dma_wait3A_107 = arith.constant 0 : i32
    %dma_wait3A_108 = arith.constant 0 : i32
    %dma_wait3A_109 = arith.constant 0 : i32
    %dma_wait3A_110 = tpu.memref_slice %arg14[%dma_wait3A_107, %dma_wait3A_108, %dma_wait3A_109] : memref<8x8x129xf32, #tpu.memory_space<vmem>> -> memref<8x8x128xf32, #tpu.memory_space<vmem>>
    tpu.wait_dma2 semaphore(%arg23 : memref<!tpu.dma_semaphore, #tpu.memory_space<semaphore_mem>>) src(%dma_wait3A_110 : memref<8x8x128xf32, #tpu.memory_space<vmem>>) dst(%dma_wait3A_106 : memref<8x8x128xf32, #tpu.memory_space<hbm>>)
    return
  }
}

</mosaic_0001>

<sc_bundles>
// kernel: _sc_embed.3.cloned.1.call-start
scs
__scs_entry_jumppad:
0x0: {  	(pc) =	sbr.rel $0x88, $3  }
0x1: {  	(tag) =	ssettag $0x0;
	lr =	simm.s32 $0x1  }
0x2: {  	[smem:$0x3F9E] =	sst lr;
	_ =	strace $0xD0000000  }
0x3: {  	_ = 	snop  }
0x4: {  	_ = 	snop  }
0x5: {  	_ = 	snop  }
0x6: {  	_ = 	snop  }
0x7: {  	_ = 	snop  }
__scs_overlays_trampoline_lowered:
0x8: {  	[smem:$0x3FAD] =	sst s0  }
0x9: {  	[smem:$0x3FAE] =	sst s1  }
0xa: {  	[smem:$0x3FAF] =	sst s2  }
0xb: {  	[smem:$0x3FB0] =	sst s3  }
0xc: {  	[smem:$0x3FB1] =	sst s4  }
0xd: {  	[smem:$0x3FB2] =	sst s5  }
0xe: {  	[smem:$0x3FB3] =	sst s6  }
0xf: {  	[smem:$0x3FB4] =	sst s7  }
0x10: {  	[smem:$0x3FB5] =	sst s8  }
0x11: {  	[smem:$0x3FB6] =	sst s9;
	s0 =	simm.s32 @!p0 $0x0  }
0x12: {  	s1 =	sld [smem:$0x3F9C];
	s0 =	simm.s32 @p0 $0x1  }
0x13: {  	[smem:$0x3FB7] =	sst s0;
	s0 =	simm.s32 @!p1 $0x0  }
0x14: {  	s2 =	sld [smem:$0x3F9B];
	s0 =	simm.s32 @p1 $0x1  }
0x15: {  	[smem:$0x3FB8] =	sst s0;
	s0 =	simm.s32 @!p2 $0x0  }
0x16: {  	s3 =	sld [smem:$0x3FDB];
	s0 =	simm.s32 @p2 $0x1  }
0x17: {  	s4 =	simm.s32 $0x1BF5;
	[smem:$0x3FBA] =	sst s0  }
0x18: {  	s0 =	sld [smem:$0x3F9D];
	_ =	swait.ge [sflag:s4], $0x0  }
0x19: {  	s7 =	sld [smem:$0x3F9E]  }
0x1a: {  	s8 =	sadd.s32 $0xFFFFE003, lr  }
0x1b: {  	s9 =	sadd.s32 $0xFFFFFEF7, lr;
	s5 =	simm.s32 $0xFFFFFFFF;
	p2 =	slt.u32 s8, $0xFFFFF086  }
0x1c: {  	p1 =	slt.u32 s9, $0xF7A;
	s5 =	simm.s32 @!p2 $0x0  }
0x1d: {  	s5 =	simm.s32 @p1 $0x1;
	p0 =	seq.s32 s7, s2  }
0x1e: {  	s7 =	smul.u32 @!p0 $0xF7A, s2;
	p2 =	seq.s32 @!p0 s5, $0x0  }
0x1f: {  	s9 =	smul.u32 $0xF7A, s1;
	s8 =	simm.s32 @!p0 $0x1BF5;
	p2 =	por !p2, p0  }
0x20: {  	[sflag:s8] =	ssyncset.s32 @!p0 $0xFFFFF086;
	s6 =	sadd.s32 @!p0 s3, s7;
	s7 =	simm.s32 @!p0 $0x108  }
0x21: {  	s3 =	sadd.s32 s3, s9;
	s6 =	sadd.s32 @!p0 $0x88, s6;
	s7 =	simm.s32 @p2 $0x1082  }
0x22: {  	[simem:s7], [sflag:s8] =	dma.local @!p0 [hbm:s6], $0xF7A  }
0x23: {  	s9 =	sor.u32 $0xD0000000, s2;
	s6 =	simm.s32 $0x108;
	_ =	swait.ge @!p0 [sflag:s8], $0x0  }
0x24: {  	s3 =	sadd.s32 $0x88, s3;
	s6 =	simm.s32 @!p1 $0x1082;
	[sflag:s4] =	ssyncset.s32 $0xFFFFF086  }
0x25: {  	[simem:s6], [sflag:s4] =	dma.local [hbm:s3], $0xF7A  }
0x26: {  	[smem:$0x3F9E] =	sst s1;
	(tag) =	ssettag s2;
	_ =	strace s9  }
0x27: {  	s1 =	sld [smem:$0x3FAE]  }
0x28: {  	s2 =	sld [smem:$0x3FAF]  }
0x29: {  	s4 =	sld [smem:$0x3FB1]  }
0x2a: {  	p0 =	seq.s32 s5, $0x0;
	s5 =	sld [smem:$0x3FB2]  }
0x2b: {  	s6 =	sld [smem:$0x3FB3]  }
0x2c: {  	s7 =	sld [smem:$0x3FB4]  }
0x2d: {  	s3 =	simm.s32 $0x108;
	s8 =	sld [smem:$0x3FB5]  }
0x2e: {  	s3 =	simm.s32 @!p0 $0x1082;
	s9 =	sld [smem:$0x3FB6]  }
0x2f: {  	lr =	sadd.s32 s0, s3;
	s0 =	sld [smem:$0x3FAD]  }
0x30: {  	s3 =	sld [smem:$0x3FB0]  }
0x31: {  	[smem:$0x3FB9] =	sst s10  }
0x32: {  	s10 =	sld [smem:$0x3FB7];
	_ =	sdelay $0x3  }
0x33: {  	p0 =	seq.s32 s10, $0x1;
	s10 =	sld [smem:$0x3FB9];
	_ =	sdelay $0x3  }
0x34: {  	[smem:$0x3FB9] =	sst s10  }
0x35: {  	s10 =	sld [smem:$0x3FB8];
	_ =	sdelay $0x3  }
0x36: {  	p1 =	seq.s32 s10, $0x1;
	s10 =	sld [smem:$0x3FB9];
	_ =	sdelay $0x3  }
0x37: {  	[smem:$0x3FB9] =	sst s10  }
0x38: {  	s10 =	sld [smem:$0x3FBA]  }
0x39: {  	_ = 	snop;
	(pc) =	sbr.ind lr, $3  }
0x3a: {  	_ = 	snop  }
0x3b: {  	_ = 	snop  }
0x3c: {  	p2 =	seq.s32 s10, $0x1;
	s10 =	sld [smem:$0x3FB9]  }
0x3d: {  	_ =	shalt  }
0x3e: {  	_ =	shalt  }
0x3f: {  	_ =	shalt  }
0x40: {  	_ =	shalt  }
0x41: {  	_ =	shalt  }
0x42: {  	_ =	shalt  }
0x43: {  	_ =	shalt  }
0x44: {  	_ =	shalt  }
0x45: {  	_ =	shalt  }
0x46: {  	_ =	shalt  }
0x47: {  	_ =	shalt  }
0x48: {  	_ =	shalt  }
0x49: {  	_ =	shalt  }
0x4a: {  	_ =	shalt  }
0x4b: {  	_ =	shalt  }
0x4c: {  	_ =	shalt  }
0x4d: {  	_ =	shalt  }
0x4e: {  	_ =	shalt  }
0x4f: {  	_ =	shalt  }
0x50: {  	_ =	shalt  }
0x51: {  	_ =	shalt  }
0x52: {  	_ =	shalt  }
0x53: {  	_ =	shalt  }
0x54: {  	_ =	shalt  }
0x55: {  	_ =	shalt  }
0x56: {  	_ =	shalt  }
0x57: {  	_ =	shalt  }
0x58: {  	_ =	shalt  }
0x59: {  	_ =	shalt  }
0x5a: {  	_ =	shalt  }
0x5b: {  	_ =	shalt  }
0x5c: {  	_ =	shalt  }
0x5d: {  	_ =	shalt  }
0x5e: {  	_ =	shalt  }
0x5f: {  	_ =	shalt  }
0x60: {  	_ =	shalt  }
0x61: {  	_ =	shalt  }
0x62: {  	_ =	shalt  }
0x63: {  	_ =	shalt  }
0x64: {  	_ =	shalt  }
0x65: {  	_ =	shalt  }
0x66: {  	_ =	shalt  }
0x67: {  	_ =	shalt  }
0x68: {  	_ =	shalt  }
0x69: {  	_ =	shalt  }
0x6a: {  	_ =	shalt  }
0x6b: {  	_ =	shalt  }
0x6c: {  	_ =	shalt  }
0x6d: {  	_ =	shalt  }
0x6e: {  	_ =	shalt  }
0x6f: {  	_ =	shalt  }
0x70: {  	_ =	shalt  }
0x71: {  	_ =	shalt  }
0x72: {  	_ =	shalt  }
0x73: {  	_ =	shalt  }
0x74: {  	_ =	shalt  }
0x75: {  	_ =	shalt  }
0x76: {  	_ =	shalt  }
0x77: {  	_ =	shalt  }
0x78: {  	_ =	shalt  }
0x79: {  	_ =	shalt  }
0x7a: {  	_ =	shalt  }
0x7b: {  	_ =	shalt  }
0x7c: {  	_ =	shalt  }
0x7d: {  	_ =	shalt  }
0x7e: {  	_ =	shalt  }
0x7f: {  	_ =	shalt  }
0x80: {  	_ =	shalt  }
0x81: {  	_ =	shalt  }
0x82: {  	_ =	shalt  }
0x83: {  	_ =	shalt  }
0x84: {  	_ =	shalt  }
0x85: {  	_ =	shalt  }
0x86: {  	_ =	shalt  }
0x87: {  	_ =	shalt  }
.Lfunc_end0:
.L_simem_size_0:
called_computation_lowered:
.L_overlay_start_0:
0x88: {  	s2 =	sld [smem:$0x3FD9]  }
0x89: {  	s3 =	sld [smem:$0x3FFE];
	_ =	sdelay $0x1  }
0x8a: {  	s1 =	srdreg.scid  }
0x8b: {  	s0 =	sand.u32 $0x1, s1  }
0x8c: {  	s17 =	sshll.u32 s0, $0xA;
	s2 =	sadd.s32 s3, s2  }
0x8d: {  	s2 =	sadd.s32 s2, s17  }
0x8e: {  	[smem:$0x3FC5] =	sst s2  }
0x8f: {  	_ = 	snop  }
0x90: {  	s2 =	sld [smem:$0x3FC8]  }
0x91: {  	s18 =	sld [smem:$0x3FC7]  }
0x92: {  	s4 =	sld [smem:$0x3FD0];
	(tm) =	ssettm $0x1  }
0x93: {  	s5 =	sld [smem:$0x3FFB];
	_ =	sdelay $0x3  }
0x94: {  	_ =	strace s5  }
0x95: {  	s5 =	sld [smem:$0x3FFC];
	_ =	sdelay $0x3  }
0x96: {  	_ =	strace s5  }
0x97: {  	s5 =	sld [smem:$0x3FFD];
	_ =	sdelay $0x3  }
0x98: {  	_ =	strace s5  }
0x99: {  	_ =	strace $0x8FFFFFFF  }
0x9a: {  	s19 =	sld [smem:$0x3FDB];
	_ =	sdelay $0x1  }
0x9b: {  	s6 =	simm.s32 $_scs_section_size  }
0x9c: {  	s7 =	simm.s32 $_size__tile_overlayer_lowered;
	s8 =	simm.s32 $_tile_overlayer_lowered  }
0x9d: {  	s22 =	simm.s32 $0x1BFF;
	s21 =	sshll.u32 s8, $0x1;
	s5 =	sadd.s32 s6, s19  }
0x9e: {  	s9 =	simm.s32 $0x0;
	s20 =	sshll.u32 s7, $0x1;
	s7 =	sadd.s32 s21, s5  }
0x9f: {  	[timem:s9], [sflag:s22] =	dma.local [hbm:s7], s20  }
0xa0: {  	_ =	swait.ge [sflag:s22], s20  }
0xa1: {  	s6 =	ssub.s32 $0x0, s20;
	[sflag:s22] =	ssyncset.done $0x0  }
0xa2: {  	[sflag:s22] =	ssyncadd.s32 s6;
	_ =	sdelay $0x1  }
0xa3: {  	s23 =	simm.s32 $0x1B8B  }
0xa4: {  	_ =	swait.ge [sflag:s23], $0x1  }
0xa5: {  	[sflag:s23] =	ssyncset.done $0x0  }
0xa6: {  	s25 =	simm.s32 $0x1B8E;
	s24 =	sld [smem:$0x3FFE];
	[sflag:s23] =	ssyncadd.s32 $0xFFFFFFFF  }
0xa7: {  	s26 =	simm.s32 $execute0_lowered;
	[smem:$0x3FD2] =	sst s25  }
0xa8: {  	s7 =	sshll.u32 s26, $0x1;
	_ =	strace $0x80000046;
	[dreg:$0x1] =	wrdreg $0xFFFFFFFF  }
0xa9: {  	s28 =	simm.s32 $_size_execute0_lowered;
	s5 =	sadd.s32 s5, s7;
	[dreg:$0x0] =	wrdreg $0x0  }
0xaa: {  	s7 =	sshll.u32 s28, $0x1;
	[dreg:$0x2] =	wrdreg s5  }
0xab: {  	[dreg:$0x3] =	wrdreg s7  }
0xac: {  	[dreg:$0x4] =	wrdreg $0xC0  }
0xad: {  	_ =	task [dreg:s9], $0x5FFFF  }
0xae: {  	[dreg:$0x1] =	wrdreg $0xFFFFFFFF  }
0xaf: {  	[dreg:$0x0] =	wrdreg $0x60  }
0xb0: {  	[dreg:$0x2] =	wrdreg s24  }
0xb1: {  	[dreg:$0x3] =	wrdreg s2  }
0xb2: {  	[dreg:$0x4] =	wrdreg s18  }
0xb3: {  	[dreg:$0x5] =	wrdreg s4  }
0xb4: {  	[dreg:$0x6] =	wrdreg $0x9  }
0xb5: {  	_ =	task.clear_ibuf [dreg:s9], $0x7FFFF;
	_ =	strace $0x90000046  }
0xb6: {  	s29 =	simm.s32 $0x9;
	_ =	strace $0x80000048  }
0xb7: {  	_ =	swait.ge [sflag:s29], $0x1  }
0xb8: {  	[sflag:s29] =	ssyncadd.s32 $0xFFFFFFFF  }
0xb9: {  	_ =	strace $0x90000048  }
0xba: {  	_ =	sfence  }
0xbb: {  	s30 =	sld [smem:$0x0];
	_ =	sdelay $0x2  }
0xbc: {  	s31 =	sshll.u32 s1, $0xD;
	s1 =	sshrl.u32 s1, $0x2  }
0xbd: {  	s3 =	sand.u32 $0x4000, s31;
	s1 =	sadd.s32 s1, s30  }
0xbe: {  	s0 =	sor.u32 s3, s0;
	s1 =	sshll.u32 s1, $0x11  }
0xbf: {  	s0 =	sor.u32 s1, s0  }
0xc0: {  	s0 =	sadd.s32 $0x8F2B, s0  }
0xc1: {  	[sflag:s0] =	ssyncadd.remote.s32 $0x1  }
0xc2: {  	_ =	sfence.sel $0xFFFF  }
0xc3: {  	[dreg:$0x0] =	wrdreg $0xFFFFFFFF;
	(pc) =	sbr.abs _section_cstart, $3  }
0xc4: {  	[dreg:$0x1] =	wrdreg $0xFFFFFFFF  }
0xc5: {  	_ =	task.clear_ibuf [dreg:s9], $0x2FFFF;
	_ =	strace $0x9FFFFFFF  }
0xc6: {  	(tm) =	ssettm $0x7FFFFFFF  }
0xc7: {  	_ =	shalt  }
tec
execute0_lowered:
.L_overlay_start_1:
0x0: {  	(tag) =	ssettag $0x1  }
0x1: {  	s0 =	rddreg [dreg:$0x0]  }
0x2: {  	s1 =	rddreg [dreg:$0x1]  }
0x3: {  	s3 =	rddreg [dreg:$0x3]  }
0x4: {  	s2 =	srdreg.scid;
	s4 =	simm.s32 $0x0;
	s5 =	stileid.u32  }
0x5: {  	s11 =	simm.s32 $0x9;
	s12 =	simm.s32 $0x80;
	s14 =	simm.s32 $0x6400  }
0x6: {  	s19 =	simm.s32 $0xC400;
	s20 =	simm.s32 $0x1;
	s21 =	simm.s32 $0xE400  }
0x7: {  	s22 =	simm.s32 $0x2;
	s23 =	simm.s32 $0x6;
	s24 =	simm.s32 $0x10600  }
0x8: {  	s25 =	simm.s32 $0x3;
	s28 =	simm.s32 $0x4;
	s29 =	simm.s32 $0x14A00  }
0x9: {  	s31 =	simm.s32 $0x7;
	s2 =	sand.u32 $0x1, s2;
	[smem:$0x7FF] =	sst s4  }
0xa: {  	s5 =	sshll.u32 s5, $0x1;
	s8 =	sadd.s32 $0x8000, s3;
	s6 =	ssub.s32 $0x2, s2  }
.Ltmp0:
0xb: {  	_ =	strace $0x80000047;
	s2 =	sor.u32 s2, s5;
	(pc) =	sbr.rel .LBB2_1-.Ltmp0, $4  }
0xc: {  	v0 =	vlaneseq.u32;
	s5 =	sadd.s32 $0xF42800, s0;
	s7 =	sshrl.u32 s6, $0x1;
	s30 =	sshll.u32 s2, $0x4  }
0xd: {  	v0 =	vmul.u32 $0x88, v0;
	s26 =	ssub.s32 s6, s7;
	s1 =	sadd.s32 s1, s30;
	s7 =	sshll.u32 s2, $0xA  }
0xe: {  	s2 =	simm.s32 $0x0;
	[dreg:$0x5] =	wrdreg s1;
	s0 =	smax.u32 s26, $0x1  }
0xf: {  	v1 =	vadd.s32 $0x880, v0;
	v2 =	vadd.s32 $0x1100, v0;
	v3 =	vadd.s32 $0x1980, v0;
	s26 =	simm.s32 $0x12800;
	[dreg:$0x6] =	wrdreg s0;
	s0 =	simm.s32 $0x8  }
.LBB2_48:
0x10: {  	s1 =	simm.s32 $0x5  }
0x11: {  	_ =	swait.ge [sflag:s1], $0x2000  }
0x12: {  	[sflag:s1] =	ssyncset.done $0x0  }
0x13: {  	[sflag:s1] =	ssyncadd.s32 $0xFFFFE000  }
0x14: {  	_ =	swait.ge [sflag:s23], $0x2000  }
0x15: {  	[sflag:s23] =	ssyncset.done $0x0  }
0x16: {  	[sflag:s23] =	ssyncadd.s32 $0xFFFFE000  }
0x17: {  	_ =	swait.ge [sflag:s31], $0x2000  }
0x18: {  	[sflag:s31] =	ssyncset.done $0x0  }
0x19: {  	[sflag:s31] =	ssyncadd.s32 $0xFFFFE000  }
0x1a: {  	_ =	swait.ge [sflag:s0], $0x2000  }
0x1b: {  	s2 =	sadd.s32 $0x1, s2;
	s30 =	rddreg [dreg:$0x6]  }
0x1c: {  	p0 =	sne.s32 s2, s30  }
.Ltmp1:
0x1d: {  	_ = 	snop;
	(pc) =	sbr.rel @!p0 .LBB2_49-.Ltmp1, $3  }
0x1e: {  	_ =	sdelay $0x1  }
0x1f: {  	[sflag:s0] =	ssyncset.done $0x0  }
0x20: {  	[sflag:s0] =	ssyncadd.s32 $0xFFFFE000  }
.LBB2_1:
0x21: {  	s1 =	rddreg [dreg:$0x2];
	s6 =	simm.s32 $0x16C00  }
0x22: {  	[tilespmem:s6], [sflag:$0x9] =	stream.linear.gather [hbm4b:s1+s4], $0x3200, $0x38;
	[tilespmem:$0x19E00] =	vst v63  }
0x23: {  	_ =	swait.ge [sflag:s11], $0x3200  }
0x24: {  	[sflag:s11] =	ssyncset.done $0x0  }
0x25: {  	s15 =	simm.s32 $0x1000;
	s13 =	rddreg [dreg:$0x5];
	[sflag:s11] =	ssyncadd.s32 $0xFFFFCE00  }
0x26: {  	[tilespmem:s4], [sflag:$0x9] =	stream.strided.gather [hbm4b:s13+s12], $0x6400, s15, s12, $0x38;
	[tilespmem:$0x19E00] =	vst v63  }
0x27: {  	_ =	swait.ge [sflag:s11], $0x6400  }
0x28: {  	[sflag:s11] =	ssyncset.done $0x0  }
0x29: {  	[sflag:s11] =	ssyncadd.s32 $0xFFFF9C00  }
0x2a: {  	[tilespmem:s14], [sflag:$0x1] =	stream.indirect.gather [hbm4b:s5+s12], $0x40, s4, s12, $0xb8;
	[tilespmem:$0x19E00] =	vst v63  }
0x2b: {  	s16 =	simm.s32 $0x8400  }
0x2c: {  	[tilespmem:s16], [sflag:$0x2] =	stream.indirect.gather [hbm4b:s5+s12], $0x40, s12, s12, $0xb8;
	[tilespmem:$0x19E00] =	vst v63  }
0x2d: {  	s17 =	simm.s32 $0x100;
	s18 =	simm.s32 $0xA400  }
0x2e: {  	[tilespmem:s18], [sflag:$0x3] =	stream.indirect.gather [hbm4b:s5+s12], $0x40, s17, s12, $0xb8;
	[tilespmem:$0x19E00] =	vst v63  }
0x2f: {  	s30 =	simm.s32 $0x180;
	s1 =	simm.s32 $0x0  }
0x30: {  	[tilespmem:s19], [sflag:$0x4] =	stream.indirect.gather [hbm4b:s5+s12], $0x40, s30, s12, $0xb8;
	[tilespmem:$0x19E00] =	vst v63  }
.LBB2_2:
0x31: {  	_ =	swait.ge [sflag:s20], $0x2000  }
0x32: {  	p0 =	seq.s32 s1, $0x0;
	[sflag:s20] =	ssyncset.done $0x0  }
0x33: {  	s6 =	simm.s32 @!p0 $0x5;
	[sflag:s20] =	ssyncadd.s32 $0xFFFFE000  }
0x34: {  	_ =	swait.ge @!p0 [sflag:s6], $0x2000  }
0x35: {  	s9 =	sshll.u32 s1, $0x8;
	[sflag:s6] =	ssyncset.done @!p0 $0x0  }
0x36: {  	s13 =	sand.u32 $0x3FFFFF00, s9;
	[sflag:s6] =	ssyncadd.s32 @!p0 $0xFFFFE000  }
0x37: {  	s16 =	simm.s32 $0x0;
	s15 =	simm.s32 $0x6480;
	v7 =	vld [tilespmem:s13+$0x16C00]  }
0x38: {  	v5 =	vmov s16;
	v4 =	vld [tilespmem:s15+$0xFFFFFF80]  }
0x39: {  	v8 =	vand.u32 $0x7C, v5  }
0x3a: {  	v9 =	vadd.s32 v0, v8;
	_ =	sdelay $0x2  }
0x3b: {  	v6 =	vld [tilespmem:s13+$0x16C10];
	v10 =	vadd.f32 v4, v7  }
0x3c: {  	v5 =	vld [tilespmem:s13+$0x16C20]  }
0x3d: {  	s17 =	simm.s32 $0x1;
	v4 =	vld [tilespmem:s13+$0x16C30];
	[tilespmem:v9+s21+$0x0] =	vst.idx.msk $0xffff, v10  }
0x3e: {  	v9 =	vmov s17;
	v10 =	vld [tilespmem:s15+$0xFFFFFFC0]  }
0x3f: {  	v9 =	vand.u32 $0x7D, v9  }
0x40: {  	v11 =	vadd.s32 v0, v9;
	_ =	sdelay $0x2  }
0x41: {  	v10 =	vadd.f32 v10, v7;
	_ =	sdelay $0x1  }
0x42: {  	s18 =	simm.s32 $0x2;
	[tilespmem:v11+s21+$0x0] =	vst.idx.msk $0xffff, v10  }
0x43: {  	v10 =	vmov s18;
	v11 =	vld [tilespmem:s15+$0x0]  }
0x44: {  	v10 =	vand.u32 $0x7E, v10  }
0x45: {  	v12 =	vadd.s32 v0, v10;
	_ =	sdelay $0x2  }
0x46: {  	v11 =	vadd.f32 v11, v7;
	_ =	sdelay $0x1  }
0x47: {  	s30 =	simm.s32 $0x3;
	[tilespmem:v12+s21+$0x0] =	vst.idx.msk $0xffff, v11  }
0x48: {  	v11 =	vmov s30;
	v13 =	vld [tilespmem:s15+$0x40]  }
0x49: {  	v11 =	vand.u32 $0x7F, v11  }
0x4a: {  	v12 =	vadd.s32 v0, v11;
	_ =	sdelay $0x2  }
0x4b: {  	s10 =	sshll.u32 s1, $0x2;
	s16 =	simm.s32 $0x6490;
	s17 =	simm.s32 $0x4;
	v13 =	vadd.f32 v13, v7  }
.LBB2_3:
0x4c: {  	p1 =	slt.u32 s17, $0x7C  }
0x4d: {  	[tilespmem:v12+s21+$0x0] =	vst.idx.msk $0xffff, v13;
	s15 =	sadd.s32 $0x100, s15;
	s6 =	smov.u32 s17;
	s17 =	sadd.s32 $0x4, s17  }
0x4e: {  	v12 =	vld [tilespmem:s15+$0xFFFFFF80];
	v13 =	vmov s6  }
0x4f: {  	v13 =	vand.u32 $0x7C, v13  }
0x50: {  	v13 =	vadd.s32 v0, v13;
	_ =	sdelay $0x2  }
0x51: {  	v12 =	vadd.f32 v12, v7;
	_ =	sdelay $0x1  }
0x52: {  	s9 =	sadd.s32 $0x1, s6;
	[tilespmem:v13+s21+$0x0] =	vst.idx.msk $0xffff, v12  }
0x53: {  	v13 =	vmov s9;
	v12 =	vld [tilespmem:s15+$0xFFFFFFC0]  }
0x54: {  	v13 =	vand.u32 $0x7D, v13  }
0x55: {  	v13 =	vadd.s32 v0, v13;
	_ =	sdelay $0x2  }
0x56: {  	v12 =	vadd.f32 v12, v7;
	_ =	sdelay $0x1  }
0x57: {  	s9 =	sadd.s32 $0x2, s6;
	[tilespmem:v13+s21+$0x0] =	vst.idx.msk $0xffff, v12  }
0x58: {  	v13 =	vmov s9;
	v12 =	vld [tilespmem:s15+$0x0]  }
0x59: {  	v13 =	vand.u32 $0x7E, v13  }
0x5a: {  	v13 =	vadd.s32 v0, v13;
	_ =	sdelay $0x2  }
0x5b: {  	v12 =	vadd.f32 v12, v7;
	_ =	sdelay $0x1  }
0x5c: {  	s6 =	sadd.s32 $0x3, s6;
	[tilespmem:v13+s21+$0x0] =	vst.idx.msk $0xffff, v12  }
0x5d: {  	v12 =	vmov s6;
	v13 =	vld [tilespmem:s15+$0x40]  }
0x5e: {  	v12 =	vand.u32 $0x7F, v12  }
.Ltmp2:
0x5f: {  	v12 =	vadd.s32 v0, v12;
	(pc) =	sbr.rel @p1 .LBB2_3-.Ltmp2, $2  }
0x60: {  	_ =	sdelay $0x1  }
0x61: {  	v13 =	vadd.f32 v13, v7;
	_ =	sdelay $0x1  }
0x62: {  	_ =	sdelay $0x3  }
0x63: {  	[tilespmem:v12+s21+$0x0] =	vst.idx.msk $0xffff, v13  }
0x64: {  	v7 =	vld [tilespmem:s16+$0xFFFFFF80];
	_ =	sdelay $0x1  }
0x65: {  	v8 =	vadd.s32 v1, v8;
	_ =	sdelay $0x2  }
0x66: {  	v7 =	vadd.f32 v7, v6;
	_ =	sdelay $0x1  }
0x67: {  	[tilespmem:v8+s21+$0x0] =	vst.idx.msk $0xffff, v7  }
0x68: {  	v7 =	vld [tilespmem:s16+$0xFFFFFFC0];
	_ =	sdelay $0x1  }
0x69: {  	v8 =	vadd.s32 v1, v9;
	_ =	sdelay $0x2  }
0x6a: {  	v7 =	vadd.f32 v7, v6;
	_ =	sdelay $0x1  }
0x6b: {  	[tilespmem:v8+s21+$0x0] =	vst.idx.msk $0xffff, v7  }
0x6c: {  	v7 =	vld [tilespmem:s16+$0x0];
	_ =	sdelay $0x1  }
0x6d: {  	v8 =	vadd.s32 v1, v10;
	_ =	sdelay $0x2  }
0x6e: {  	v7 =	vadd.f32 v7, v6;
	_ =	sdelay $0x1  }
0x6f: {  	[tilespmem:v8+s21+$0x0] =	vst.idx.msk $0xffff, v7  }
0x70: {  	v8 =	vld [tilespmem:s16+$0x40];
	_ =	sdelay $0x1  }
0x71: {  	v7 =	vadd.s32 v1, v11;
	_ =	sdelay $0x2  }
0x72: {  	s17 =	simm.s32 $0x4;
	s15 =	simm.s32 $0x64A0;
	v8 =	vadd.f32 v8, v6  }
.LBB2_5:
0x73: {  	p1 =	slt.u32 s17, $0x7C  }
0x74: {  	[tilespmem:v7+s21+$0x0] =	vst.idx.msk $0xffff, v8;
	s16 =	sadd.s32 $0x100, s16;
	s6 =	smov.u32 s17;
	s17 =	sadd.s32 $0x4, s17  }
0x75: {  	v7 =	vld [tilespmem:s16+$0xFFFFFF80];
	v8 =	vmov s6  }
0x76: {  	v8 =	vand.u32 $0x7C, v8  }
0x77: {  	v8 =	vadd.s32 v1, v8;
	_ =	sdelay $0x2  }
0x78: {  	v7 =	vadd.f32 v7, v6;
	_ =	sdelay $0x1  }
0x79: {  	s9 =	sadd.s32 $0x1, s6;
	[tilespmem:v8+s21+$0x0] =	vst.idx.msk $0xffff, v7  }
0x7a: {  	v8 =	vmov s9;
	v7 =	vld [tilespmem:s16+$0xFFFFFFC0]  }
0x7b: {  	v8 =	vand.u32 $0x7D, v8  }
0x7c: {  	v8 =	vadd.s32 v1, v8;
	_ =	sdelay $0x2  }
0x7d: {  	v7 =	vadd.f32 v7, v6;
	_ =	sdelay $0x1  }
0x7e: {  	s9 =	sadd.s32 $0x2, s6;
	[tilespmem:v8+s21+$0x0] =	vst.idx.msk $0xffff, v7  }
0x7f: {  	v8 =	vmov s9;
	v7 =	vld [tilespmem:s16+$0x0]  }
0x80: {  	v8 =	vand.u32 $0x7E, v8  }
0x81: {  	v8 =	vadd.s32 v1, v8;
	_ =	sdelay $0x2  }
0x82: {  	v7 =	vadd.f32 v7, v6;
	_ =	sdelay $0x1  }
0x83: {  	s6 =	sadd.s32 $0x3, s6;
	[tilespmem:v8+s21+$0x0] =	vst.idx.msk $0xffff, v7  }
0x84: {  	v7 =	vmov s6;
	v8 =	vld [tilespmem:s16+$0x40]  }
0x85: {  	v7 =	vand.u32 $0x7F, v7  }
.Ltmp3:
0x86: {  	v7 =	vadd.s32 v1, v7;
	(pc) =	sbr.rel @p1 .LBB2_5-.Ltmp3, $3  }
0x87: {  	_ =	sdelay $0x1  }
0x88: {  	v8 =	vadd.f32 v8, v6  }
0x89: {  	s6 =	simm.s32 $0x0  }
0x8a: {  	_ =	sdelay $0x3  }
0x8b: {  	[tilespmem:v7+s21+$0x0] =	vst.idx.msk $0xffff, v8  }
0x8c: {  	v6 =	vmov s6;
	v7 =	vld [tilespmem:s15+$0xFFFFFF80]  }
0x8d: {  	v6 =	vand.u32 $0x7C, v6  }
0x8e: {  	v8 =	vadd.s32 v2, v6;
	_ =	sdelay $0x2  }
0x8f: {  	v7 =	vadd.f32 v7, v5;
	_ =	sdelay $0x1  }
0x90: {  	s17 =	simm.s32 $0x1;
	[tilespmem:v8+s21+$0x0] =	vst.idx.msk $0xffff, v7  }
0x91: {  	v7 =	vmov s17;
	v8 =	vld [tilespmem:s15+$0xFFFFFFC0]  }
0x92: {  	v7 =	vand.u32 $0x7D, v7  }
0x93: {  	v9 =	vadd.s32 v2, v7;
	_ =	sdelay $0x2  }
0x94: {  	v8 =	vadd.f32 v8, v5;
	_ =	sdelay $0x1  }
0x95: {  	s18 =	simm.s32 $0x2;
	[tilespmem:v9+s21+$0x0] =	vst.idx.msk $0xffff, v8  }
0x96: {  	v8 =	vmov s18;
	v9 =	vld [tilespmem:s15+$0x0]  }
0x97: {  	v8 =	vand.u32 $0x7E, v8  }
0x98: {  	v10 =	vadd.s32 v2, v8;
	_ =	sdelay $0x2  }
0x99: {  	v9 =	vadd.f32 v9, v5;
	_ =	sdelay $0x1  }
0x9a: {  	s30 =	simm.s32 $0x3;
	[tilespmem:v10+s21+$0x0] =	vst.idx.msk $0xffff, v9  }
0x9b: {  	v9 =	vmov s30;
	v11 =	vld [tilespmem:s15+$0x40]  }
0x9c: {  	v9 =	vand.u32 $0x7F, v9  }
0x9d: {  	v10 =	vadd.s32 v2, v9;
	_ =	sdelay $0x2  }
0x9e: {  	s16 =	simm.s32 $0x64B0;
	s17 =	simm.s32 $0x4;
	v11 =	vadd.f32 v11, v5  }
.LBB2_7:
0x9f: {  	p1 =	slt.u32 s17, $0x7C  }
0xa0: {  	[tilespmem:v10+s21+$0x0] =	vst.idx.msk $0xffff, v11;
	s15 =	sadd.s32 $0x100, s15;
	s6 =	smov.u32 s17;
	s17 =	sadd.s32 $0x4, s17  }
0xa1: {  	v10 =	vld [tilespmem:s15+$0xFFFFFF80];
	v11 =	vmov s6  }
0xa2: {  	v11 =	vand.u32 $0x7C, v11  }
0xa3: {  	v11 =	vadd.s32 v2, v11;
	_ =	sdelay $0x2  }
0xa4: {  	v10 =	vadd.f32 v10, v5;
	_ =	sdelay $0x1  }
0xa5: {  	s9 =	sadd.s32 $0x1, s6;
	[tilespmem:v11+s21+$0x0] =	vst.idx.msk $0xffff, v10  }
0xa6: {  	v11 =	vmov s9;
	v10 =	vld [tilespmem:s15+$0xFFFFFFC0]  }
0xa7: {  	v11 =	vand.u32 $0x7D, v11  }
0xa8: {  	v11 =	vadd.s32 v2, v11;
	_ =	sdelay $0x2  }
0xa9: {  	v10 =	vadd.f32 v10, v5;
	_ =	sdelay $0x1  }
0xaa: {  	s9 =	sadd.s32 $0x2, s6;
	[tilespmem:v11+s21+$0x0] =	vst.idx.msk $0xffff, v10  }
0xab: {  	v11 =	vmov s9;
	v10 =	vld [tilespmem:s15+$0x0]  }
0xac: {  	v11 =	vand.u32 $0x7E, v11  }
0xad: {  	v11 =	vadd.s32 v2, v11;
	_ =	sdelay $0x2  }
0xae: {  	v10 =	vadd.f32 v10, v5;
	_ =	sdelay $0x1  }
0xaf: {  	s6 =	sadd.s32 $0x3, s6;
	[tilespmem:v11+s21+$0x0] =	vst.idx.msk $0xffff, v10  }
0xb0: {  	v10 =	vmov s6;
	v11 =	vld [tilespmem:s15+$0x40]  }
0xb1: {  	v10 =	vand.u32 $0x7F, v10  }
.Ltmp4:
0xb2: {  	v10 =	vadd.s32 v2, v10;
	(pc) =	sbr.rel @p1 .LBB2_7-.Ltmp4, $2  }
0xb3: {  	_ =	sdelay $0x1  }
0xb4: {  	v11 =	vadd.f32 v11, v5;
	_ =	sdelay $0x1  }
0xb5: {  	_ =	sdelay $0x3  }
0xb6: {  	[tilespmem:v10+s21+$0x0] =	vst.idx.msk $0xffff, v11  }
0xb7: {  	v5 =	vld [tilespmem:s16+$0xFFFFFF80];
	_ =	sdelay $0x1  }
0xb8: {  	v6 =	vadd.s32 v3, v6;
	_ =	sdelay $0x2  }
0xb9: {  	v5 =	vadd.f32 v5, v4;
	_ =	sdelay $0x1  }
0xba: {  	[tilespmem:v6+s21+$0x0] =	vst.idx.msk $0xffff, v5  }
0xbb: {  	v5 =	vld [tilespmem:s16+$0xFFFFFFC0];
	_ =	sdelay $0x1  }
0xbc: {  	v6 =	vadd.s32 v3, v7;
	_ =	sdelay $0x2  }
0xbd: {  	v5 =	vadd.f32 v5, v4;
	_ =	sdelay $0x1  }
0xbe: {  	[tilespmem:v6+s21+$0x0] =	vst.idx.msk $0xffff, v5  }
0xbf: {  	v5 =	vld [tilespmem:s16+$0x0];
	_ =	sdelay $0x1  }
0xc0: {  	v6 =	vadd.s32 v3, v8;
	_ =	sdelay $0x2  }
0xc1: {  	v5 =	vadd.f32 v5, v4;
	_ =	sdelay $0x1  }
0xc2: {  	[tilespmem:v6+s21+$0x0] =	vst.idx.msk $0xffff, v5  }
0xc3: {  	v6 =	vld [tilespmem:s16+$0x40];
	_ =	sdelay $0x1  }
0xc4: {  	v5 =	vadd.s32 v3, v9;
	_ =	sdelay $0x2  }
0xc5: {  	s15 =	simm.s32 $0x4;
	v6 =	vadd.f32 v6, v4  }
.LBB2_9:
0xc6: {  	p1 =	slt.u32 s15, $0x7C  }
0xc7: {  	s16 =	sadd.s32 $0x100, s16;
	s6 =	smov.u32 s15;
	s15 =	sadd.s32 $0x4, s15;
	[tilespmem:v5+s21+$0x0] =	vst.idx.msk $0xffff, v6  }
0xc8: {  	v6 =	vmov s6;
	v5 =	vld [tilespmem:s16+$0xFFFFFF80]  }
0xc9: {  	v6 =	vand.u32 $0x7C, v6  }
0xca: {  	v6 =	vadd.s32 v3, v6;
	_ =	sdelay $0x2  }
0xcb: {  	v5 =	vadd.f32 v5, v4;
	_ =	sdelay $0x1  }
0xcc: {  	s9 =	sadd.s32 $0x1, s6;
	[tilespmem:v6+s21+$0x0] =	vst.idx.msk $0xffff, v5  }
0xcd: {  	v6 =	vmov s9;
	v5 =	vld [tilespmem:s16+$0xFFFFFFC0]  }
0xce: {  	v6 =	vand.u32 $0x7D, v6  }
0xcf: {  	v6 =	vadd.s32 v3, v6;
	_ =	sdelay $0x2  }
0xd0: {  	v5 =	vadd.f32 v5, v4;
	_ =	sdelay $0x1  }
0xd1: {  	s9 =	sadd.s32 $0x2, s6;
	[tilespmem:v6+s21+$0x0] =	vst.idx.msk $0xffff, v5  }
0xd2: {  	v6 =	vmov s9;
	v5 =	vld [tilespmem:s16+$0x0]  }
0xd3: {  	v6 =	vand.u32 $0x7E, v6  }
0xd4: {  	v6 =	vadd.s32 v3, v6;
	_ =	sdelay $0x2  }
0xd5: {  	v5 =	vadd.f32 v5, v4;
	_ =	sdelay $0x1  }
0xd6: {  	s6 =	sadd.s32 $0x3, s6;
	[tilespmem:v6+s21+$0x0] =	vst.idx.msk $0xffff, v5  }
0xd7: {  	v5 =	vmov s6;
	v6 =	vld [tilespmem:s16+$0x40]  }
.Ltmp5:
0xd8: {  	v5 =	vand.u32 $0x7F, v5;
	(pc) =	sbr.rel @p1 .LBB2_9-.Ltmp5, $2  }
0xd9: {  	v5 =	vadd.s32 v3, v5;
	_ =	sdelay $0x2  }
0xda: {  	v6 =	vadd.f32 v6, v4  }
0xdb: {  	_ = 	snop  }
0xdc: {  	s6 =	sshll.u32 s1, $0x14  }
0xdd: {  	s6 =	sor.u32 s7, s6  }
0xde: {  	s15 =	sshrl.u32 s6, $0x3  }
0xdf: {  	s9 =	simm.s32 $0xE400;
	[tilespmem:v5+s21+$0x0] =	vst.idx.msk $0xffff, v6;
	s17 =	sadd.s32 s3, s15  }
0xe0: {  	[hbm4b:s17+s4] =	stream.linear.scatter [tilespmem:s9], [sflag:$0x5], $0x80, $0x38;
	[tilespmem:$0x19E00] =	vst v63  }
0xe1: {  	s16 =	simm.s32 $0xE488;
	s9 =	sadd.s32 $0x10, s17  }
0xe2: {  	[hbm4b:s9+s4] =	stream.linear.scatter [tilespmem:s16], [sflag:$0x5], $0x80, $0x38;
	[tilespmem:$0x19E00] =	vst v63  }
0xe3: {  	s18 =	simm.s32 $0xE510;
	s30 =	sadd.s32 $0x20, s17  }
0xe4: {  	[hbm4b:s30+s4] =	stream.linear.scatter [tilespmem:s18], [sflag:$0x5], $0x80, $0x38;
	[tilespmem:$0x19E00] =	vst v63  }
0xe5: {  	s9 =	simm.s32 $0xE598;
	s16 =	sadd.s32 $0x30, s17  }
0xe6: {  	[hbm4b:s16+s4] =	stream.linear.scatter [tilespmem:s9], [sflag:$0x5], $0x80, $0x38;
	[tilespmem:$0x19E00] =	vst v63  }
0xe7: {  	s18 =	simm.s32 $0xE620;
	s30 =	sadd.s32 $0x40, s17  }
0xe8: {  	[hbm4b:s30+s4] =	stream.linear.scatter [tilespmem:s18], [sflag:$0x5], $0x80, $0x38;
	[tilespmem:$0x19E00] =	vst v63  }
0xe9: {  	s6 =	simm.s32 $0xE7B8;
	s9 =	simm.s32 $0xE6A8;
	s16 =	sadd.s32 $0x50, s17  }
0xea: {  	[hbm4b:s16+s4] =	stream.linear.scatter [tilespmem:s9], [sflag:$0x5], $0x80, $0x38;
	[tilespmem:$0x19E00] =	vst v63  }
0xeb: {  	s18 =	simm.s32 $0xE730;
	s30 =	sadd.s32 $0x60, s17;
	s16 =	simm.s32 $0x440  }
0xec: {  	[hbm4b:s30+s4] =	stream.linear.scatter [tilespmem:s18], [sflag:$0x5], $0x80, $0x38;
	[tilespmem:$0x19E00] =	vst v63  }
0xed: {  	s9 =	sadd.s32 $0x70, s17;
	s17 =	sadd.s32 $0x1000, s17;
	s18 =	simm.s32 $0x2200  }
.LBB2_11:
0xee: {  	[hbm4b:s9+s4] =	stream.linear.scatter [tilespmem:s6], [sflag:$0x5], $0x80, $0x38;
	[tilespmem:$0x19E00] =	vst v63  }
0xef: {  	s6 =	smov.u32 s16;
	s9 =	smov.u32 s18  }
0xf0: {  	s30 =	sadd.s32 $0x1100, s18;
	s16 =	sshra.s32 s9, $0x2;
	s9 =	sadd.s32 $0xE400, s6  }
0xf1: {  	[hbm4b:s17+s4] =	stream.linear.scatter [tilespmem:s9], [sflag:$0x5], $0x80, $0x38;
	[tilespmem:$0x19E00] =	vst v63  }
0xf2: {  	p1 =	sne.s32 s18, $0x7700;
	s18 =	sadd.s32 $0x10, s17;
	s9 =	sadd.s32 $0xE488, s6  }
0xf3: {  	[hbm4b:s18+s4] =	stream.linear.scatter [tilespmem:s9], [sflag:$0x5], $0x80, $0x38;
	[tilespmem:$0x19E00] =	vst v63  }
0xf4: {  	s9 =	sadd.s32 $0xE510, s6;
	s18 =	sadd.s32 $0x20, s17  }
0xf5: {  	[hbm4b:s18+s4] =	stream.linear.scatter [tilespmem:s9], [sflag:$0x5], $0x80, $0x38;
	[tilespmem:$0x19E00] =	vst v63  }
0xf6: {  	s9 =	sadd.s32 $0xE598, s6;
	s18 =	sadd.s32 $0x30, s17  }
0xf7: {  	[hbm4b:s18+s4] =	stream.linear.scatter [tilespmem:s9], [sflag:$0x5], $0x80, $0x38;
	[tilespmem:$0x19E00] =	vst v63  }
0xf8: {  	s9 =	sadd.s32 $0xE620, s6;
	s18 =	sadd.s32 $0x40, s17  }
0xf9: {  	[hbm4b:s18+s4] =	stream.linear.scatter [tilespmem:s9], [sflag:$0x5], $0x80, $0x38;
	[tilespmem:$0x19E00] =	vst v63  }
.Ltmp6:
0xfa: {  	s9 =	sadd.s32 $0xE6A8, s6;
	s18 =	sadd.s32 $0x50, s17;
	(pc) =	sbr.rel @p1 .LBB2_11-.Ltmp6, $4  }
0xfb: {  	[hbm4b:s18+s4] =	stream.linear.scatter [tilespmem:s9], [sflag:$0x5], $0x80, $0x38;
	[tilespmem:$0x19E00] =	vst v63  }
0xfc: {  	s9 =	sadd.s32 $0xE730, s6;
	s18 =	sadd.s32 $0x60, s17;
	s6 =	sadd.s32 $0xE7B8, s6  }
0xfd: {  	[hbm4b:s18+s4] =	stream.linear.scatter [tilespmem:s9], [sflag:$0x5], $0x80, $0x38;
	[tilespmem:$0x19E00] =	vst v63  }
0xfe: {  	s9 =	sadd.s32 $0x70, s17;
	s17 =	sadd.s32 $0x1000, s17;
	s18 =	smov.u32 s30  }
0xff: {  	[hbm4b:s9+s4] =	stream.linear.scatter [tilespmem:s6], [sflag:$0x5], $0x80, $0x38;
	[tilespmem:$0x19E00] =	vst v63  }
0x100: {  	s9 =	sadd.s32 $0xE400, s16  }
0x101: {  	[hbm4b:s17+s4] =	stream.linear.scatter [tilespmem:s9], [sflag:$0x5], $0x80, $0x38;
	[tilespmem:$0x19E00] =	vst v63  }
0x102: {  	s18 =	sadd.s32 $0xE488, s16;
	s30 =	sadd.s32 $0x10, s17  }
0x103: {  	[hbm4b:s30+s4] =	stream.linear.scatter [tilespmem:s18], [sflag:$0x5], $0x80, $0x38;
	[tilespmem:$0x19E00] =	vst v63  }
0x104: {  	s18 =	sadd.s32 $0xE510, s16;
	s30 =	sadd.s32 $0x20, s17  }
0x105: {  	[hbm4b:s30+s4] =	stream.linear.scatter [tilespmem:s18], [sflag:$0x5], $0x80, $0x38;
	[tilespmem:$0x19E00] =	vst v63  }
0x106: {  	s18 =	sadd.s32 $0xE598, s16;
	s30 =	sadd.s32 $0x30, s17  }
0x107: {  	[hbm4b:s30+s4] =	stream.linear.scatter [tilespmem:s18], [sflag:$0x5], $0x80, $0x38;
	[tilespmem:$0x19E00] =	vst v63  }
0x108: {  	s18 =	sadd.s32 $0xE620, s16;
	s30 =	sadd.s32 $0x40, s17  }
0x109: {  	[hbm4b:s30+s4] =	stream.linear.scatter [tilespmem:s18], [sflag:$0x5], $0x80, $0x38;
	[tilespmem:$0x19E00] =	vst v63  }
0x10a: {  	p1 =	sne.s32 s1, $0x31;
	s18 =	sadd.s32 $0xE6A8, s16;
	s30 =	sadd.s32 $0x50, s17  }
0x10b: {  	[hbm4b:s30+s4] =	stream.linear.scatter [tilespmem:s18], [sflag:$0x5], $0x80, $0x38;
	[tilespmem:$0x19E00] =	vst v63  }
.Ltmp7:
0x10c: {  	_ = 	snop;
	(pc) =	sbr.rel @p1 .LBB2_14-.Ltmp7, $4  }
0x10d: {  	s18 =	sadd.s32 $0xE730, s16;
	s30 =	sadd.s32 $0x60, s17  }
0x10e: {  	[hbm4b:s30+s4] =	stream.linear.scatter [tilespmem:s18], [sflag:$0x5], $0x80, $0x38;
	[tilespmem:$0x19E00] =	vst v63  }
0x10f: {  	s18 =	sadd.s32 $0xE7B8, s16;
	s30 =	sadd.s32 $0x70, s17  }
0x110: {  	[hbm4b:s30+s4] =	stream.linear.scatter [tilespmem:s18], [sflag:$0x5], $0x80, $0x38;
	[tilespmem:$0x19E00] =	vst v63  }
.Ltmp8:
0x111: {  	(pc) =	sbr.rel .LBB2_15-.Ltmp8, $4  }
0x112: {  	_ = 	snop  }
0x113: {  	_ =	swait.ge [sflag:s22], $0x2000  }
0x114: {  	[sflag:s22] =	ssyncset.done $0x0  }
0x115: {  	[sflag:s22] =	ssyncadd.s32 $0xFFFFE000  }
.LBB2_14:
0x116: {  	s6 =	sshll.u32 s1, $0x9  }
0x117: {  	s6 =	sand.u32 $0x3FFFFE00, s6  }
.Ltmp9:
0x118: {  	s6 =	sadd.s32 $0x200, s6;
	(pc) =	sbr.rel @p0 .LBB2_16-.Ltmp9, $4  }
0x119: {  	[tilespmem:s14], [sflag:$0x1] =	stream.indirect.gather [hbm4b:s5+s12], $0x40, s6, s12, $0xb8;
	[tilespmem:$0x19E00] =	vst v63  }
0x11a: {  	_ =	swait.ge [sflag:s22], $0x2000  }
0x11b: {  	[sflag:s22] =	ssyncset.done $0x0  }
0x11c: {  	[sflag:s22] =	ssyncadd.s32 $0xFFFFE000  }
.LBB2_15:
0x11d: {  	_ =	swait.ge [sflag:s23], $0x2000  }
0x11e: {  	[sflag:s23] =	ssyncset.done $0x0  }
0x11f: {  	[sflag:s23] =	ssyncadd.s32 $0xFFFFE000  }
.LBB2_16:
0x120: {  	v7 =	vld [tilespmem:s13+$0x16C40];
	s6 =	simm.s32 $0x0;
	s17 =	simm.s32 $0x8480  }
0x121: {  	v4 =	vld [tilespmem:s17+$0xFFFFFF80];
	v5 =	vmov s6  }
0x122: {  	v8 =	vand.u32 $0x7C, v5  }
0x123: {  	v9 =	vadd.s32 v0, v8;
	_ =	sdelay $0x2  }
0x124: {  	v6 =	vld [tilespmem:s13+$0x16C50];
	v10 =	vadd.f32 v4, v7  }
0x125: {  	v5 =	vld [tilespmem:s13+$0x16C60]  }
0x126: {  	s16 =	simm.s32 $0x1;
	v4 =	vld [tilespmem:s13+$0x16C70];
	[tilespmem:v9+s24+$0x0] =	vst.idx.msk $0xffff, v10  }
0x127: {  	v9 =	vmov s16;
	v10 =	vld [tilespmem:s17+$0xFFFFFFC0]  }
0x128: {  	v9 =	vand.u32 $0x7D, v9  }
0x129: {  	v11 =	vadd.s32 v0, v9;
	_ =	sdelay $0x2  }
0x12a: {  	v10 =	vadd.f32 v10, v7;
	_ =	sdelay $0x1  }
0x12b: {  	s18 =	simm.s32 $0x2;
	[tilespmem:v11+s24+$0x0] =	vst.idx.msk $0xffff, v10  }
0x12c: {  	v10 =	vmov s18;
	v11 =	vld [tilespmem:s17+$0x0]  }
0x12d: {  	v10 =	vand.u32 $0x7E, v10  }
0x12e: {  	v12 =	vadd.s32 v0, v10;
	_ =	sdelay $0x2  }
0x12f: {  	v11 =	vadd.f32 v11, v7;
	_ =	sdelay $0x1  }
0x130: {  	s30 =	simm.s32 $0x3;
	[tilespmem:v12+s24+$0x0] =	vst.idx.msk $0xffff, v11  }
0x131: {  	v11 =	vmov s30;
	v13 =	vld [tilespmem:s17+$0x40]  }
0x132: {  	v11 =	vand.u32 $0x7F, v11  }
0x133: {  	v12 =	vadd.s32 v0, v11;
	_ =	sdelay $0x2  }
0x134: {  	s13 =	simm.s32 $0x4;
	s16 =	simm.s32 $0x8490;
	v13 =	vadd.f32 v13, v7  }
.LBB2_17:
0x135: {  	p1 =	slt.u32 s13, $0x7C  }
0x136: {  	[tilespmem:v12+s24+$0x0] =	vst.idx.msk $0xffff, v13;
	s17 =	sadd.s32 $0x100, s17;
	s6 =	smov.u32 s13;
	s13 =	sadd.s32 $0x4, s13  }
0x137: {  	v12 =	vld [tilespmem:s17+$0xFFFFFF80];
	v13 =	vmov s6  }
0x138: {  	v13 =	vand.u32 $0x7C, v13  }
0x139: {  	v13 =	vadd.s32 v0, v13;
	_ =	sdelay $0x2  }
0x13a: {  	v12 =	vadd.f32 v12, v7;
	_ =	sdelay $0x1  }
0x13b: {  	s9 =	sadd.s32 $0x1, s6;
	[tilespmem:v13+s24+$0x0] =	vst.idx.msk $0xffff, v12  }
0x13c: {  	v13 =	vmov s9;
	v12 =	vld [tilespmem:s17+$0xFFFFFFC0]  }
0x13d: {  	v13 =	vand.u32 $0x7D, v13  }
0x13e: {  	v13 =	vadd.s32 v0, v13;
	_ =	sdelay $0x2  }
0x13f: {  	v12 =	vadd.f32 v12, v7;
	_ =	sdelay $0x1  }
0x140: {  	s9 =	sadd.s32 $0x2, s6;
	[tilespmem:v13+s24+$0x0] =	vst.idx.msk $0xffff, v12  }
0x141: {  	v13 =	vmov s9;
	v12 =	vld [tilespmem:s17+$0x0]  }
0x142: {  	v13 =	vand.u32 $0x7E, v13  }
0x143: {  	v13 =	vadd.s32 v0, v13;
	_ =	sdelay $0x2  }
0x144: {  	v12 =	vadd.f32 v12, v7;
	_ =	sdelay $0x1  }
0x145: {  	s6 =	sadd.s32 $0x3, s6;
	[tilespmem:v13+s24+$0x0] =	vst.idx.msk $0xffff, v12  }
0x146: {  	v12 =	vmov s6;
	v13 =	vld [tilespmem:s17+$0x40]  }
0x147: {  	v12 =	vand.u32 $0x7F, v12  }
.Ltmp10:
0x148: {  	v12 =	vadd.s32 v0, v12;
	(pc) =	sbr.rel @p1 .LBB2_17-.Ltmp10, $2  }
0x149: {  	_ =	sdelay $0x1  }
0x14a: {  	v13 =	vadd.f32 v13, v7;
	_ =	sdelay $0x1  }
0x14b: {  	_ =	sdelay $0x3  }
0x14c: {  	[tilespmem:v12+s24+$0x0] =	vst.idx.msk $0xffff, v13  }
0x14d: {  	v7 =	vld [tilespmem:s16+$0xFFFFFF80];
	_ =	sdelay $0x1  }
0x14e: {  	v8 =	vadd.s32 v1, v8;
	_ =	sdelay $0x2  }
0x14f: {  	v7 =	vadd.f32 v7, v6;
	_ =	sdelay $0x1  }
0x150: {  	[tilespmem:v8+s24+$0x0] =	vst.idx.msk $0xffff, v7  }
0x151: {  	v7 =	vld [tilespmem:s16+$0xFFFFFFC0];
	_ =	sdelay $0x1  }
0x152: {  	v8 =	vadd.s32 v1, v9;
	_ =	sdelay $0x2  }
0x153: {  	v7 =	vadd.f32 v7, v6;
	_ =	sdelay $0x1  }
0x154: {  	[tilespmem:v8+s24+$0x0] =	vst.idx.msk $0xffff, v7  }
0x155: {  	v7 =	vld [tilespmem:s16+$0x0];
	_ =	sdelay $0x1  }
0x156: {  	v8 =	vadd.s32 v1, v10;
	_ =	sdelay $0x2  }
0x157: {  	v7 =	vadd.f32 v7, v6;
	_ =	sdelay $0x1  }
0x158: {  	[tilespmem:v8+s24+$0x0] =	vst.idx.msk $0xffff, v7  }
0x159: {  	v8 =	vld [tilespmem:s16+$0x40];
	_ =	sdelay $0x1  }
0x15a: {  	v7 =	vadd.s32 v1, v11;
	_ =	sdelay $0x2  }
0x15b: {  	s17 =	simm.s32 $0x4;
	s13 =	simm.s32 $0x84A0;
	v8 =	vadd.f32 v8, v6  }
.LBB2_19:
0x15c: {  	p1 =	slt.u32 s17, $0x7C  }
0x15d: {  	[tilespmem:v7+s24+$0x0] =	vst.idx.msk $0xffff, v8;
	s16 =	sadd.s32 $0x100, s16;
	s6 =	smov.u32 s17;
	s17 =	sadd.s32 $0x4, s17  }
0x15e: {  	v7 =	vld [tilespmem:s16+$0xFFFFFF80];
	v8 =	vmov s6  }
0x15f: {  	v8 =	vand.u32 $0x7C, v8  }
0x160: {  	v8 =	vadd.s32 v1, v8;
	_ =	sdelay $0x2  }
0x161: {  	v7 =	vadd.f32 v7, v6;
	_ =	sdelay $0x1  }
0x162: {  	s9 =	sadd.s32 $0x1, s6;
	[tilespmem:v8+s24+$0x0] =	vst.idx.msk $0xffff, v7  }
0x163: {  	v8 =	vmov s9;
	v7 =	vld [tilespmem:s16+$0xFFFFFFC0]  }
0x164: {  	v8 =	vand.u32 $0x7D, v8  }
0x165: {  	v8 =	vadd.s32 v1, v8;
	_ =	sdelay $0x2  }
0x166: {  	v7 =	vadd.f32 v7, v6;
	_ =	sdelay $0x1  }
0x167: {  	s9 =	sadd.s32 $0x2, s6;
	[tilespmem:v8+s24+$0x0] =	vst.idx.msk $0xffff, v7  }
0x168: {  	v8 =	vmov s9;
	v7 =	vld [tilespmem:s16+$0x0]  }
0x169: {  	v8 =	vand.u32 $0x7E, v8  }
0x16a: {  	v8 =	vadd.s32 v1, v8;
	_ =	sdelay $0x2  }
0x16b: {  	v7 =	vadd.f32 v7, v6;
	_ =	sdelay $0x1  }
0x16c: {  	s6 =	sadd.s32 $0x3, s6;
	[tilespmem:v8+s24+$0x0] =	vst.idx.msk $0xffff, v7  }
0x16d: {  	v7 =	vmov s6;
	v8 =	vld [tilespmem:s16+$0x40]  }
0x16e: {  	v7 =	vand.u32 $0x7F, v7  }
.Ltmp11:
0x16f: {  	v7 =	vadd.s32 v1, v7;
	(pc) =	sbr.rel @p1 .LBB2_19-.Ltmp11, $3  }
0x170: {  	_ =	sdelay $0x1  }
0x171: {  	v8 =	vadd.f32 v8, v6  }
0x172: {  	s6 =	simm.s32 $0x0  }
0x173: {  	_ =	sdelay $0x3  }
0x174: {  	[tilespmem:v7+s24+$0x0] =	vst.idx.msk $0xffff, v8  }
0x175: {  	v6 =	vmov s6;
	v7 =	vld [tilespmem:s13+$0xFFFFFF80]  }
0x176: {  	v6 =	vand.u32 $0x7C, v6  }
0x177: {  	v8 =	vadd.s32 v2, v6;
	_ =	sdelay $0x2  }
0x178: {  	v7 =	vadd.f32 v7, v5;
	_ =	sdelay $0x1  }
0x179: {  	s17 =	simm.s32 $0x1;
	[tilespmem:v8+s24+$0x0] =	vst.idx.msk $0xffff, v7  }
0x17a: {  	v7 =	vmov s17;
	v8 =	vld [tilespmem:s13+$0xFFFFFFC0]  }
0x17b: {  	v7 =	vand.u32 $0x7D, v7  }
0x17c: {  	v9 =	vadd.s32 v2, v7;
	_ =	sdelay $0x2  }
0x17d: {  	v8 =	vadd.f32 v8, v5;
	_ =	sdelay $0x1  }
0x17e: {  	s18 =	simm.s32 $0x2;
	[tilespmem:v9+s24+$0x0] =	vst.idx.msk $0xffff, v8  }
0x17f: {  	v8 =	vmov s18;
	v9 =	vld [tilespmem:s13+$0x0]  }
0x180: {  	v8 =	vand.u32 $0x7E, v8  }
0x181: {  	v10 =	vadd.s32 v2, v8;
	_ =	sdelay $0x2  }
0x182: {  	v9 =	vadd.f32 v9, v5;
	_ =	sdelay $0x1  }
0x183: {  	s30 =	simm.s32 $0x3;
	[tilespmem:v10+s24+$0x0] =	vst.idx.msk $0xffff, v9  }
0x184: {  	v9 =	vmov s30;
	v11 =	vld [tilespmem:s13+$0x40]  }
0x185: {  	v9 =	vand.u32 $0x7F, v9  }
0x186: {  	v10 =	vadd.s32 v2, v9;
	_ =	sdelay $0x2  }
0x187: {  	s16 =	simm.s32 $0x84B0;
	s17 =	simm.s32 $0x4;
	v11 =	vadd.f32 v11, v5  }
.LBB2_21:
0x188: {  	p1 =	slt.u32 s17, $0x7C  }
0x189: {  	[tilespmem:v10+s24+$0x0] =	vst.idx.msk $0xffff, v11;
	s13 =	sadd.s32 $0x100, s13;
	s6 =	smov.u32 s17;
	s17 =	sadd.s32 $0x4, s17  }
0x18a: {  	v10 =	vld [tilespmem:s13+$0xFFFFFF80];
	v11 =	vmov s6  }
0x18b: {  	v11 =	vand.u32 $0x7C, v11  }
0x18c: {  	v11 =	vadd.s32 v2, v11;
	_ =	sdelay $0x2  }
0x18d: {  	v10 =	vadd.f32 v10, v5;
	_ =	sdelay $0x1  }
0x18e: {  	s9 =	sadd.s32 $0x1, s6;
	[tilespmem:v11+s24+$0x0] =	vst.idx.msk $0xffff, v10  }
0x18f: {  	v11 =	vmov s9;
	v10 =	vld [tilespmem:s13+$0xFFFFFFC0]  }
0x190: {  	v11 =	vand.u32 $0x7D, v11  }
0x191: {  	v11 =	vadd.s32 v2, v11;
	_ =	sdelay $0x2  }
0x192: {  	v10 =	vadd.f32 v10, v5;
	_ =	sdelay $0x1  }
0x193: {  	s9 =	sadd.s32 $0x2, s6;
	[tilespmem:v11+s24+$0x0] =	vst.idx.msk $0xffff, v10  }
0x194: {  	v11 =	vmov s9;
	v10 =	vld [tilespmem:s13+$0x0]  }
0x195: {  	v11 =	vand.u32 $0x7E, v11  }
0x196: {  	v11 =	vadd.s32 v2, v11;
	_ =	sdelay $0x2  }
0x197: {  	v10 =	vadd.f32 v10, v5;
	_ =	sdelay $0x1  }
0x198: {  	s6 =	sadd.s32 $0x3, s6;
	[tilespmem:v11+s24+$0x0] =	vst.idx.msk $0xffff, v10  }
0x199: {  	v10 =	vmov s6;
	v11 =	vld [tilespmem:s13+$0x40]  }
0x19a: {  	v10 =	vand.u32 $0x7F, v10  }
.Ltmp12:
0x19b: {  	v10 =	vadd.s32 v2, v10;
	(pc) =	sbr.rel @p1 .LBB2_21-.Ltmp12, $2  }
0x19c: {  	_ =	sdelay $0x1  }
0x19d: {  	v11 =	vadd.f32 v11, v5;
	_ =	sdelay $0x1  }
0x19e: {  	_ =	sdelay $0x3  }
0x19f: {  	[tilespmem:v10+s24+$0x0] =	vst.idx.msk $0xffff, v11  }
0x1a0: {  	v5 =	vld [tilespmem:s16+$0xFFFFFF80];
	_ =	sdelay $0x1  }
0x1a1: {  	v6 =	vadd.s32 v3, v6;
	_ =	sdelay $0x2  }
0x1a2: {  	v5 =	vadd.f32 v5, v4;
	_ =	sdelay $0x1  }
0x1a3: {  	[tilespmem:v6+s24+$0x0] =	vst.idx.msk $0xffff, v5  }
0x1a4: {  	v5 =	vld [tilespmem:s16+$0xFFFFFFC0];
	_ =	sdelay $0x1  }
0x1a5: {  	v6 =	vadd.s32 v3, v7;
	_ =	sdelay $0x2  }
0x1a6: {  	v5 =	vadd.f32 v5, v4;
	_ =	sdelay $0x1  }
0x1a7: {  	[tilespmem:v6+s24+$0x0] =	vst.idx.msk $0xffff, v5  }
0x1a8: {  	v5 =	vld [tilespmem:s16+$0x0];
	_ =	sdelay $0x1  }
0x1a9: {  	v6 =	vadd.s32 v3, v8;
	_ =	sdelay $0x2  }
0x1aa: {  	v5 =	vadd.f32 v5, v4;
	_ =	sdelay $0x1  }
0x1ab: {  	[tilespmem:v6+s24+$0x0] =	vst.idx.msk $0xffff, v5  }
0x1ac: {  	v6 =	vld [tilespmem:s16+$0x40];
	_ =	sdelay $0x1  }
0x1ad: {  	v5 =	vadd.s32 v3, v9;
	_ =	sdelay $0x2  }
0x1ae: {  	s13 =	simm.s32 $0x4;
	v6 =	vadd.f32 v6, v4  }
.LBB2_23:
0x1af: {  	p1 =	slt.u32 s13, $0x7C  }
0x1b0: {  	s16 =	sadd.s32 $0x100, s16;
	s6 =	smov.u32 s13;
	s13 =	sadd.s32 $0x4, s13;
	[tilespmem:v5+s24+$0x0] =	vst.idx.msk $0xffff, v6  }
0x1b1: {  	v6 =	vmov s6;
	v5 =	vld [tilespmem:s16+$0xFFFFFF80]  }
0x1b2: {  	v6 =	vand.u32 $0x7C, v6  }
0x1b3: {  	v6 =	vadd.s32 v3, v6;
	_ =	sdelay $0x2  }
0x1b4: {  	v5 =	vadd.f32 v5, v4;
	_ =	sdelay $0x1  }
0x1b5: {  	s9 =	sadd.s32 $0x1, s6;
	[tilespmem:v6+s24+$0x0] =	vst.idx.msk $0xffff, v5  }
0x1b6: {  	v6 =	vmov s9;
	v5 =	vld [tilespmem:s16+$0xFFFFFFC0]  }
0x1b7: {  	v6 =	vand.u32 $0x7D, v6  }
0x1b8: {  	v6 =	vadd.s32 v3, v6;
	_ =	sdelay $0x2  }
0x1b9: {  	v5 =	vadd.f32 v5, v4;
	_ =	sdelay $0x1  }
0x1ba: {  	s9 =	sadd.s32 $0x2, s6;
	[tilespmem:v6+s24+$0x0] =	vst.idx.msk $0xffff, v5  }
0x1bb: {  	v6 =	vmov s9;
	v5 =	vld [tilespmem:s16+$0x0]  }
0x1bc: {  	v6 =	vand.u32 $0x7E, v6  }
0x1bd: {  	v6 =	vadd.s32 v3, v6;
	_ =	sdelay $0x2  }
0x1be: {  	v5 =	vadd.f32 v5, v4;
	_ =	sdelay $0x1  }
0x1bf: {  	s6 =	sadd.s32 $0x3, s6;
	[tilespmem:v6+s24+$0x0] =	vst.idx.msk $0xffff, v5  }
0x1c0: {  	v5 =	vmov s6;
	v6 =	vld [tilespmem:s16+$0x40]  }
.Ltmp13:
0x1c1: {  	v5 =	vand.u32 $0x7F, v5;
	(pc) =	sbr.rel @p1 .LBB2_23-.Ltmp13, $2  }
0x1c2: {  	v5 =	vadd.s32 v3, v5;
	_ =	sdelay $0x2  }
0x1c3: {  	v6 =	vadd.f32 v6, v4  }
0x1c4: {  	_ =	sdelay $0x3  }
0x1c5: {  	s15 =	sadd.s32 s15, s8;
	s6 =	simm.s32 $0x10600;
	[tilespmem:v5+s24+$0x0] =	vst.idx.msk $0xffff, v6  }
0x1c6: {  	[hbm4b:s15+s4] =	stream.linear.scatter [tilespmem:s6], [sflag:$0x6], $0x80, $0x38;
	[tilespmem:$0x19E00] =	vst v63  }
0x1c7: {  	s13 =	simm.s32 $0x10688;
	s9 =	sadd.s32 $0x10, s15  }
0x1c8: {  	[hbm4b:s9+s4] =	stream.linear.scatter [tilespmem:s13], [sflag:$0x6], $0x80, $0x38;
	[tilespmem:$0x19E00] =	vst v63  }
0x1c9: {  	s16 =	simm.s32 $0x10710;
	s18 =	simm.s32 $0x10798;
	s17 =	sadd.s32 $0x20, s15  }
0x1ca: {  	[hbm4b:s17+s4] =	stream.linear.scatter [tilespmem:s16], [sflag:$0x6], $0x80, $0x38;
	[tilespmem:$0x19E00] =	vst v63  }
0x1cb: {  	s30 =	sadd.s32 $0x30, s15;
	s6 =	simm.s32 $0x109B8;
	s9 =	simm.s32 $0x10820  }
0x1cc: {  	[hbm4b:s30+s4] =	stream.linear.scatter [tilespmem:s18], [sflag:$0x6], $0x80, $0x38;
	[tilespmem:$0x19E00] =	vst v63  }
0x1cd: {  	s13 =	sadd.s32 $0x40, s15;
	s16 =	simm.s32 $0x108A8;
	s17 =	sadd.s32 $0x50, s15  }
0x1ce: {  	[hbm4b:s13+s4] =	stream.linear.scatter [tilespmem:s9], [sflag:$0x6], $0x80, $0x38;
	[tilespmem:$0x19E00] =	vst v63  }
0x1cf: {  	s18 =	simm.s32 $0x10930;
	s30 =	sadd.s32 $0x60, s15;
	s13 =	simm.s32 $0x440  }
0x1d0: {  	[hbm4b:s17+s4] =	stream.linear.scatter [tilespmem:s16], [sflag:$0x6], $0x80, $0x38;
	[tilespmem:$0x19E00] =	vst v63  }
0x1d1: {  	s9 =	sadd.s32 $0x70, s15;
	s15 =	sadd.s32 $0x1000, s15;
	s16 =	simm.s32 $0x2200  }
0x1d2: {  	[hbm4b:s30+s4] =	stream.linear.scatter [tilespmem:s18], [sflag:$0x6], $0x80, $0x38;
	[tilespmem:$0x19E00] =	vst v63  }
.LBB2_25:
0x1d3: {  	[hbm4b:s9+s4] =	stream.linear.scatter [tilespmem:s6], [sflag:$0x6], $0x80, $0x38;
	[tilespmem:$0x19E00] =	vst v63  }
0x1d4: {  	s6 =	smov.u32 s13;
	s9 =	smov.u32 s16  }
0x1d5: {  	s17 =	sadd.s32 $0x1100, s16;
	s13 =	sshra.s32 s9, $0x2;
	s9 =	sadd.s32 $0x10600, s6  }
0x1d6: {  	[hbm4b:s15+s4] =	stream.linear.scatter [tilespmem:s9], [sflag:$0x6], $0x80, $0x38;
	[tilespmem:$0x19E00] =	vst v63  }
0x1d7: {  	p1 =	sne.s32 s16, $0x7700;
	s16 =	sadd.s32 $0x10, s15;
	s9 =	sadd.s32 $0x10688, s6  }
0x1d8: {  	[hbm4b:s16+s4] =	stream.linear.scatter [tilespmem:s9], [sflag:$0x6], $0x80, $0x38;
	[tilespmem:$0x19E00] =	vst v63  }
0x1d9: {  	s9 =	sadd.s32 $0x10710, s6;
	s16 =	sadd.s32 $0x20, s15  }
0x1da: {  	[hbm4b:s16+s4] =	stream.linear.scatter [tilespmem:s9], [sflag:$0x6], $0x80, $0x38;
	[tilespmem:$0x19E00] =	vst v63  }
0x1db: {  	s9 =	sadd.s32 $0x10798, s6;
	s16 =	sadd.s32 $0x30, s15  }
0x1dc: {  	[hbm4b:s16+s4] =	stream.linear.scatter [tilespmem:s9], [sflag:$0x6], $0x80, $0x38;
	[tilespmem:$0x19E00] =	vst v63  }
0x1dd: {  	s9 =	sadd.s32 $0x10820, s6;
	s16 =	sadd.s32 $0x40, s15  }
0x1de: {  	[hbm4b:s16+s4] =	stream.linear.scatter [tilespmem:s9], [sflag:$0x6], $0x80, $0x38;
	[tilespmem:$0x19E00] =	vst v63  }
.Ltmp14:
0x1df: {  	s9 =	sadd.s32 $0x108A8, s6;
	s16 =	sadd.s32 $0x50, s15;
	(pc) =	sbr.rel @p1 .LBB2_25-.Ltmp14, $4  }
0x1e0: {  	[hbm4b:s16+s4] =	stream.linear.scatter [tilespmem:s9], [sflag:$0x6], $0x80, $0x38;
	[tilespmem:$0x19E00] =	vst v63  }
0x1e1: {  	s9 =	sadd.s32 $0x10930, s6;
	s16 =	sadd.s32 $0x60, s15;
	s6 =	sadd.s32 $0x109B8, s6  }
0x1e2: {  	[hbm4b:s16+s4] =	stream.linear.scatter [tilespmem:s9], [sflag:$0x6], $0x80, $0x38;
	[tilespmem:$0x19E00] =	vst v63  }
0x1e3: {  	s9 =	sadd.s32 $0x70, s15;
	s15 =	sadd.s32 $0x1000, s15;
	s16 =	smov.u32 s17  }
0x1e4: {  	[hbm4b:s9+s4] =	stream.linear.scatter [tilespmem:s6], [sflag:$0x6], $0x80, $0x38;
	[tilespmem:$0x19E00] =	vst v63  }
0x1e5: {  	s9 =	sadd.s32 $0x10600, s13  }
0x1e6: {  	[hbm4b:s15+s4] =	stream.linear.scatter [tilespmem:s9], [sflag:$0x6], $0x80, $0x38;
	[tilespmem:$0x19E00] =	vst v63  }
0x1e7: {  	s16 =	sadd.s32 $0x10688, s13;
	s17 =	sadd.s32 $0x10, s15  }
0x1e8: {  	[hbm4b:s17+s4] =	stream.linear.scatter [tilespmem:s16], [sflag:$0x6], $0x80, $0x38;
	[tilespmem:$0x19E00] =	vst v63  }
0x1e9: {  	s18 =	sadd.s32 $0x10710, s13;
	s30 =	sadd.s32 $0x20, s15  }
0x1ea: {  	[hbm4b:s30+s4] =	stream.linear.scatter [tilespmem:s18], [sflag:$0x6], $0x80, $0x38;
	[tilespmem:$0x19E00] =	vst v63  }
0x1eb: {  	s16 =	sadd.s32 $0x10798, s13;
	s17 =	sadd.s32 $0x30, s15  }
0x1ec: {  	[hbm4b:s17+s4] =	stream.linear.scatter [tilespmem:s16], [sflag:$0x6], $0x80, $0x38;
	[tilespmem:$0x19E00] =	vst v63  }
0x1ed: {  	s18 =	sadd.s32 $0x10820, s13;
	s30 =	sadd.s32 $0x40, s15  }
0x1ee: {  	[hbm4b:s30+s4] =	stream.linear.scatter [tilespmem:s18], [sflag:$0x6], $0x80, $0x38;
	[tilespmem:$0x19E00] =	vst v63  }
0x1ef: {  	s16 =	sadd.s32 $0x108A8, s13;
	s17 =	sadd.s32 $0x50, s15  }
0x1f0: {  	[hbm4b:s17+s4] =	stream.linear.scatter [tilespmem:s16], [sflag:$0x6], $0x80, $0x38;
	[tilespmem:$0x19E00] =	vst v63  }
0x1f1: {  	p1 =	seq.s32 s1, $0x31;
	s18 =	sadd.s32 $0x10930, s13;
	s30 =	sadd.s32 $0x60, s15  }
0x1f2: {  	[hbm4b:s30+s4] =	stream.linear.scatter [tilespmem:s18], [sflag:$0x6], $0x80, $0x38;
	[tilespmem:$0x19E00] =	vst v63  }
0x1f3: {  	s6 =	sshll.u32 @!p1 s1, $0x9;
	s13 =	sadd.s32 $0x109B8, s13;
	s16 =	sadd.s32 $0x70, s15  }
0x1f4: {  	[hbm4b:s16+s4] =	stream.linear.scatter [tilespmem:s13], [sflag:$0x6], $0x80, $0x38;
	[tilespmem:$0x19E00] =	vst v63  }
0x1f5: {  	s13 =	sand.u32 @!p1 $0x3FFFFE00, s6  }
0x1f6: {  	s9 =	simm.s32 @!p1 $0x80;
	s15 =	simm.s32 @!p1 $0x8400;
	s6 =	sadd.s32 @!p1 $0x280, s13  }
0x1f7: {  	[tilespmem:s15], [sflag:$0x2] =	stream.indirect.gather @!p1 [hbm4b:s5+s9], $0x40, s6, s9, $0xb8;
	[tilespmem:$0x19E00] =	vst v63  }
0x1f8: {  	_ =	swait.ge [sflag:s25], $0x2000  }
0x1f9: {  	[sflag:s25] =	ssyncset.done $0x0  }
0x1fa: {  	s6 =	simm.s32 @!p0 $0x7;
	[sflag:s25] =	ssyncadd.s32 $0xFFFFE000  }
0x1fb: {  	s15 =	sor.u32 $0x2, s10;
	_ =	swait.ge @!p0 [sflag:s6], $0x2000  }
0x1fc: {  	s17 =	sshll.u32 s15, $0x6;
	[sflag:s6] =	ssyncset.done @!p0 $0x0  }
0x1fd: {  	s18 =	sand.u32 $0x3FFFFFC0, s17;
	[sflag:s6] =	ssyncadd.s32 @!p0 $0xFFFFE000  }
0x1fe: {  	s30 =	simm.s32 $0x0;
	s16 =	simm.s32 $0xA480;
	v7 =	vld [tilespmem:s18+$0x16C00]  }
0x1ff: {  	v5 =	vmov s30;
	v4 =	vld [tilespmem:s16+$0xFFFFFF80]  }
0x200: {  	v8 =	vand.u32 $0x7C, v5  }
0x201: {  	v9 =	vadd.s32 v0, v8;
	_ =	sdelay $0x2  }
0x202: {  	v6 =	vld [tilespmem:s18+$0x16C10];
	v10 =	vadd.f32 v4, v7  }
0x203: {  	v5 =	vld [tilespmem:s18+$0x16C20]  }
0x204: {  	s17 =	simm.s32 $0x1;
	v4 =	vld [tilespmem:s18+$0x16C30];
	[tilespmem:v9+s26+$0x0] =	vst.idx.msk $0xffff, v10  }
0x205: {  	v9 =	vmov s17;
	v10 =	vld [tilespmem:s16+$0xFFFFFFC0]  }
0x206: {  	v9 =	vand.u32 $0x7D, v9  }
0x207: {  	v11 =	vadd.s32 v0, v9;
	_ =	sdelay $0x2  }
0x208: {  	v10 =	vadd.f32 v10, v7;
	_ =	sdelay $0x1  }
0x209: {  	s18 =	simm.s32 $0x2;
	[tilespmem:v11+s26+$0x0] =	vst.idx.msk $0xffff, v10  }
0x20a: {  	v10 =	vmov s18;
	v11 =	vld [tilespmem:s16+$0x0]  }
0x20b: {  	v10 =	vand.u32 $0x7E, v10  }
0x20c: {  	v12 =	vadd.s32 v0, v10;
	_ =	sdelay $0x2  }
0x20d: {  	v11 =	vadd.f32 v11, v7;
	_ =	sdelay $0x1  }
0x20e: {  	s30 =	simm.s32 $0x3;
	[tilespmem:v12+s26+$0x0] =	vst.idx.msk $0xffff, v11  }
0x20f: {  	v11 =	vmov s30;
	v13 =	vld [tilespmem:s16+$0x40]  }
0x210: {  	v11 =	vand.u32 $0x7F, v11  }
0x211: {  	v12 =	vadd.s32 v0, v11;
	_ =	sdelay $0x2  }
0x212: {  	s17 =	simm.s32 $0xA490;
	s18 =	simm.s32 $0x4;
	v13 =	vadd.f32 v13, v7  }
.LBB2_27:
0x213: {  	p2 =	slt.u32 s18, $0x7C  }
0x214: {  	[tilespmem:v12+s26+$0x0] =	vst.idx.msk $0xffff, v13;
	s16 =	sadd.s32 $0x100, s16;
	s6 =	smov.u32 s18;
	s18 =	sadd.s32 $0x4, s18  }
0x215: {  	v12 =	vld [tilespmem:s16+$0xFFFFFF80];
	v13 =	vmov s6  }
0x216: {  	v13 =	vand.u32 $0x7C, v13  }
0x217: {  	v13 =	vadd.s32 v0, v13;
	_ =	sdelay $0x2  }
0x218: {  	v12 =	vadd.f32 v12, v7;
	_ =	sdelay $0x1  }
0x219: {  	s9 =	sadd.s32 $0x1, s6;
	[tilespmem:v13+s26+$0x0] =	vst.idx.msk $0xffff, v12  }
0x21a: {  	v13 =	vmov s9;
	v12 =	vld [tilespmem:s16+$0xFFFFFFC0]  }
0x21b: {  	v13 =	vand.u32 $0x7D, v13  }
0x21c: {  	v13 =	vadd.s32 v0, v13;
	_ =	sdelay $0x2  }
0x21d: {  	v12 =	vadd.f32 v12, v7;
	_ =	sdelay $0x1  }
0x21e: {  	s9 =	sadd.s32 $0x2, s6;
	[tilespmem:v13+s26+$0x0] =	vst.idx.msk $0xffff, v12  }
0x21f: {  	v13 =	vmov s9;
	v12 =	vld [tilespmem:s16+$0x0]  }
0x220: {  	v13 =	vand.u32 $0x7E, v13  }
0x221: {  	v13 =	vadd.s32 v0, v13;
	_ =	sdelay $0x2  }
0x222: {  	v12 =	vadd.f32 v12, v7;
	_ =	sdelay $0x1  }
0x223: {  	s6 =	sadd.s32 $0x3, s6;
	[tilespmem:v13+s26+$0x0] =	vst.idx.msk $0xffff, v12  }
0x224: {  	v12 =	vmov s6;
	v13 =	vld [tilespmem:s16+$0x40]  }
0x225: {  	v12 =	vand.u32 $0x7F, v12  }
.Ltmp15:
0x226: {  	v12 =	vadd.s32 v0, v12;
	(pc) =	sbr.rel @p2 .LBB2_27-.Ltmp15, $2  }
0x227: {  	_ =	sdelay $0x1  }
0x228: {  	v13 =	vadd.f32 v13, v7;
	_ =	sdelay $0x1  }
0x229: {  	_ =	sdelay $0x3  }
0x22a: {  	[tilespmem:v12+s26+$0x0] =	vst.idx.msk $0xffff, v13  }
0x22b: {  	v7 =	vld [tilespmem:s17+$0xFFFFFF80];
	_ =	sdelay $0x1  }
0x22c: {  	v8 =	vadd.s32 v1, v8;
	_ =	sdelay $0x2  }
0x22d: {  	v7 =	vadd.f32 v7, v6;
	_ =	sdelay $0x1  }
0x22e: {  	[tilespmem:v8+s26+$0x0] =	vst.idx.msk $0xffff, v7  }
0x22f: {  	v7 =	vld [tilespmem:s17+$0xFFFFFFC0];
	_ =	sdelay $0x1  }
0x230: {  	v8 =	vadd.s32 v1, v9;
	_ =	sdelay $0x2  }
0x231: {  	v7 =	vadd.f32 v7, v6;
	_ =	sdelay $0x1  }
0x232: {  	[tilespmem:v8+s26+$0x0] =	vst.idx.msk $0xffff, v7  }
0x233: {  	v7 =	vld [tilespmem:s17+$0x0];
	_ =	sdelay $0x1  }
0x234: {  	v8 =	vadd.s32 v1, v10;
	_ =	sdelay $0x2  }
0x235: {  	v7 =	vadd.f32 v7, v6;
	_ =	sdelay $0x1  }
0x236: {  	[tilespmem:v8+s26+$0x0] =	vst.idx.msk $0xffff, v7  }
0x237: {  	v8 =	vld [tilespmem:s17+$0x40];
	_ =	sdelay $0x1  }
0x238: {  	v7 =	vadd.s32 v1, v11;
	_ =	sdelay $0x2  }
0x239: {  	s18 =	simm.s32 $0x4;
	s16 =	simm.s32 $0xA4A0;
	v8 =	vadd.f32 v8, v6  }
.LBB2_29:
0x23a: {  	p2 =	slt.u32 s18, $0x7C  }
0x23b: {  	[tilespmem:v7+s26+$0x0] =	vst.idx.msk $0xffff, v8;
	s17 =	sadd.s32 $0x100, s17;
	s6 =	smov.u32 s18;
	s18 =	sadd.s32 $0x4, s18  }
0x23c: {  	v7 =	vld [tilespmem:s17+$0xFFFFFF80];
	v8 =	vmov s6  }
0x23d: {  	v8 =	vand.u32 $0x7C, v8  }
0x23e: {  	v8 =	vadd.s32 v1, v8;
	_ =	sdelay $0x2  }
0x23f: {  	v7 =	vadd.f32 v7, v6;
	_ =	sdelay $0x1  }
0x240: {  	s9 =	sadd.s32 $0x1, s6;
	[tilespmem:v8+s26+$0x0] =	vst.idx.msk $0xffff, v7  }
0x241: {  	v8 =	vmov s9;
	v7 =	vld [tilespmem:s17+$0xFFFFFFC0]  }
0x242: {  	v8 =	vand.u32 $0x7D, v8  }
0x243: {  	v8 =	vadd.s32 v1, v8;
	_ =	sdelay $0x2  }
0x244: {  	v7 =	vadd.f32 v7, v6;
	_ =	sdelay $0x1  }
0x245: {  	s9 =	sadd.s32 $0x2, s6;
	[tilespmem:v8+s26+$0x0] =	vst.idx.msk $0xffff, v7  }
0x246: {  	v8 =	vmov s9;
	v7 =	vld [tilespmem:s17+$0x0]  }
0x247: {  	v8 =	vand.u32 $0x7E, v8  }
0x248: {  	v8 =	vadd.s32 v1, v8;
	_ =	sdelay $0x2  }
0x249: {  	v7 =	vadd.f32 v7, v6;
	_ =	sdelay $0x1  }
0x24a: {  	s6 =	sadd.s32 $0x3, s6;
	[tilespmem:v8+s26+$0x0] =	vst.idx.msk $0xffff, v7  }
0x24b: {  	v7 =	vmov s6;
	v8 =	vld [tilespmem:s17+$0x40]  }
0x24c: {  	v7 =	vand.u32 $0x7F, v7  }
.Ltmp16:
0x24d: {  	v7 =	vadd.s32 v1, v7;
	(pc) =	sbr.rel @p2 .LBB2_29-.Ltmp16, $3  }
0x24e: {  	_ =	sdelay $0x1  }
0x24f: {  	v8 =	vadd.f32 v8, v6  }
0x250: {  	s6 =	simm.s32 $0x0  }
0x251: {  	_ =	sdelay $0x3  }
0x252: {  	[tilespmem:v7+s26+$0x0] =	vst.idx.msk $0xffff, v8  }
0x253: {  	v6 =	vmov s6;
	v7 =	vld [tilespmem:s16+$0xFFFFFF80]  }
0x254: {  	v6 =	vand.u32 $0x7C, v6  }
0x255: {  	v8 =	vadd.s32 v2, v6;
	_ =	sdelay $0x2  }
0x256: {  	v7 =	vadd.f32 v7, v5;
	_ =	sdelay $0x1  }
0x257: {  	s17 =	simm.s32 $0x1;
	[tilespmem:v8+s26+$0x0] =	vst.idx.msk $0xffff, v7  }
0x258: {  	v7 =	vmov s17;
	v8 =	vld [tilespmem:s16+$0xFFFFFFC0]  }
0x259: {  	v7 =	vand.u32 $0x7D, v7  }
0x25a: {  	v9 =	vadd.s32 v2, v7;
	_ =	sdelay $0x2  }
0x25b: {  	v8 =	vadd.f32 v8, v5;
	_ =	sdelay $0x1  }
0x25c: {  	s18 =	simm.s32 $0x2;
	[tilespmem:v9+s26+$0x0] =	vst.idx.msk $0xffff, v8  }
0x25d: {  	v8 =	vmov s18;
	v9 =	vld [tilespmem:s16+$0x0]  }
0x25e: {  	v8 =	vand.u32 $0x7E, v8  }
0x25f: {  	v10 =	vadd.s32 v2, v8;
	_ =	sdelay $0x2  }
0x260: {  	v9 =	vadd.f32 v9, v5;
	_ =	sdelay $0x1  }
0x261: {  	s30 =	simm.s32 $0x3;
	[tilespmem:v10+s26+$0x0] =	vst.idx.msk $0xffff, v9  }
0x262: {  	v9 =	vmov s30;
	v11 =	vld [tilespmem:s16+$0x40]  }
0x263: {  	v9 =	vand.u32 $0x7F, v9  }
0x264: {  	v10 =	vadd.s32 v2, v9;
	_ =	sdelay $0x2  }
0x265: {  	s17 =	simm.s32 $0xA4B0;
	s18 =	simm.s32 $0x4;
	v11 =	vadd.f32 v11, v5  }
.LBB2_31:
0x266: {  	p2 =	slt.u32 s18, $0x7C  }
0x267: {  	[tilespmem:v10+s26+$0x0] =	vst.idx.msk $0xffff, v11;
	s16 =	sadd.s32 $0x100, s16;
	s6 =	smov.u32 s18;
	s18 =	sadd.s32 $0x4, s18  }
0x268: {  	v10 =	vld [tilespmem:s16+$0xFFFFFF80];
	v11 =	vmov s6  }
0x269: {  	v11 =	vand.u32 $0x7C, v11  }
0x26a: {  	v11 =	vadd.s32 v2, v11;
	_ =	sdelay $0x2  }
0x26b: {  	v10 =	vadd.f32 v10, v5;
	_ =	sdelay $0x1  }
0x26c: {  	s9 =	sadd.s32 $0x1, s6;
	[tilespmem:v11+s26+$0x0] =	vst.idx.msk $0xffff, v10  }
0x26d: {  	v11 =	vmov s9;
	v10 =	vld [tilespmem:s16+$0xFFFFFFC0]  }
0x26e: {  	v11 =	vand.u32 $0x7D, v11  }
0x26f: {  	v11 =	vadd.s32 v2, v11;
	_ =	sdelay $0x2  }
0x270: {  	v10 =	vadd.f32 v10, v5;
	_ =	sdelay $0x1  }
0x271: {  	s9 =	sadd.s32 $0x2, s6;
	[tilespmem:v11+s26+$0x0] =	vst.idx.msk $0xffff, v10  }
0x272: {  	v11 =	vmov s9;
	v10 =	vld [tilespmem:s16+$0x0]  }
0x273: {  	v11 =	vand.u32 $0x7E, v11  }
0x274: {  	v11 =	vadd.s32 v2, v11;
	_ =	sdelay $0x2  }
0x275: {  	v10 =	vadd.f32 v10, v5;
	_ =	sdelay $0x1  }
0x276: {  	s6 =	sadd.s32 $0x3, s6;
	[tilespmem:v11+s26+$0x0] =	vst.idx.msk $0xffff, v10  }
0x277: {  	v10 =	vmov s6;
	v11 =	vld [tilespmem:s16+$0x40]  }
0x278: {  	v10 =	vand.u32 $0x7F, v10  }
.Ltmp17:
0x279: {  	v10 =	vadd.s32 v2, v10;
	(pc) =	sbr.rel @p2 .LBB2_31-.Ltmp17, $2  }
0x27a: {  	_ =	sdelay $0x1  }
0x27b: {  	v11 =	vadd.f32 v11, v5;
	_ =	sdelay $0x1  }
0x27c: {  	_ =	sdelay $0x3  }
0x27d: {  	[tilespmem:v10+s26+$0x0] =	vst.idx.msk $0xffff, v11  }
0x27e: {  	v5 =	vld [tilespmem:s17+$0xFFFFFF80];
	_ =	sdelay $0x1  }
0x27f: {  	v6 =	vadd.s32 v3, v6;
	_ =	sdelay $0x2  }
0x280: {  	v5 =	vadd.f32 v5, v4;
	_ =	sdelay $0x1  }
0x281: {  	[tilespmem:v6+s26+$0x0] =	vst.idx.msk $0xffff, v5  }
0x282: {  	v5 =	vld [tilespmem:s17+$0xFFFFFFC0];
	_ =	sdelay $0x1  }
0x283: {  	v6 =	vadd.s32 v3, v7;
	_ =	sdelay $0x2  }
0x284: {  	v5 =	vadd.f32 v5, v4;
	_ =	sdelay $0x1  }
0x285: {  	[tilespmem:v6+s26+$0x0] =	vst.idx.msk $0xffff, v5  }
0x286: {  	v5 =	vld [tilespmem:s17+$0x0];
	_ =	sdelay $0x1  }
0x287: {  	v6 =	vadd.s32 v3, v8;
	_ =	sdelay $0x2  }
0x288: {  	v5 =	vadd.f32 v5, v4;
	_ =	sdelay $0x1  }
0x289: {  	[tilespmem:v6+s26+$0x0] =	vst.idx.msk $0xffff, v5  }
0x28a: {  	v6 =	vld [tilespmem:s17+$0x40];
	_ =	sdelay $0x1  }
0x28b: {  	v5 =	vadd.s32 v3, v9;
	_ =	sdelay $0x2  }
0x28c: {  	s16 =	simm.s32 $0x4;
	v6 =	vadd.f32 v6, v4  }
.LBB2_33:
0x28d: {  	p2 =	slt.u32 s16, $0x7C  }
0x28e: {  	s17 =	sadd.s32 $0x100, s17;
	s6 =	smov.u32 s16;
	s16 =	sadd.s32 $0x4, s16;
	[tilespmem:v5+s26+$0x0] =	vst.idx.msk $0xffff, v6  }
0x28f: {  	v6 =	vmov s6;
	v5 =	vld [tilespmem:s17+$0xFFFFFF80]  }
0x290: {  	v6 =	vand.u32 $0x7C, v6  }
0x291: {  	v6 =	vadd.s32 v3, v6;
	_ =	sdelay $0x2  }
0x292: {  	v5 =	vadd.f32 v5, v4;
	_ =	sdelay $0x1  }
0x293: {  	s9 =	sadd.s32 $0x1, s6;
	[tilespmem:v6+s26+$0x0] =	vst.idx.msk $0xffff, v5  }
0x294: {  	v6 =	vmov s9;
	v5 =	vld [tilespmem:s17+$0xFFFFFFC0]  }
0x295: {  	v6 =	vand.u32 $0x7D, v6  }
0x296: {  	v6 =	vadd.s32 v3, v6;
	_ =	sdelay $0x2  }
0x297: {  	v5 =	vadd.f32 v5, v4;
	_ =	sdelay $0x1  }
0x298: {  	s9 =	sadd.s32 $0x2, s6;
	[tilespmem:v6+s26+$0x0] =	vst.idx.msk $0xffff, v5  }
0x299: {  	v6 =	vmov s9;
	v5 =	vld [tilespmem:s17+$0x0]  }
0x29a: {  	v6 =	vand.u32 $0x7E, v6  }
0x29b: {  	v6 =	vadd.s32 v3, v6;
	_ =	sdelay $0x2  }
0x29c: {  	v5 =	vadd.f32 v5, v4;
	_ =	sdelay $0x1  }
0x29d: {  	s6 =	sadd.s32 $0x3, s6;
	[tilespmem:v6+s26+$0x0] =	vst.idx.msk $0xffff, v5  }
0x29e: {  	v5 =	vmov s6;
	v6 =	vld [tilespmem:s17+$0x40]  }
.Ltmp18:
0x29f: {  	v5 =	vand.u32 $0x7F, v5;
	(pc) =	sbr.rel @p2 .LBB2_33-.Ltmp18, $2  }
0x2a0: {  	v5 =	vadd.s32 v3, v5;
	_ =	sdelay $0x2  }
0x2a1: {  	v6 =	vadd.f32 v6, v4  }
0x2a2: {  	_ = 	snop  }
0x2a3: {  	s6 =	sshll.u32 s15, $0x12  }
0x2a4: {  	s6 =	sor.u32 s7, s6  }
0x2a5: {  	s6 =	sshrl.u32 s6, $0x3  }
0x2a6: {  	s15 =	simm.s32 $0x12800;
	[tilespmem:v5+s26+$0x0] =	vst.idx.msk $0xffff, v6;
	s16 =	sadd.s32 s3, s6  }
0x2a7: {  	[hbm4b:s16+s4] =	stream.linear.scatter [tilespmem:s15], [sflag:$0x7], $0x80, $0x38;
	[tilespmem:$0x19E00] =	vst v63  }
0x2a8: {  	s17 =	simm.s32 $0x12888;
	s9 =	sadd.s32 $0x10, s16  }
0x2a9: {  	[hbm4b:s9+s4] =	stream.linear.scatter [tilespmem:s17], [sflag:$0x7], $0x80, $0x38;
	[tilespmem:$0x19E00] =	vst v63  }
0x2aa: {  	s18 =	simm.s32 $0x12910;
	s6 =	simm.s32 $0x12BB8;
	s30 =	sadd.s32 $0x20, s16  }
0x2ab: {  	[hbm4b:s30+s4] =	stream.linear.scatter [tilespmem:s18], [sflag:$0x7], $0x80, $0x38;
	[tilespmem:$0x19E00] =	vst v63  }
0x2ac: {  	s15 =	simm.s32 $0x12998;
	s17 =	sadd.s32 $0x30, s16;
	s9 =	sadd.s32 $0x70, s16  }
0x2ad: {  	[hbm4b:s17+s4] =	stream.linear.scatter [tilespmem:s15], [sflag:$0x7], $0x80, $0x38;
	[tilespmem:$0x19E00] =	vst v63  }
0x2ae: {  	s18 =	simm.s32 $0x12A20;
	s30 =	sadd.s32 $0x40, s16;
	s15 =	simm.s32 $0x12AA8  }
0x2af: {  	[hbm4b:s30+s4] =	stream.linear.scatter [tilespmem:s18], [sflag:$0x7], $0x80, $0x38;
	[tilespmem:$0x19E00] =	vst v63  }
0x2b0: {  	s17 =	sadd.s32 $0x50, s16;
	s18 =	simm.s32 $0x12B30;
	s30 =	sadd.s32 $0x60, s16  }
0x2b1: {  	[hbm4b:s17+s4] =	stream.linear.scatter [tilespmem:s15], [sflag:$0x7], $0x80, $0x38;
	[tilespmem:$0x19E00] =	vst v63  }
0x2b2: {  	s16 =	sadd.s32 $0x1000, s16;
	s15 =	simm.s32 $0x440;
	s17 =	simm.s32 $0x2200  }
0x2b3: {  	[hbm4b:s30+s4] =	stream.linear.scatter [tilespmem:s18], [sflag:$0x7], $0x80, $0x38;
	[tilespmem:$0x19E00] =	vst v63  }
.LBB2_35:
0x2b4: {  	[hbm4b:s9+s4] =	stream.linear.scatter [tilespmem:s6], [sflag:$0x7], $0x80, $0x38;
	[tilespmem:$0x19E00] =	vst v63  }
0x2b5: {  	s6 =	smov.u32 s15;
	s9 =	smov.u32 s17  }
0x2b6: {  	s18 =	sadd.s32 $0x1100, s17;
	s15 =	sshra.s32 s9, $0x2;
	s9 =	sadd.s32 $0x12800, s6  }
0x2b7: {  	[hbm4b:s16+s4] =	stream.linear.scatter [tilespmem:s9], [sflag:$0x7], $0x80, $0x38;
	[tilespmem:$0x19E00] =	vst v63  }
0x2b8: {  	p2 =	sne.s32 s17, $0x7700;
	s17 =	sadd.s32 $0x10, s16;
	s9 =	sadd.s32 $0x12888, s6  }
0x2b9: {  	[hbm4b:s17+s4] =	stream.linear.scatter [tilespmem:s9], [sflag:$0x7], $0x80, $0x38;
	[tilespmem:$0x19E00] =	vst v63  }
0x2ba: {  	s9 =	sadd.s32 $0x12910, s6;
	s17 =	sadd.s32 $0x20, s16  }
0x2bb: {  	[hbm4b:s17+s4] =	stream.linear.scatter [tilespmem:s9], [sflag:$0x7], $0x80, $0x38;
	[tilespmem:$0x19E00] =	vst v63  }
0x2bc: {  	s9 =	sadd.s32 $0x12998, s6;
	s17 =	sadd.s32 $0x30, s16  }
0x2bd: {  	[hbm4b:s17+s4] =	stream.linear.scatter [tilespmem:s9], [sflag:$0x7], $0x80, $0x38;
	[tilespmem:$0x19E00] =	vst v63  }
0x2be: {  	s9 =	sadd.s32 $0x12A20, s6;
	s17 =	sadd.s32 $0x40, s16  }
0x2bf: {  	[hbm4b:s17+s4] =	stream.linear.scatter [tilespmem:s9], [sflag:$0x7], $0x80, $0x38;
	[tilespmem:$0x19E00] =	vst v63  }
.Ltmp19:
0x2c0: {  	s9 =	sadd.s32 $0x12AA8, s6;
	s17 =	sadd.s32 $0x50, s16;
	(pc) =	sbr.rel @p2 .LBB2_35-.Ltmp19, $4  }
0x2c1: {  	[hbm4b:s17+s4] =	stream.linear.scatter [tilespmem:s9], [sflag:$0x7], $0x80, $0x38;
	[tilespmem:$0x19E00] =	vst v63  }
0x2c2: {  	s9 =	sadd.s32 $0x12B30, s6;
	s17 =	sadd.s32 $0x60, s16;
	s6 =	sadd.s32 $0x12BB8, s6  }
0x2c3: {  	[hbm4b:s17+s4] =	stream.linear.scatter [tilespmem:s9], [sflag:$0x7], $0x80, $0x38;
	[tilespmem:$0x19E00] =	vst v63  }
0x2c4: {  	s9 =	sadd.s32 $0x70, s16;
	s16 =	sadd.s32 $0x1000, s16;
	s17 =	smov.u32 s18  }
0x2c5: {  	[hbm4b:s9+s4] =	stream.linear.scatter [tilespmem:s6], [sflag:$0x7], $0x80, $0x38;
	[tilespmem:$0x19E00] =	vst v63  }
0x2c6: {  	s17 =	sadd.s32 $0x12800, s15  }
0x2c7: {  	[hbm4b:s16+s4] =	stream.linear.scatter [tilespmem:s17], [sflag:$0x7], $0x80, $0x38;
	[tilespmem:$0x19E00] =	vst v63  }
0x2c8: {  	s18 =	sadd.s32 $0x12888, s15;
	s30 =	sadd.s32 $0x10, s16  }
0x2c9: {  	[hbm4b:s30+s4] =	stream.linear.scatter [tilespmem:s18], [sflag:$0x7], $0x80, $0x38;
	[tilespmem:$0x19E00] =	vst v63  }
0x2ca: {  	s9 =	sadd.s32 $0x12910, s15;
	s17 =	sadd.s32 $0x20, s16  }
0x2cb: {  	[hbm4b:s17+s4] =	stream.linear.scatter [tilespmem:s9], [sflag:$0x7], $0x80, $0x38;
	[tilespmem:$0x19E00] =	vst v63  }
0x2cc: {  	s18 =	sadd.s32 $0x12998, s15;
	s30 =	sadd.s32 $0x30, s16  }
0x2cd: {  	[hbm4b:s30+s4] =	stream.linear.scatter [tilespmem:s18], [sflag:$0x7], $0x80, $0x38;
	[tilespmem:$0x19E00] =	vst v63  }
0x2ce: {  	s9 =	sadd.s32 $0x12A20, s15;
	s17 =	sadd.s32 $0x40, s16  }
0x2cf: {  	[hbm4b:s17+s4] =	stream.linear.scatter [tilespmem:s9], [sflag:$0x7], $0x80, $0x38;
	[tilespmem:$0x19E00] =	vst v63  }
0x2d0: {  	s18 =	sadd.s32 $0x12AA8, s15;
	s30 =	sadd.s32 $0x50, s16  }
0x2d1: {  	[hbm4b:s30+s4] =	stream.linear.scatter [tilespmem:s18], [sflag:$0x7], $0x80, $0x38;
	[tilespmem:$0x19E00] =	vst v63  }
0x2d2: {  	s9 =	sadd.s32 $0x12B30, s15;
	s17 =	sadd.s32 $0x60, s16  }
0x2d3: {  	[hbm4b:s17+s4] =	stream.linear.scatter [tilespmem:s9], [sflag:$0x7], $0x80, $0x38;
	[tilespmem:$0x19E00] =	vst v63  }
0x2d4: {  	s18 =	sadd.s32 $0x12BB8, s15;
	s30 =	sadd.s32 $0x70, s16  }
0x2d5: {  	[hbm4b:s30+s4] =	stream.linear.scatter [tilespmem:s18], [sflag:$0x7], $0x80, $0x38;
	[tilespmem:$0x19E00] =	vst v63  }
0x2d6: {  	s6 =	sadd.s32 @!p1 $0x300, s13;
	s13 =	simm.s32 @!p1 $0xA400;
	s9 =	simm.s32 @!p1 $0x80  }
0x2d7: {  	[tilespmem:s13], [sflag:$0x3] =	stream.indirect.gather @!p1 [hbm4b:s5+s9], $0x40, s6, s9, $0xb8;
	[tilespmem:$0x19E00] =	vst v63  }
0x2d8: {  	_ =	swait.ge [sflag:s28], $0x2000  }
0x2d9: {  	[sflag:s28] =	ssyncset.done $0x0  }
0x2da: {  	s6 =	simm.s32 @!p0 $0x8;
	[sflag:s28] =	ssyncadd.s32 $0xFFFFE000  }
0x2db: {  	s10 =	sor.u32 $0x3, s10;
	_ =	swait.ge @!p0 [sflag:s6], $0x2000  }
0x2dc: {  	s13 =	sshll.u32 s10, $0x6;
	[sflag:s6] =	ssyncset.done @!p0 $0x0  }
0x2dd: {  	s15 =	sand.u32 $0x3F80, s13;
	[sflag:s6] =	ssyncadd.s32 @!p0 $0xFFFFE000  }
0x2de: {  	s16 =	simm.s32 $0x0;
	s13 =	simm.s32 $0xC480;
	v7 =	vld [tilespmem:s15+$0x16C40]  }
0x2df: {  	v5 =	vmov s16;
	v4 =	vld [tilespmem:s13+$0xFFFFFF80]  }
0x2e0: {  	v8 =	vand.u32 $0x7C, v5  }
0x2e1: {  	v9 =	vadd.s32 v0, v8;
	_ =	sdelay $0x2  }
0x2e2: {  	v6 =	vld [tilespmem:s15+$0x16C50];
	v10 =	vadd.f32 v4, v7  }
0x2e3: {  	v5 =	vld [tilespmem:s15+$0x16C60]  }
0x2e4: {  	s17 =	simm.s32 $0x1;
	v4 =	vld [tilespmem:s15+$0x16C70];
	[tilespmem:v9+s29+$0x0] =	vst.idx.msk $0xffff, v10  }
0x2e5: {  	v9 =	vmov s17;
	v10 =	vld [tilespmem:s13+$0xFFFFFFC0]  }
0x2e6: {  	v9 =	vand.u32 $0x7D, v9  }
0x2e7: {  	v11 =	vadd.s32 v0, v9;
	_ =	sdelay $0x2  }
0x2e8: {  	v10 =	vadd.f32 v10, v7;
	_ =	sdelay $0x1  }
0x2e9: {  	s18 =	simm.s32 $0x2;
	[tilespmem:v11+s29+$0x0] =	vst.idx.msk $0xffff, v10  }
0x2ea: {  	v10 =	vmov s18;
	v11 =	vld [tilespmem:s13+$0x0]  }
0x2eb: {  	v10 =	vand.u32 $0x7E, v10  }
0x2ec: {  	v12 =	vadd.s32 v0, v10;
	_ =	sdelay $0x2  }
0x2ed: {  	v11 =	vadd.f32 v11, v7;
	_ =	sdelay $0x1  }
0x2ee: {  	s30 =	simm.s32 $0x3;
	[tilespmem:v12+s29+$0x0] =	vst.idx.msk $0xffff, v11  }
0x2ef: {  	v11 =	vmov s30;
	v13 =	vld [tilespmem:s13+$0x40]  }
0x2f0: {  	v11 =	vand.u32 $0x7F, v11  }
0x2f1: {  	v12 =	vadd.s32 v0, v11;
	_ =	sdelay $0x2  }
0x2f2: {  	s16 =	simm.s32 $0x4;
	s15 =	simm.s32 $0xC490;
	v13 =	vadd.f32 v13, v7  }
.LBB2_37:
0x2f3: {  	p0 =	slt.u32 s16, $0x7C  }
0x2f4: {  	[tilespmem:v12+s29+$0x0] =	vst.idx.msk $0xffff, v13;
	s13 =	sadd.s32 $0x100, s13;
	s6 =	smov.u32 s16;
	s16 =	sadd.s32 $0x4, s16  }
0x2f5: {  	v12 =	vld [tilespmem:s13+$0xFFFFFF80];
	v13 =	vmov s6  }
0x2f6: {  	v13 =	vand.u32 $0x7C, v13  }
0x2f7: {  	v13 =	vadd.s32 v0, v13;
	_ =	sdelay $0x2  }
0x2f8: {  	v12 =	vadd.f32 v12, v7;
	_ =	sdelay $0x1  }
0x2f9: {  	s9 =	sadd.s32 $0x1, s6;
	[tilespmem:v13+s29+$0x0] =	vst.idx.msk $0xffff, v12  }
0x2fa: {  	v13 =	vmov s9;
	v12 =	vld [tilespmem:s13+$0xFFFFFFC0]  }
0x2fb: {  	v13 =	vand.u32 $0x7D, v13  }
0x2fc: {  	v13 =	vadd.s32 v0, v13;
	_ =	sdelay $0x2  }
0x2fd: {  	v12 =	vadd.f32 v12, v7;
	_ =	sdelay $0x1  }
0x2fe: {  	s9 =	sadd.s32 $0x2, s6;
	[tilespmem:v13+s29+$0x0] =	vst.idx.msk $0xffff, v12  }
0x2ff: {  	v13 =	vmov s9;
	v12 =	vld [tilespmem:s13+$0x0]  }
0x300: {  	v13 =	vand.u32 $0x7E, v13  }
0x301: {  	v13 =	vadd.s32 v0, v13;
	_ =	sdelay $0x2  }
0x302: {  	v12 =	vadd.f32 v12, v7;
	_ =	sdelay $0x1  }
0x303: {  	s6 =	sadd.s32 $0x3, s6;
	[tilespmem:v13+s29+$0x0] =	vst.idx.msk $0xffff, v12  }
0x304: {  	v12 =	vmov s6;
	v13 =	vld [tilespmem:s13+$0x40]  }
0x305: {  	v12 =	vand.u32 $0x7F, v12  }
.Ltmp20:
0x306: {  	v12 =	vadd.s32 v0, v12;
	(pc) =	sbr.rel @p0 .LBB2_37-.Ltmp20, $2  }
0x307: {  	_ =	sdelay $0x1  }
0x308: {  	v13 =	vadd.f32 v13, v7;
	_ =	sdelay $0x1  }
0x309: {  	_ =	sdelay $0x3  }
0x30a: {  	[tilespmem:v12+s29+$0x0] =	vst.idx.msk $0xffff, v13  }
0x30b: {  	v7 =	vld [tilespmem:s15+$0xFFFFFF80];
	_ =	sdelay $0x1  }
0x30c: {  	v8 =	vadd.s32 v1, v8;
	_ =	sdelay $0x2  }
0x30d: {  	v7 =	vadd.f32 v7, v6;
	_ =	sdelay $0x1  }
0x30e: {  	[tilespmem:v8+s29+$0x0] =	vst.idx.msk $0xffff, v7  }
0x30f: {  	v7 =	vld [tilespmem:s15+$0xFFFFFFC0];
	_ =	sdelay $0x1  }
0x310: {  	v8 =	vadd.s32 v1, v9;
	_ =	sdelay $0x2  }
0x311: {  	v7 =	vadd.f32 v7, v6;
	_ =	sdelay $0x1  }
0x312: {  	[tilespmem:v8+s29+$0x0] =	vst.idx.msk $0xffff, v7  }
0x313: {  	v7 =	vld [tilespmem:s15+$0x0];
	_ =	sdelay $0x1  }
0x314: {  	v8 =	vadd.s32 v1, v10;
	_ =	sdelay $0x2  }
0x315: {  	v7 =	vadd.f32 v7, v6;
	_ =	sdelay $0x1  }
0x316: {  	[tilespmem:v8+s29+$0x0] =	vst.idx.msk $0xffff, v7  }
0x317: {  	v8 =	vld [tilespmem:s15+$0x40];
	_ =	sdelay $0x1  }
0x318: {  	v7 =	vadd.s32 v1, v11;
	_ =	sdelay $0x2  }
0x319: {  	s16 =	simm.s32 $0x4;
	s13 =	simm.s32 $0xC4A0;
	v8 =	vadd.f32 v8, v6  }
.LBB2_39:
0x31a: {  	p0 =	slt.u32 s16, $0x7C  }
0x31b: {  	[tilespmem:v7+s29+$0x0] =	vst.idx.msk $0xffff, v8;
	s15 =	sadd.s32 $0x100, s15;
	s6 =	smov.u32 s16;
	s16 =	sadd.s32 $0x4, s16  }
0x31c: {  	v7 =	vld [tilespmem:s15+$0xFFFFFF80];
	v8 =	vmov s6  }
0x31d: {  	v8 =	vand.u32 $0x7C, v8  }
0x31e: {  	v8 =	vadd.s32 v1, v8;
	_ =	sdelay $0x2  }
0x31f: {  	v7 =	vadd.f32 v7, v6;
	_ =	sdelay $0x1  }
0x320: {  	s9 =	sadd.s32 $0x1, s6;
	[tilespmem:v8+s29+$0x0] =	vst.idx.msk $0xffff, v7  }
0x321: {  	v8 =	vmov s9;
	v7 =	vld [tilespmem:s15+$0xFFFFFFC0]  }
0x322: {  	v8 =	vand.u32 $0x7D, v8  }
0x323: {  	v8 =	vadd.s32 v1, v8;
	_ =	sdelay $0x2  }
0x324: {  	v7 =	vadd.f32 v7, v6;
	_ =	sdelay $0x1  }
0x325: {  	s9 =	sadd.s32 $0x2, s6;
	[tilespmem:v8+s29+$0x0] =	vst.idx.msk $0xffff, v7  }
0x326: {  	v8 =	vmov s9;
	v7 =	vld [tilespmem:s15+$0x0]  }
0x327: {  	v8 =	vand.u32 $0x7E, v8  }
0x328: {  	v8 =	vadd.s32 v1, v8;
	_ =	sdelay $0x2  }
0x329: {  	v7 =	vadd.f32 v7, v6;
	_ =	sdelay $0x1  }
0x32a: {  	s6 =	sadd.s32 $0x3, s6;
	[tilespmem:v8+s29+$0x0] =	vst.idx.msk $0xffff, v7  }
0x32b: {  	v7 =	vmov s6;
	v8 =	vld [tilespmem:s15+$0x40]  }
0x32c: {  	v7 =	vand.u32 $0x7F, v7  }
.Ltmp21:
0x32d: {  	v7 =	vadd.s32 v1, v7;
	(pc) =	sbr.rel @p0 .LBB2_39-.Ltmp21, $3  }
0x32e: {  	_ =	sdelay $0x1  }
0x32f: {  	v8 =	vadd.f32 v8, v6  }
0x330: {  	s6 =	simm.s32 $0x0  }
0x331: {  	_ =	sdelay $0x3  }
0x332: {  	[tilespmem:v7+s29+$0x0] =	vst.idx.msk $0xffff, v8  }
0x333: {  	v6 =	vmov s6;
	v7 =	vld [tilespmem:s13+$0xFFFFFF80]  }
0x334: {  	v6 =	vand.u32 $0x7C, v6  }
0x335: {  	v8 =	vadd.s32 v2, v6;
	_ =	sdelay $0x2  }
0x336: {  	v7 =	vadd.f32 v7, v5;
	_ =	sdelay $0x1  }
0x337: {  	s17 =	simm.s32 $0x1;
	[tilespmem:v8+s29+$0x0] =	vst.idx.msk $0xffff, v7  }
0x338: {  	v7 =	vmov s17;
	v8 =	vld [tilespmem:s13+$0xFFFFFFC0]  }
0x339: {  	v7 =	vand.u32 $0x7D, v7  }
0x33a: {  	v9 =	vadd.s32 v2, v7;
	_ =	sdelay $0x2  }
0x33b: {  	v8 =	vadd.f32 v8, v5;
	_ =	sdelay $0x1  }
0x33c: {  	s18 =	simm.s32 $0x2;
	[tilespmem:v9+s29+$0x0] =	vst.idx.msk $0xffff, v8  }
0x33d: {  	v8 =	vmov s18;
	v9 =	vld [tilespmem:s13+$0x0]  }
0x33e: {  	v8 =	vand.u32 $0x7E, v8  }
0x33f: {  	v10 =	vadd.s32 v2, v8;
	_ =	sdelay $0x2  }
0x340: {  	v9 =	vadd.f32 v9, v5;
	_ =	sdelay $0x1  }
0x341: {  	s30 =	simm.s32 $0x3;
	[tilespmem:v10+s29+$0x0] =	vst.idx.msk $0xffff, v9  }
0x342: {  	v9 =	vmov s30;
	v11 =	vld [tilespmem:s13+$0x40]  }
0x343: {  	v9 =	vand.u32 $0x7F, v9  }
0x344: {  	v10 =	vadd.s32 v2, v9;
	_ =	sdelay $0x2  }
0x345: {  	s16 =	simm.s32 $0x4;
	s15 =	simm.s32 $0xC4B0;
	v11 =	vadd.f32 v11, v5  }
.LBB2_41:
0x346: {  	p0 =	slt.u32 s16, $0x7C  }
0x347: {  	[tilespmem:v10+s29+$0x0] =	vst.idx.msk $0xffff, v11;
	s13 =	sadd.s32 $0x100, s13;
	s6 =	smov.u32 s16;
	s16 =	sadd.s32 $0x4, s16  }
0x348: {  	v10 =	vld [tilespmem:s13+$0xFFFFFF80];
	v11 =	vmov s6  }
0x349: {  	v11 =	vand.u32 $0x7C, v11  }
0x34a: {  	v11 =	vadd.s32 v2, v11;
	_ =	sdelay $0x2  }
0x34b: {  	v10 =	vadd.f32 v10, v5;
	_ =	sdelay $0x1  }
0x34c: {  	s9 =	sadd.s32 $0x1, s6;
	[tilespmem:v11+s29+$0x0] =	vst.idx.msk $0xffff, v10  }
0x34d: {  	v11 =	vmov s9;
	v10 =	vld [tilespmem:s13+$0xFFFFFFC0]  }
0x34e: {  	v11 =	vand.u32 $0x7D, v11  }
0x34f: {  	v11 =	vadd.s32 v2, v11;
	_ =	sdelay $0x2  }
0x350: {  	v10 =	vadd.f32 v10, v5;
	_ =	sdelay $0x1  }
0x351: {  	s9 =	sadd.s32 $0x2, s6;
	[tilespmem:v11+s29+$0x0] =	vst.idx.msk $0xffff, v10  }
0x352: {  	v11 =	vmov s9;
	v10 =	vld [tilespmem:s13+$0x0]  }
0x353: {  	v11 =	vand.u32 $0x7E, v11  }
0x354: {  	v11 =	vadd.s32 v2, v11;
	_ =	sdelay $0x2  }
0x355: {  	v10 =	vadd.f32 v10, v5;
	_ =	sdelay $0x1  }
0x356: {  	s6 =	sadd.s32 $0x3, s6;
	[tilespmem:v11+s29+$0x0] =	vst.idx.msk $0xffff, v10  }
0x357: {  	v10 =	vmov s6;
	v11 =	vld [tilespmem:s13+$0x40]  }
0x358: {  	v10 =	vand.u32 $0x7F, v10  }
.Ltmp22:
0x359: {  	v10 =	vadd.s32 v2, v10;
	(pc) =	sbr.rel @p0 .LBB2_41-.Ltmp22, $2  }
0x35a: {  	_ =	sdelay $0x1  }
0x35b: {  	v11 =	vadd.f32 v11, v5;
	_ =	sdelay $0x1  }
0x35c: {  	_ =	sdelay $0x3  }
0x35d: {  	[tilespmem:v10+s29+$0x0] =	vst.idx.msk $0xffff, v11  }
0x35e: {  	v5 =	vld [tilespmem:s15+$0xFFFFFF80];
	_ =	sdelay $0x1  }
0x35f: {  	v6 =	vadd.s32 v3, v6;
	_ =	sdelay $0x2  }
0x360: {  	v5 =	vadd.f32 v5, v4;
	_ =	sdelay $0x1  }
0x361: {  	[tilespmem:v6+s29+$0x0] =	vst.idx.msk $0xffff, v5  }
0x362: {  	v5 =	vld [tilespmem:s15+$0xFFFFFFC0];
	_ =	sdelay $0x1  }
0x363: {  	v6 =	vadd.s32 v3, v7;
	_ =	sdelay $0x2  }
0x364: {  	v5 =	vadd.f32 v5, v4;
	_ =	sdelay $0x1  }
0x365: {  	[tilespmem:v6+s29+$0x0] =	vst.idx.msk $0xffff, v5  }
0x366: {  	v5 =	vld [tilespmem:s15+$0x0];
	_ =	sdelay $0x1  }
0x367: {  	v6 =	vadd.s32 v3, v8;
	_ =	sdelay $0x2  }
0x368: {  	v5 =	vadd.f32 v5, v4;
	_ =	sdelay $0x1  }
0x369: {  	[tilespmem:v6+s29+$0x0] =	vst.idx.msk $0xffff, v5  }
0x36a: {  	v6 =	vld [tilespmem:s15+$0x40];
	_ =	sdelay $0x1  }
0x36b: {  	v5 =	vadd.s32 v3, v9;
	_ =	sdelay $0x2  }
0x36c: {  	s13 =	simm.s32 $0x4;
	v6 =	vadd.f32 v6, v4  }
.LBB2_43:
0x36d: {  	p0 =	slt.u32 s13, $0x7C  }
0x36e: {  	s15 =	sadd.s32 $0x100, s15;
	s6 =	smov.u32 s13;
	s13 =	sadd.s32 $0x4, s13;
	[tilespmem:v5+s29+$0x0] =	vst.idx.msk $0xffff, v6  }
0x36f: {  	v6 =	vmov s6;
	v5 =	vld [tilespmem:s15+$0xFFFFFF80]  }
0x370: {  	v6 =	vand.u32 $0x7C, v6  }
0x371: {  	v6 =	vadd.s32 v3, v6;
	_ =	sdelay $0x2  }
0x372: {  	v5 =	vadd.f32 v5, v4;
	_ =	sdelay $0x1  }
0x373: {  	s9 =	sadd.s32 $0x1, s6;
	[tilespmem:v6+s29+$0x0] =	vst.idx.msk $0xffff, v5  }
0x374: {  	v6 =	vmov s9;
	v5 =	vld [tilespmem:s15+$0xFFFFFFC0]  }
0x375: {  	v6 =	vand.u32 $0x7D, v6  }
0x376: {  	v6 =	vadd.s32 v3, v6;
	_ =	sdelay $0x2  }
0x377: {  	v5 =	vadd.f32 v5, v4;
	_ =	sdelay $0x1  }
0x378: {  	s9 =	sadd.s32 $0x2, s6;
	[tilespmem:v6+s29+$0x0] =	vst.idx.msk $0xffff, v5  }
0x379: {  	v6 =	vmov s9;
	v5 =	vld [tilespmem:s15+$0x0]  }
0x37a: {  	v6 =	vand.u32 $0x7E, v6  }
0x37b: {  	v6 =	vadd.s32 v3, v6;
	_ =	sdelay $0x2  }
0x37c: {  	v5 =	vadd.f32 v5, v4;
	_ =	sdelay $0x1  }
0x37d: {  	s6 =	sadd.s32 $0x3, s6;
	[tilespmem:v6+s29+$0x0] =	vst.idx.msk $0xffff, v5  }
0x37e: {  	v5 =	vmov s6;
	v6 =	vld [tilespmem:s15+$0x40]  }
.Ltmp23:
0x37f: {  	v5 =	vand.u32 $0x7F, v5;
	(pc) =	sbr.rel @p0 .LBB2_43-.Ltmp23, $2  }
0x380: {  	v5 =	vadd.s32 v3, v5;
	_ =	sdelay $0x2  }
0x381: {  	v6 =	vadd.f32 v6, v4  }
0x382: {  	_ = 	snop  }
0x383: {  	s6 =	sshll.u32 s10, $0x12  }
0x384: {  	s6 =	sor.u32 s7, s6  }
0x385: {  	s6 =	sshrl.u32 s6, $0x3  }
0x386: {  	s10 =	simm.s32 $0x14A00;
	[tilespmem:v5+s29+$0x0] =	vst.idx.msk $0xffff, v6;
	s13 =	sadd.s32 s3, s6  }
0x387: {  	[hbm4b:s13+s4] =	stream.linear.scatter [tilespmem:s10], [sflag:$0x8], $0x80, $0x38;
	[tilespmem:$0x19E00] =	vst v63  }
0x388: {  	s15 =	simm.s32 $0x14A88;
	s9 =	sadd.s32 $0x10, s13  }
0x389: {  	[hbm4b:s9+s4] =	stream.linear.scatter [tilespmem:s15], [sflag:$0x8], $0x80, $0x38;
	[tilespmem:$0x19E00] =	vst v63  }
0x38a: {  	s16 =	simm.s32 $0x14B10;
	s18 =	simm.s32 $0x14B98;
	s17 =	sadd.s32 $0x20, s13  }
0x38b: {  	[hbm4b:s17+s4] =	stream.linear.scatter [tilespmem:s16], [sflag:$0x8], $0x80, $0x38;
	[tilespmem:$0x19E00] =	vst v63  }
0x38c: {  	s6 =	simm.s32 $0x14DB8;
	s30 =	sadd.s32 $0x30, s13;
	s10 =	simm.s32 $0x14C20  }
0x38d: {  	[hbm4b:s30+s4] =	stream.linear.scatter [tilespmem:s18], [sflag:$0x8], $0x80, $0x38;
	[tilespmem:$0x19E00] =	vst v63  }
0x38e: {  	s15 =	sadd.s32 $0x40, s13;
	s9 =	sadd.s32 $0x70, s13;
	s16 =	simm.s32 $0x14CA8  }
0x38f: {  	[hbm4b:s15+s4] =	stream.linear.scatter [tilespmem:s10], [sflag:$0x8], $0x80, $0x38;
	[tilespmem:$0x19E00] =	vst v63  }
0x390: {  	s17 =	sadd.s32 $0x50, s13;
	s18 =	simm.s32 $0x14D30;
	s30 =	sadd.s32 $0x60, s13  }
0x391: {  	[hbm4b:s17+s4] =	stream.linear.scatter [tilespmem:s16], [sflag:$0x8], $0x80, $0x38;
	[tilespmem:$0x19E00] =	vst v63  }
0x392: {  	s13 =	sadd.s32 $0x1000, s13;
	s10 =	simm.s32 $0x440;
	s15 =	simm.s32 $0x2200  }
0x393: {  	[hbm4b:s30+s4] =	stream.linear.scatter [tilespmem:s18], [sflag:$0x8], $0x80, $0x38;
	[tilespmem:$0x19E00] =	vst v63  }
.LBB2_45:
0x394: {  	[hbm4b:s9+s4] =	stream.linear.scatter [tilespmem:s6], [sflag:$0x8], $0x80, $0x38;
	[tilespmem:$0x19E00] =	vst v63  }
0x395: {  	s6 =	smov.u32 s10;
	s9 =	smov.u32 s15  }
0x396: {  	s16 =	sadd.s32 $0x1100, s15;
	s10 =	sshra.s32 s9, $0x2;
	s9 =	sadd.s32 $0x14A00, s6  }
0x397: {  	[hbm4b:s13+s4] =	stream.linear.scatter [tilespmem:s9], [sflag:$0x8], $0x80, $0x38;
	[tilespmem:$0x19E00] =	vst v63  }
0x398: {  	p0 =	sne.s32 s15, $0x7700;
	s15 =	sadd.s32 $0x10, s13;
	s9 =	sadd.s32 $0x14A88, s6  }
0x399: {  	[hbm4b:s15+s4] =	stream.linear.scatter [tilespmem:s9], [sflag:$0x8], $0x80, $0x38;
	[tilespmem:$0x19E00] =	vst v63  }
0x39a: {  	s9 =	sadd.s32 $0x14B10, s6;
	s15 =	sadd.s32 $0x20, s13  }
0x39b: {  	[hbm4b:s15+s4] =	stream.linear.scatter [tilespmem:s9], [sflag:$0x8], $0x80, $0x38;
	[tilespmem:$0x19E00] =	vst v63  }
0x39c: {  	s9 =	sadd.s32 $0x14B98, s6;
	s15 =	sadd.s32 $0x30, s13  }
0x39d: {  	[hbm4b:s15+s4] =	stream.linear.scatter [tilespmem:s9], [sflag:$0x8], $0x80, $0x38;
	[tilespmem:$0x19E00] =	vst v63  }
0x39e: {  	s9 =	sadd.s32 $0x14C20, s6;
	s15 =	sadd.s32 $0x40, s13  }
0x39f: {  	[hbm4b:s15+s4] =	stream.linear.scatter [tilespmem:s9], [sflag:$0x8], $0x80, $0x38;
	[tilespmem:$0x19E00] =	vst v63  }
.Ltmp24:
0x3a0: {  	s9 =	sadd.s32 $0x14CA8, s6;
	s15 =	sadd.s32 $0x50, s13;
	(pc) =	sbr.rel @p0 .LBB2_45-.Ltmp24, $4  }
0x3a1: {  	[hbm4b:s15+s4] =	stream.linear.scatter [tilespmem:s9], [sflag:$0x8], $0x80, $0x38;
	[tilespmem:$0x19E00] =	vst v63  }
0x3a2: {  	s9 =	sadd.s32 $0x14D30, s6;
	s15 =	sadd.s32 $0x60, s13;
	s6 =	sadd.s32 $0x14DB8, s6  }
0x3a3: {  	[hbm4b:s15+s4] =	stream.linear.scatter [tilespmem:s9], [sflag:$0x8], $0x80, $0x38;
	[tilespmem:$0x19E00] =	vst v63  }
0x3a4: {  	s9 =	sadd.s32 $0x70, s13;
	s13 =	sadd.s32 $0x1000, s13;
	s15 =	smov.u32 s16  }
0x3a5: {  	[hbm4b:s9+s4] =	stream.linear.scatter [tilespmem:s6], [sflag:$0x8], $0x80, $0x38;
	[tilespmem:$0x19E00] =	vst v63  }
0x3a6: {  	s17 =	sadd.s32 $0x14A00, s10  }
0x3a7: {  	[hbm4b:s13+s4] =	stream.linear.scatter [tilespmem:s17], [sflag:$0x8], $0x80, $0x38;
	[tilespmem:$0x19E00] =	vst v63  }
0x3a8: {  	s18 =	sadd.s32 $0x14A88, s10;
	s30 =	sadd.s32 $0x10, s13  }
0x3a9: {  	[hbm4b:s30+s4] =	stream.linear.scatter [tilespmem:s18], [sflag:$0x8], $0x80, $0x38;
	[tilespmem:$0x19E00] =	vst v63  }
0x3aa: {  	s9 =	sadd.s32 $0x14B10, s10;
	s15 =	sadd.s32 $0x20, s13  }
0x3ab: {  	[hbm4b:s15+s4] =	stream.linear.scatter [tilespmem:s9], [sflag:$0x8], $0x80, $0x38;
	[tilespmem:$0x19E00] =	vst v63  }
0x3ac: {  	s16 =	sadd.s32 $0x14B98, s10;
	s17 =	sadd.s32 $0x30, s13  }
0x3ad: {  	[hbm4b:s17+s4] =	stream.linear.scatter [tilespmem:s16], [sflag:$0x8], $0x80, $0x38;
	[tilespmem:$0x19E00] =	vst v63  }
0x3ae: {  	s18 =	sadd.s32 $0x14C20, s10;
	s30 =	sadd.s32 $0x40, s13  }
0x3af: {  	[hbm4b:s30+s4] =	stream.linear.scatter [tilespmem:s18], [sflag:$0x8], $0x80, $0x38;
	[tilespmem:$0x19E00] =	vst v63  }
0x3b0: {  	s9 =	sadd.s32 $0x14CA8, s10;
	s15 =	sadd.s32 $0x50, s13  }
0x3b1: {  	[hbm4b:s15+s4] =	stream.linear.scatter [tilespmem:s9], [sflag:$0x8], $0x80, $0x38;
	[tilespmem:$0x19E00] =	vst v63  }
.Ltmp25:
0x3b2: {  	_ = 	snop;
	(pc) =	sbr.rel @p1 .LBB2_48-.Ltmp25, $4  }
0x3b3: {  	s16 =	sadd.s32 $0x14D30, s10;
	s17 =	sadd.s32 $0x60, s13  }
0x3b4: {  	[hbm4b:s17+s4] =	stream.linear.scatter [tilespmem:s16], [sflag:$0x8], $0x80, $0x38;
	[tilespmem:$0x19E00] =	vst v63  }
0x3b5: {  	s18 =	sadd.s32 $0x14DB8, s10;
	s30 =	sadd.s32 $0x70, s13  }
0x3b6: {  	[hbm4b:s30+s4] =	stream.linear.scatter [tilespmem:s18], [sflag:$0x8], $0x80, $0x38;
	[tilespmem:$0x19E00] =	vst v63  }
.Ltmp26:
0x3b7: {  	(pc) =	sbr.rel .LBB2_2-.Ltmp26, $4  }
0x3b8: {  	s6 =	sshll.u32 s1, $0x9  }
0x3b9: {  	s6 =	sand.u32 $0x3FFFFE00, s6  }
0x3ba: {  	s1 =	sadd.s32 $0x1, s1;
	s6 =	sadd.s32 $0x380, s6  }
0x3bb: {  	[tilespmem:s19], [sflag:$0x4] =	stream.indirect.gather [hbm4b:s5+s12], $0x40, s6, s12, $0xb8;
	[tilespmem:$0x19E00] =	vst v63  }
.LBB2_49:
0x3bc: {  	_ =	sfence.sel $0x180000  }
0x3bd: {  	[bflag:$0x0] =	sbarrier.arrive $0xFFFF  }
0x3be: {  	_ =	strace $0x90000047  }
0x3bf: {  	s0 =	stileid.u32;
	[bflag:$0x2] =	sbarrier.arrive $0xFFFF  }
0x3c0: {  	p0 =	sne.s32 s0, $0x0;
	s0 =	rddreg [dreg:$0x4]  }
0x3c1: {  	s0 =	sadd.s32 @!p0 $0x100000, s0  }
0x3c2: {  	[sflag:s0] =	ssyncadd.tile.s32 @!p0 $0x1;
	_ =	shalt  }
.Lfunc_end2:
_tile_overlayer_lowered:
.L_overlay_start_2:
0x3c3: {  	(tag) =	ssettag $0x2  }
0x3c4: {  	s0 =	rddreg [dreg:$0x0];
	s2 =	stileid.u32  }
0x3c5: {  	s1 =	rddreg [dreg:$0x1];
	p0 =	sne.s32 s2, $0x0  }
0x3c6: {  	s3 =	rddreg [dreg:$0x2];
	[bflag:$0x3] =	sbarrier.arrive $0xFFFF;
	s2 =	simm.s32 @!p0 $0x1C09  }
0x3c7: {  	[timem:s3], [sflag:s2] =	dma.local @!p0 [hbm:s0], s1  }
0x3c8: {  	s0 =	simm.s32 @!p0 $0x9  }
0x3c9: {  	_ =	swait.ge @!p0 [sflag:s0], s1  }
0x3ca: {  	s1 =	ssub.s32 @!p0 $0x0, s1;
	[sflag:s0] =	ssyncset.done @!p0 $0x0  }
0x3cb: {  	[sflag:s0] =	ssyncadd.s32 @!p0 s1  }
0x3cc: {  	[bflag:$0x3] =	sbarrier.arrive $0xFFFF  }
0x3cd: {  	_ =	shalt  }

</sc_bundles>
